<compile_context>
chip_gen: v7x
topology: tpu7x:2x2x1
jax: 0.10.2.dev20260603
libtpu: 0.0.44.dev20260713+nightly
codegen_flags: <defaults>
</compile_context>

<pallas_src>
import functools

import jax
import jax.numpy as jnp
from jax.experimental import pallas as pl
from jax.experimental.pallas import tpu as pltpu
from jax.experimental.pallas import tpu_sc as plsc

F32 = jnp.float32
PREC = jax.lax.Precision.DEFAULT


def _mm(a, b):
    return jax.lax.dot_general(a, b, (((1,), (0,)), ((), ())),
                               preferred_element_type=F32, precision=PREC)



_K1_DELTAS = [[(0, 0)], [(0, 0), (0, 1)], [(0, 0), (1, 0)],
              [(0, 0), (0, 1), (1, 0), (1, 1)]]


def _kenc_body(x_ref, w_ref, b_ref, w2_ref, b2_ref, o_ref):
    r = jax.lax.broadcasted_iota(jnp.int32, (3552, 1), 0)
    i = r // 59
    j = r - i * 59
    t = 0
    planes = []
    for p in range(4):
        a, b = p // 2, p % 2
        acc = None
        for ri, rj in _K1_DELTAS[p]:
            m = _mm(x_ref[0, pl.ds(ri * 59 + rj, 3552), :], w_ref[t])
            acc = m if acc is None else acc + m
            t += 1
        oh = 2 * i + a - 1
        ow = 2 * j + b - 1
        valid = ((oh >= 0) & (oh <= 112) & (ow >= 0) & (ow <= 112)
                 & (r < 3481))
        y = jnp.maximum(acc + b_ref[...], 0.0)
        planes.append(jnp.where(valid, y, 0.0))
    acc = None
    t = 0
    for di in range(3):
        for dj in range(3):
            ph = (di % 2) * 2 + (dj % 2)
            off = (di // 2) * 59 + (dj // 2)
            v = jax.lax.slice(planes[ph], (off, 0), (off + 3488, 192))
            m = _mm(v, w2_ref[t])
            acc = m if acc is None else acc + m
            t += 1
    o_ref[0] = acc + b2_ref[...]


def _enc(x, w1, b1, w2, b2):
    xb = jnp.pad(x.transpose(0, 2, 3, 1), ((0, 0), (3, 8), (3, 8), (0, 0)))
    Q4L = xb.reshape(16, 59, 4, 59, 4, 3).transpose(0, 1, 3, 2, 4, 5)
    Q4L = Q4L.reshape(16, 3481, 48)
    Q4L = jnp.pad(Q4L, ((0, 0), (0, 135), (0, 0)))

    blocks = []
    for p in range(4):
        a, b = p // 2, p % 2
        for ri, rj in _K1_DELTAS[p]:
            rows = []
            for u in range(4):
                for v in range(4):
                    di = u + 4 * ri - 2 * a
                    dj = v + 4 * rj - 2 * b
                    if 0 <= di <= 2 and 0 <= dj <= 2:
                        rows.append(w1[:, :, di, dj].T)
                    else:
                        rows.append(jnp.zeros((3, 192), F32))
            blocks.append(jnp.concatenate(rows, axis=0))
    W = jnp.stack(blocks, axis=0)
    b = b1.reshape(1, 192)
    W2 = w2.transpose(2, 3, 1, 0).reshape(9, 192, 64)
    bb2 = b2.reshape(1, 64)
    out = pl.pallas_call(
        _kenc_body,
        grid=(16,),
        in_specs=[pl.BlockSpec((1, 3616, 48), lambda n: (n, 0, 0)),
                  pl.BlockSpec((9, 48, 192), lambda n: (0, 0, 0)),
                  pl.BlockSpec((1, 192), lambda n: (0, 0)),
                  pl.BlockSpec((9, 192, 64), lambda n: (0, 0, 0)),
                  pl.BlockSpec((1, 64), lambda n: (0, 0))],
        out_specs=pl.BlockSpec((1, 3488, 64), lambda n: (n, 0, 0)),
        out_shape=jax.ShapeDtypeStruct((16, 3488, 64), F32),
    )(Q4L, W, b, W2, bb2)
    z59 = out[:, :3481].reshape(16, 59, 59, 64)[:, :57, :57, :]
    return z59




def _k3_body(x_ref, e_ref, q_ref, s_ref):
    x = x_ref[...]
    e = e_ref[...]
    e2 = jnp.sum(e * e, axis=1)
    x2 = jnp.sum(x * x, axis=1, keepdims=True)
    xe = jax.lax.dot_general(x, e, (((1,), (1,)), ((), ())),
                             preferred_element_type=F32, precision=PREC)
    d = x2 + e2[None, :] - 2.0 * xe
    idx = jnp.argmin(d, axis=1).astype(jnp.int32)
    row = pl.program_id(0) * 3264 + jax.lax.broadcasted_iota(jnp.int32, (3264, 1), 0)
    m = (row < 51984).astype(F32)
    dmin = jnp.min(d, axis=1, keepdims=True) * m
    q_ref[0, 0] = idx
    s_ref[0] = jnp.full((8, 128), jnp.sum(dmin), F32)


def _sc_gather(table, idx):
    t128 = jnp.pad(table, ((0, 0), (0, 64)))
    mesh = plsc.VectorSubcoreMesh(core_axis_name="c", subcore_axis_name="s")

    @functools.partial(
        pl.kernel, mesh=mesh,
        out_type=jax.ShapeDtypeStruct((52224, 128), F32),
        scratch_types=[pltpu.VMEM((1632,), jnp.int32),
                       pltpu.VMEM((192, 128), F32),
                       pltpu.VMEM_SHARED((512, 128), F32),
                       pltpu.SemaphoreType.DMA,
                       pltpu.SemaphoreType.DMA],
    )
    def k(table_hbm, idx_hbm, out_hbm, idx_v, rows_v, tshr, sem0, sem1):
        sems = [sem0, sem1]
        sid = jax.lax.axis_index("s")
        wid = sid * 2 + jax.lax.axis_index("c")
        base = wid * 1632

        @pl.when(sid == 0)
        def _stage():
            pltpu.sync_copy(table_hbm, tshr)

        pltpu.sync_copy(idx_hbm.at[pl.ds(base, 1632)], idx_v)
        plsc.subcore_barrier()
        cps = [None, None]
        cps[0] = pltpu.async_copy(tshr.at[idx_v.at[pl.ds(0, 96)]],
                                  rows_v.at[pl.ds(0, 96)], sems[0])
        for c in range(17):
            nx = c + 1
            if nx < 17:
                cps[nx % 2] = pltpu.async_copy(
                    tshr.at[idx_v.at[pl.ds(nx * 96, 96)]],
                    rows_v.at[pl.ds((nx % 2) * 96, 96)], sems[nx % 2])
            cps[c % 2].wait()
            pltpu.sync_copy(rows_v.at[pl.ds((c % 2) * 96, 96)],
                            out_hbm.at[pl.ds(base + c * 96, 96)])

    return k(t128, idx)


def _vq(flat_x, emb):
    xpad = jnp.pad(flat_x, ((0, 240), (0, 0)))
    idx, s = pl.pallas_call(
        _k3_body,
        grid=(16,),
        in_specs=[pl.BlockSpec((3264, 64), lambda i: (i, 0)),
                  pl.BlockSpec((512, 64), lambda i: (0, 0))],
        out_specs=[pl.BlockSpec((1, 1, 3264), lambda i: (i, 0, 0)),
                   pl.BlockSpec((1, 8, 128), lambda i: (i, 0, 0))],
        out_shape=[jax.ShapeDtypeStruct((16, 1, 3264), jnp.int32),
                   jax.ShapeDtypeStruct((16, 8, 128), F32)],
    )(xpad, emb)
    q = _sc_gather(emb, idx.reshape(52224))
    return q[:51984, :64], jnp.sum(s[:, 0, 0])



def _k45_body(q_ref, w4_ref, b4_ref, w5_ref, b5_ref, o_ref):
    b4 = b4_ref[...]

    def sl4(o):
        return q_ref[0, pl.ds(o, 3328), :]

    ee = jnp.maximum(_mm(sl4(0), w4_ref[0]) + b4, 0.0)
    eo = jnp.maximum(_mm(sl4(0), w4_ref[1]) + _mm(sl4(1), w4_ref[2]) + b4, 0.0)
    oe = jnp.maximum(_mm(sl4(0), w4_ref[3]) + _mm(sl4(57), w4_ref[4]) + b4, 0.0)
    oo = jnp.maximum(_mm(sl4(0), w4_ref[5]) + _mm(sl4(1), w4_ref[6])
                     + _mm(sl4(57), w4_ref[7]) + _mm(sl4(58), w4_ref[8]), 0.0)
    planes = [ee, eo, oe, oo]

    acc = None
    t = 0
    for pr, du in ((0, 0), (1, 0), (0, 1)):
        for pc, dv in ((0, 0), (1, 0), (0, 1)):
            pln = planes[pr * 2 + pc]
            off = du * 57 + dv
            v = jax.lax.slice(pln, (off, 0), (off + 3264, 192))
            m = _mm(v, w5_ref[t])
            acc = m if acc is None else acc + m
            t += 1
    o_ref[0] = jax.nn.sigmoid(acc + b5_ref[...])


def _dec(qn, w4, b4, w5, b5, x):
    Q = qn.reshape(16, 3249, 64)
    Q = jnp.pad(Q, ((0, 0), (0, 143), (0, 0)))
    taps4 = [w4[:, :, 1, 1],
             w4[:, :, 1, 2], w4[:, :, 1, 0],
             w4[:, :, 2, 1], w4[:, :, 0, 1],
             w4[:, :, 2, 2], w4[:, :, 2, 0], w4[:, :, 0, 2], w4[:, :, 0, 0]]
    W4 = jnp.stack(taps4, axis=0)
    bb4 = b4.reshape(1, 192)

    rterms = {(0, 0): [(0, 1), (1, 2)],
              (1, 0): [(1, 0), (2, 1), (3, 2)],
              (0, 1): [(3, 0)]}
    combos = []
    for pr, du in ((0, 0), (1, 0), (0, 1)):
        for pc, dv in ((0, 0), (1, 0), (0, 1)):
            blocks = []
            feed = {}
            for c, kh in rterms[(pr, du)]:
                for e, kw in rterms[(pc, dv)]:
                    feed[c * 4 + e] = (kh, kw)
            for blk in range(16):
                if blk in feed:
                    kh, kw = feed[blk]
                    blocks.append(jnp.pad(w5[:, :, kh, kw], ((0, 0), (0, 5))))
                else:
                    blocks.append(jnp.zeros((192, 8), F32))
            combos.append(jnp.concatenate(blocks, axis=1))
    W5 = jnp.stack(combos, axis=0)
    bb5 = jnp.tile(jnp.pad(b5, (0, 5)), 16).reshape(1, 128)

    rec = pl.pallas_call(
        _k45_body,
        grid=(16,),
        in_specs=[pl.BlockSpec((1, 3392, 64), lambda n: (n, 0, 0)),
                  pl.BlockSpec((9, 64, 192), lambda n: (0, 0, 0)),
                  pl.BlockSpec((1, 192), lambda n: (0, 0)),
                  pl.BlockSpec((9, 192, 128), lambda n: (0, 0, 0)),
                  pl.BlockSpec((1, 128), lambda n: (0, 0))],
        out_specs=pl.BlockSpec((1, 3264, 128), lambda n: (n, 0, 0)),
        out_shape=jax.ShapeDtypeStruct((16, 3264, 128), F32),
    )(Q, W4, bb4, W5, bb5)

    R = rec[:, :3249].reshape(16, 57, 57, 4, 4, 8)[..., :3]
    R = R.transpose(0, 1, 3, 2, 4, 5).reshape(16, 228, 228, 3)
    x_recon = R[:, :225, :225].transpose(0, 3, 1, 2)
    return x_recon



def kernel(x, enc_w1, enc_b1, enc_w2, enc_b2, embedding,
           dec_w1, dec_b1, dec_w2, dec_b2):
    z_nhwc = _enc(x, enc_w1, enc_b1, enc_w2, enc_b2)
    z_nchw = z_nhwc.transpose(0, 3, 1, 2)
    flat_x = z_nchw.reshape(-1, 64)
    qflat, vq_sum = _vq(flat_x, embedding)
    qn = qflat.reshape(16, 64, 57, 57).transpose(0, 2, 3, 1)
    x_recon = _dec(qn, dec_w1, dec_b1, dec_w2, dec_b2, x)
    recon_loss = jnp.mean(jnp.square(x_recon - x))
    vq_loss = 1.25 * vq_sum / 3326976.0
    return (x_recon, recon_loss + vq_loss)

# --- scband reference (transcript-rebuilt; emitter-appended) ---
"""Pipeline reference for scband-vqvae-65094524338950 (READ-ONLY COPY).

The authoritative reference and input builder live on the scoring server;
editing this copy changes nothing except your own understanding.
"""

import jax, jax.numpy as jnp
import numpy as np


def conv2d(x, w, b, stride):
    y = jax.lax.conv_general_dilated(x, w, window_strides=(stride, stride),
                                     padding=((1, 1), (1, 1)),
                                     dimension_numbers=('NCHW', 'OIHW', 'NCHW'))
    return y + b[None, :, None, None]


def conv_transpose2d(x, w, b):
    # w is PyTorch ConvTranspose2d layout (in, out, kh, kw); k=3, stride=2, pad=1
    w2 = jnp.flip(w, axis=(2, 3)).transpose(1, 0, 2, 3)  # -> OIHW
    y = jax.lax.conv_general_dilated(x, w2, window_strides=(1, 1),
                                     padding=((1, 1), (1, 1)),
                                     lhs_dilation=(2, 2),
                                     dimension_numbers=('NCHW', 'OIHW', 'NCHW'))
    return y + b[None, :, None, None]


def setup_inputs(seed: int = 0) -> dict:
    key = jax.random.key(seed)
    ks = jax.random.split(key, 10)
    x = jax.random.uniform(ks[0], (16, 3, 225, 225), dtype=jnp.float32)
    enc_w1 = jax.random.normal(ks[1], (192, 3, 3, 3), dtype=jnp.float32) * 0.05
    enc_b1 = jnp.zeros((192,), jnp.float32)
    enc_w2 = jax.random.normal(ks[2], (64, 192, 3, 3), dtype=jnp.float32) * 0.05
    enc_b2 = jnp.zeros((64,), jnp.float32)
    embedding = jax.random.uniform(ks[3], (512, 64), dtype=jnp.float32,
                                   minval=-1.0 / 512, maxval=1.0 / 512)
    dec_w1 = jax.random.normal(ks[4], (64, 192, 3, 3), dtype=jnp.float32) * 0.05  # (in,out,kh,kw)
    dec_b1 = jnp.zeros((192,), jnp.float32)
    dec_w2 = jax.random.normal(ks[5], (192, 3, 3, 3), dtype=jnp.float32) * 0.05   # (in,out,kh,kw)
    dec_b2 = jnp.zeros((3,), jnp.float32)
    return {'x': x, 'enc_w1': enc_w1, 'enc_b1': enc_b1, 'enc_w2': enc_w2,
            'enc_b2': enc_b2, 'embedding': embedding, 'dec_w1': dec_w1,
            'dec_b1': dec_b1, 'dec_w2': dec_w2, 'dec_b2': dec_b2}


def reference(x, enc_w1, enc_b1, enc_w2, enc_b2, embedding,
              dec_w1, dec_b1, dec_w2, dec_b2):
    commitment_cost = 0.25
    embedding_dim = embedding.shape[1]
    # Encoder
    h = jax.nn.relu(conv2d(x, enc_w1, enc_b1, 2))
    z_e = conv2d(h, enc_w2, enc_b2, 2)
    # VectorQuantizer (faithful to original, including raw .view(-1, D) on NCHW)
    flat_x = z_e.reshape(-1, embedding_dim)
    distances = (jnp.sum(flat_x ** 2, axis=1, keepdims=True)
                 + jnp.sum(embedding ** 2, axis=1)
                 - 2.0 * flat_x @ embedding.T)
    encoding_indices = jnp.argmin(distances, axis=1)
    quantized = jnp.take(embedding, encoding_indices, axis=0).reshape(z_e.shape)
    e_latent_loss = jnp.mean((jax.lax.stop_gradient(quantized) - z_e) ** 2)
    q_latent_loss = jnp.mean((quantized - jax.lax.stop_gradient(z_e)) ** 2)
    vq_loss = q_latent_loss + commitment_cost * e_latent_loss
    quantized = z_e + jax.lax.stop_gradient(quantized - z_e)
    # Decoder
    d = jax.nn.relu(conv_transpose2d(quantized, dec_w1, dec_b1))
    x_recon = jax.nn.sigmoid(conv_transpose2d(d, dec_w2, dec_b2))
    recon_loss = jnp.mean((x_recon - x) ** 2)
    loss = recon_loss + vq_loss
    return (x_recon, loss)

if __name__ == "__main__":
    import jax
    _d = setup_inputs()
    print(jax.jit(kernel)(*tuple(_d.values())))

</pallas_src>

<mosaic_0001>
#map = affine_map<(d0, d1) -> (0, 0)>
#map1 = affine_map<(d0, d1) -> (0)>
module attributes {stable_mosaic.version = 14 : i64} {
  func.func @k(%arg0: i32, %arg1: i32, %arg2: memref<512x128xf32, #tpu.memory_space<hbm>>, %arg3: memref<52224xi32, #tpu.memory_space<hbm>>, %arg4: memref<52224x128xf32, #tpu.memory_space<hbm>>, %arg5: memref<1632xi32, #tpu.memory_space<vmem>>, %arg6: memref<192x128xf32, #tpu.memory_space<vmem>>, %arg7: memref<512x128xf32, #tpu.memory_space<vmem_shared>>, %arg8: memref<!tpu.dma_semaphore, #tpu.memory_space<semaphore_mem>>, %arg9: memref<!tpu.dma_semaphore, #tpu.memory_space<semaphore_mem>>) attributes {dimension_semantics = [#tpu.dimension_semantics<core_parallel>, #tpu.dimension_semantics<subcore_parallel>], iteration_bounds = array<i64: 2, 16>, scalar_prefetch = 0 : i64, scratch_operands = 5 : i64, tpu.core_type = #tpu.core_type<sc_vector_subcore>, window_params = [{transform_indices = #map}, {transform_indices = #map1}, {transform_indices = #map}]} {
    %mul3A = arith.constant 2 : i32
    %mul3A_0 = arith.muli %arg1, %mul3A : i32
    %add3A = arith.addi %mul3A_0, %arg0 : i32
    %mul3A_1 = arith.constant 1632 : i32
    %mul3A_2 = arith.muli %add3A, %mul3A_1 : i32
    %eq3A = arith.constant 0 : i32
    %eq3A_3 = arith.cmpi eq, %arg1, %eq3A : i32
    %convert_element_type3A = arith.extui %eq3A_3 : i1 to i32
    %cond3A = arith.constant 0 : i32
    %cond3A_4 = arith.cmpi ne, %convert_element_type3A, %cond3A : i32
    scf.if %cond3A_4 {
      "tpu.region"() ({
        %run_scoped3A = tpu.sem_alloc : memref<!tpu.dma_semaphore, #tpu.memory_space<semaphore_mem>>
        tpu.enqueue_dma source(%arg2 : memref<512x128xf32, #tpu.memory_space<hbm>>) target(%arg7 : memref<512x128xf32, #tpu.memory_space<vmem_shared>>) target_semaphore(%run_scoped3A : memref<!tpu.dma_semaphore, #tpu.memory_space<semaphore_mem>>)
        tpu.wait_dma2 semaphore(%run_scoped3A : memref<!tpu.dma_semaphore, #tpu.memory_space<semaphore_mem>>) src(%arg2 : memref<512x128xf32, #tpu.memory_space<hbm>>) dst(%arg7 : memref<512x128xf32, #tpu.memory_space<vmem_shared>>)
        tpu.yield
      }) : () -> ()
    } else {
    }
    "tpu.region"() ({
      %run_scoped3A = tpu.sem_alloc : memref<!tpu.dma_semaphore, #tpu.memory_space<semaphore_mem>>
      %dma_start3A_309 = tpu.memref_slice %arg3[%mul3A_2] : memref<52224xi32, #tpu.memory_space<hbm>> -> memref<1632xi32, #tpu.memory_space<hbm>>
      %dma_start3A_310 = tpu.memref_slice %arg3[%mul3A_2] : memref<52224xi32, #tpu.memory_space<hbm>> -> memref<1632xi32, #tpu.memory_space<hbm>>
      tpu.enqueue_dma source(%dma_start3A_310 : memref<1632xi32, #tpu.memory_space<hbm>>) target(%arg5 : memref<1632xi32, #tpu.memory_space<vmem>>) target_semaphore(%run_scoped3A : memref<!tpu.dma_semaphore, #tpu.memory_space<semaphore_mem>>)
      %dma_wait3A_311 = tpu.memref_slice %arg3[%mul3A_2] : memref<52224xi32, #tpu.memory_space<hbm>> -> memref<1632xi32, #tpu.memory_space<hbm>>
      %dma_wait3A_312 = tpu.memref_slice %arg3[%mul3A_2] : memref<52224xi32, #tpu.memory_space<hbm>> -> memref<1632xi32, #tpu.memory_space<hbm>>
      tpu.wait_dma2 semaphore(%run_scoped3A : memref<!tpu.dma_semaphore, #tpu.memory_space<semaphore_mem>>) src(%dma_wait3A_312 : memref<1632xi32, #tpu.memory_space<hbm>>) dst(%arg5 : memref<1632xi32, #tpu.memory_space<vmem>>)
      tpu.yield
    }) : () -> ()
    %barrier3A = arith.constant 0 : index
    tpu.barrier barrier_id(%barrier3A)
    %dma_start3A = arith.constant 0 : i32
    %dma_start3A_5 = arith.constant 0 : i32
    %dma_start3A_6 = tpu.memref_slice %arg6[%dma_start3A, %dma_start3A_5] : memref<192x128xf32, #tpu.memory_space<vmem>> -> memref<96x128xf32, #tpu.memory_space<vmem>>
    %dma_start3A_7 = arith.constant 0 : i32
    %dma_start3A_8 = tpu.memref_slice %arg5[%dma_start3A_7] : memref<1632xi32, #tpu.memory_space<vmem>> -> memref<96xi32, #tpu.memory_space<vmem>>
    %dma_start3A_9 = arith.constant 0 : i32
    %dma_start3A_10 = arith.constant 0 : i32
    %dma_start3A_11 = tpu.memref_slice %arg7[%dma_start3A_9, %dma_start3A_10] : memref<512x128xf32, #tpu.memory_space<vmem_shared>> -> memref<512x128xf32, #tpu.memory_space<vmem_shared>>
    tpu.enqueue_indirect_dma source(%dma_start3A_11 : memref<512x128xf32, #tpu.memory_space<vmem_shared>>) target(%dma_start3A_6 : memref<96x128xf32, #tpu.memory_space<vmem>>) offsets(%dma_start3A_8 : memref<96xi32, #tpu.memory_space<vmem>>) semaphore(%arg8 : memref<!tpu.dma_semaphore, #tpu.memory_space<semaphore_mem>>)
    %dma_start3A_12 = arith.constant 96 : i32
    %dma_start3A_13 = arith.constant 0 : i32
    %dma_start3A_14 = tpu.memref_slice %arg6[%dma_start3A_12, %dma_start3A_13] : memref<192x128xf32, #tpu.memory_space<vmem>> -> memref<96x128xf32, #tpu.memory_space<vmem>>
    %dma_start3A_15 = arith.constant 96 : i32
    %dma_start3A_16 = tpu.memref_slice %arg5[%dma_start3A_15] : memref<1632xi32, #tpu.memory_space<vmem>> -> memref<96xi32, #tpu.memory_space<vmem>>
    %dma_start3A_17 = arith.constant 0 : i32
    %dma_start3A_18 = arith.constant 0 : i32
    %dma_start3A_19 = tpu.memref_slice %arg7[%dma_start3A_17, %dma_start3A_18] : memref<512x128xf32, #tpu.memory_space<vmem_shared>> -> memref<512x128xf32, #tpu.memory_space<vmem_shared>>
    tpu.enqueue_indirect_dma source(%dma_start3A_19 : memref<512x128xf32, #tpu.memory_space<vmem_shared>>) target(%dma_start3A_14 : memref<96x128xf32, #tpu.memory_space<vmem>>) offsets(%dma_start3A_16 : memref<96xi32, #tpu.memory_space<vmem>>) semaphore(%arg9 : memref<!tpu.dma_semaphore, #tpu.memory_space<semaphore_mem>>)
    %dma_wait3A = arith.constant 0 : i32
    %dma_wait3A_20 = arith.constant 0 : i32
    %dma_wait3A_21 = tpu.memref_slice %arg6[%dma_wait3A, %dma_wait3A_20] : memref<192x128xf32, #tpu.memory_space<vmem>> -> memref<96x128xf32, #tpu.memory_space<vmem>>
    %dma_wait3A_22 = arith.constant 0 : i32
    %dma_wait3A_23 = tpu.memref_slice %arg5[%dma_wait3A_22] : memref<1632xi32, #tpu.memory_space<vmem>> -> memref<96xi32, #tpu.memory_space<vmem>>
    %dma_wait3A_24 = arith.constant 0 : i32
    %dma_wait3A_25 = arith.constant 0 : i32
    %dma_wait3A_26 = tpu.memref_slice %arg7[%dma_wait3A_24, %dma_wait3A_25] : memref<512x128xf32, #tpu.memory_space<vmem_shared>> -> memref<512x128xf32, #tpu.memory_space<vmem_shared>>
    tpu.wait_indirect_dma semaphore(%arg8 : memref<!tpu.dma_semaphore, #tpu.memory_space<semaphore_mem>>) src(%dma_wait3A_26 : memref<512x128xf32, #tpu.memory_space<vmem_shared>>) dst(%dma_wait3A_21 : memref<96x128xf32, #tpu.memory_space<vmem>>)
    %add3A_27 = arith.constant 0 : i32
    %add3A_28 = arith.addi %mul3A_2, %add3A_27 : i32
    "tpu.region"() ({
      %run_scoped3A = tpu.sem_alloc : memref<!tpu.dma_semaphore, #tpu.memory_space<semaphore_mem>>
      %dma_start3A_309 = arith.constant 0 : i32
      %dma_start3A_310 = arith.constant 0 : i32
      %dma_start3A_311 = tpu.memref_slice %arg6[%dma_start3A_309, %dma_start3A_310] : memref<192x128xf32, #tpu.memory_space<vmem>> -> memref<96x128xf32, #tpu.memory_space<vmem>>
      %dma_start3A_312 = arith.constant 0 : i32
      %dma_start3A_313 = tpu.memref_slice %arg4[%add3A_28, %dma_start3A_312] : memref<52224x128xf32, #tpu.memory_space<hbm>> -> memref<96x128xf32, #tpu.memory_space<hbm>>
      %dma_start3A_314 = arith.constant 0 : i32
      %dma_start3A_315 = tpu.memref_slice %arg4[%add3A_28, %dma_start3A_314] : memref<52224x128xf32, #tpu.memory_space<hbm>> -> memref<96x128xf32, #tpu.memory_space<hbm>>
      %dma_start3A_316 = arith.constant 0 : i32
      %dma_start3A_317 = arith.constant 0 : i32
      %dma_start3A_318 = tpu.memref_slice %arg6[%dma_start3A_316, %dma_start3A_317] : memref<192x128xf32, #tpu.memory_space<vmem>> -> memref<96x128xf32, #tpu.memory_space<vmem>>
      tpu.enqueue_dma source(%dma_start3A_318 : memref<96x128xf32, #tpu.memory_space<vmem>>) target(%dma_start3A_315 : memref<96x128xf32, #tpu.memory_space<hbm>>) target_semaphore(%run_scoped3A : memref<!tpu.dma_semaphore, #tpu.memory_space<semaphore_mem>>)
      %dma_wait3A_319 = arith.constant 0 : i32
      %dma_wait3A_320 = arith.constant 0 : i32
      %dma_wait3A_321 = tpu.memref_slice %arg6[%dma_wait3A_319, %dma_wait3A_320] : memref<192x128xf32, #tpu.memory_space<vmem>> -> memref<96x128xf32, #tpu.memory_space<vmem>>
      %dma_wait3A_322 = arith.constant 0 : i32
      %dma_wait3A_323 = tpu.memref_slice %arg4[%add3A_28, %dma_wait3A_322] : memref<52224x128xf32, #tpu.memory_space<hbm>> -> memref<96x128xf32, #tpu.memory_space<hbm>>
      %dma_wait3A_324 = arith.constant 0 : i32
      %dma_wait3A_325 = tpu.memref_slice %arg4[%add3A_28, %dma_wait3A_324] : memref<52224x128xf32, #tpu.memory_space<hbm>> -> memref<96x128xf32, #tpu.memory_space<hbm>>
      %dma_wait3A_326 = arith.constant 0 : i32
      %dma_wait3A_327 = arith.constant 0 : i32
      %dma_wait3A_328 = tpu.memref_slice %arg6[%dma_wait3A_326, %dma_wait3A_327] : memref<192x128xf32, #tpu.memory_space<vmem>> -> memref<96x128xf32, #tpu.memory_space<vmem>>
      tpu.wait_dma2 semaphore(%run_scoped3A : memref<!tpu.dma_semaphore, #tpu.memory_space<semaphore_mem>>) src(%dma_wait3A_328 : memref<96x128xf32, #tpu.memory_space<vmem>>) dst(%dma_wait3A_325 : memref<96x128xf32, #tpu.memory_space<hbm>>)
      tpu.yield
    }) : () -> ()
    %dma_start3A_29 = arith.constant 0 : i32
    %dma_start3A_30 = arith.constant 0 : i32
    %dma_start3A_31 = tpu.memref_slice %arg6[%dma_start3A_29, %dma_start3A_30] : memref<192x128xf32, #tpu.memory_space<vmem>> -> memref<96x128xf32, #tpu.memory_space<vmem>>
    %dma_start3A_32 = arith.constant 192 : i32
    %dma_start3A_33 = tpu.memref_slice %arg5[%dma_start3A_32] : memref<1632xi32, #tpu.memory_space<vmem>> -> memref<96xi32, #tpu.memory_space<vmem>>
    %dma_start3A_34 = arith.constant 0 : i32
    %dma_start3A_35 = arith.constant 0 : i32
    %dma_start3A_36 = tpu.memref_slice %arg7[%dma_start3A_34, %dma_start3A_35] : memref<512x128xf32, #tpu.memory_space<vmem_shared>> -> memref<512x128xf32, #tpu.memory_space<vmem_shared>>
    tpu.enqueue_indirect_dma source(%dma_start3A_36 : memref<512x128xf32, #tpu.memory_space<vmem_shared>>) target(%dma_start3A_31 : memref<96x128xf32, #tpu.memory_space<vmem>>) offsets(%dma_start3A_33 : memref<96xi32, #tpu.memory_space<vmem>>) semaphore(%arg8 : memref<!tpu.dma_semaphore, #tpu.memory_space<semaphore_mem>>)
    %dma_wait3A_37 = arith.constant 96 : i32
    %dma_wait3A_38 = arith.constant 0 : i32
    %dma_wait3A_39 = tpu.memref_slice %arg6[%dma_wait3A_37, %dma_wait3A_38] : memref<192x128xf32, #tpu.memory_space<vmem>> -> memref<96x128xf32, #tpu.memory_space<vmem>>
    %dma_wait3A_40 = arith.constant 96 : i32
    %dma_wait3A_41 = tpu.memref_slice %arg5[%dma_wait3A_40] : memref<1632xi32, #tpu.memory_space<vmem>> -> memref<96xi32, #tpu.memory_space<vmem>>
    %dma_wait3A_42 = arith.constant 0 : i32
    %dma_wait3A_43 = arith.constant 0 : i32
    %dma_wait3A_44 = tpu.memref_slice %arg7[%dma_wait3A_42, %dma_wait3A_43] : memref<512x128xf32, #tpu.memory_space<vmem_shared>> -> memref<512x128xf32, #tpu.memory_space<vmem_shared>>
    tpu.wait_indirect_dma semaphore(%arg9 : memref<!tpu.dma_semaphore, #tpu.memory_space<semaphore_mem>>) src(%dma_wait3A_44 : memref<512x128xf32, #tpu.memory_space<vmem_shared>>) dst(%dma_wait3A_39 : memref<96x128xf32, #tpu.memory_space<vmem>>)
    %add3A_45 = arith.constant 96 : i32
    %add3A_46 = arith.addi %mul3A_2, %add3A_45 : i32
    "tpu.region"() ({
      %run_scoped3A = tpu.sem_alloc : memref<!tpu.dma_semaphore, #tpu.memory_space<semaphore_mem>>
      %dma_start3A_309 = arith.constant 96 : i32
      %dma_start3A_310 = arith.constant 0 : i32
      %dma_start3A_311 = tpu.memref_slice %arg6[%dma_start3A_309, %dma_start3A_310] : memref<192x128xf32, #tpu.memory_space<vmem>> -> memref<96x128xf32, #tpu.memory_space<vmem>>
      %dma_start3A_312 = arith.constant 0 : i32
      %dma_start3A_313 = tpu.memref_slice %arg4[%add3A_46, %dma_start3A_312] : memref<52224x128xf32, #tpu.memory_space<hbm>> -> memref<96x128xf32, #tpu.memory_space<hbm>>
      %dma_start3A_314 = arith.constant 0 : i32
      %dma_start3A_315 = tpu.memref_slice %arg4[%add3A_46, %dma_start3A_314] : memref<52224x128xf32, #tpu.memory_space<hbm>> -> memref<96x128xf32, #tpu.memory_space<hbm>>
      %dma_start3A_316 = arith.constant 96 : i32
      %dma_start3A_317 = arith.constant 0 : i32
      %dma_start3A_318 = tpu.memref_slice %arg6[%dma_start3A_316, %dma_start3A_317] : memref<192x128xf32, #tpu.memory_space<vmem>> -> memref<96x128xf32, #tpu.memory_space<vmem>>
      tpu.enqueue_dma source(%dma_start3A_318 : memref<96x128xf32, #tpu.memory_space<vmem>>) target(%dma_start3A_315 : memref<96x128xf32, #tpu.memory_space<hbm>>) target_semaphore(%run_scoped3A : memref<!tpu.dma_semaphore, #tpu.memory_space<semaphore_mem>>)
      %dma_wait3A_319 = arith.constant 96 : i32
      %dma_wait3A_320 = arith.constant 0 : i32
      %dma_wait3A_321 = tpu.memref_slice %arg6[%dma_wait3A_319, %dma_wait3A_320] : memref<192x128xf32, #tpu.memory_space<vmem>> -> memref<96x128xf32, #tpu.memory_space<vmem>>
      %dma_wait3A_322 = arith.constant 0 : i32
      %dma_wait3A_323 = tpu.memref_slice %arg4[%add3A_46, %dma_wait3A_322] : memref<52224x128xf32, #tpu.memory_space<hbm>> -> memref<96x128xf32, #tpu.memory_space<hbm>>
      %dma_wait3A_324 = arith.constant 0 : i32
      %dma_wait3A_325 = tpu.memref_slice %arg4[%add3A_46, %dma_wait3A_324] : memref<52224x128xf32, #tpu.memory_space<hbm>> -> memref<96x128xf32, #tpu.memory_space<hbm>>
      %dma_wait3A_326 = arith.constant 96 : i32
      %dma_wait3A_327 = arith.constant 0 : i32
      %dma_wait3A_328 = tpu.memref_slice %arg6[%dma_wait3A_326, %dma_wait3A_327] : memref<192x128xf32, #tpu.memory_space<vmem>> -> memref<96x128xf32, #tpu.memory_space<vmem>>
      tpu.wait_dma2 semaphore(%run_scoped3A : memref<!tpu.dma_semaphore, #tpu.memory_space<semaphore_mem>>) src(%dma_wait3A_328 : memref<96x128xf32, #tpu.memory_space<vmem>>) dst(%dma_wait3A_325 : memref<96x128xf32, #tpu.memory_space<hbm>>)
      tpu.yield
    }) : () -> ()
    %dma_start3A_47 = arith.constant 96 : i32
    %dma_start3A_48 = arith.constant 0 : i32
    %dma_start3A_49 = tpu.memref_slice %arg6[%dma_start3A_47, %dma_start3A_48] : memref<192x128xf32, #tpu.memory_space<vmem>> -> memref<96x128xf32, #tpu.memory_space<vmem>>
    %dma_start3A_50 = arith.constant 288 : i32
    %dma_start3A_51 = tpu.memref_slice %arg5[%dma_start3A_50] : memref<1632xi32, #tpu.memory_space<vmem>> -> memref<96xi32, #tpu.memory_space<vmem>>
    %dma_start3A_52 = arith.constant 0 : i32
    %dma_start3A_53 = arith.constant 0 : i32
    %dma_start3A_54 = tpu.memref_slice %arg7[%dma_start3A_52, %dma_start3A_53] : memref<512x128xf32, #tpu.memory_space<vmem_shared>> -> memref<512x128xf32, #tpu.memory_space<vmem_shared>>
    tpu.enqueue_indirect_dma source(%dma_start3A_54 : memref<512x128xf32, #tpu.memory_space<vmem_shared>>) target(%dma_start3A_49 : memref<96x128xf32, #tpu.memory_space<vmem>>) offsets(%dma_start3A_51 : memref<96xi32, #tpu.memory_space<vmem>>) semaphore(%arg9 : memref<!tpu.dma_semaphore, #tpu.memory_space<semaphore_mem>>)
    %dma_wait3A_55 = arith.constant 0 : i32
    %dma_wait3A_56 = arith.constant 0 : i32
    %dma_wait3A_57 = tpu.memref_slice %arg6[%dma_wait3A_55, %dma_wait3A_56] : memref<192x128xf32, #tpu.memory_space<vmem>> -> memref<96x128xf32, #tpu.memory_space<vmem>>
    %dma_wait3A_58 = arith.constant 192 : i32
    %dma_wait3A_59 = tpu.memref_slice %arg5[%dma_wait3A_58] : memref<1632xi32, #tpu.memory_space<vmem>> -> memref<96xi32, #tpu.memory_space<vmem>>
    %dma_wait3A_60 = arith.constant 0 : i32
    %dma_wait3A_61 = arith.constant 0 : i32
    %dma_wait3A_62 = tpu.memref_slice %arg7[%dma_wait3A_60, %dma_wait3A_61] : memref<512x128xf32, #tpu.memory_space<vmem_shared>> -> memref<512x128xf32, #tpu.memory_space<vmem_shared>>
    tpu.wait_indirect_dma semaphore(%arg8 : memref<!tpu.dma_semaphore, #tpu.memory_space<semaphore_mem>>) src(%dma_wait3A_62 : memref<512x128xf32, #tpu.memory_space<vmem_shared>>) dst(%dma_wait3A_57 : memref<96x128xf32, #tpu.memory_space<vmem>>)
    %add3A_63 = arith.constant 192 : i32
    %add3A_64 = arith.addi %mul3A_2, %add3A_63 : i32
    "tpu.region"() ({
      %run_scoped3A = tpu.sem_alloc : memref<!tpu.dma_semaphore, #tpu.memory_space<semaphore_mem>>
      %dma_start3A_309 = arith.constant 0 : i32
      %dma_start3A_310 = arith.constant 0 : i32
      %dma_start3A_311 = tpu.memref_slice %arg6[%dma_start3A_309, %dma_start3A_310] : memref<192x128xf32, #tpu.memory_space<vmem>> -> memref<96x128xf32, #tpu.memory_space<vmem>>
      %dma_start3A_312 = arith.constant 0 : i32
      %dma_start3A_313 = tpu.memref_slice %arg4[%add3A_64, %dma_start3A_312] : memref<52224x128xf32, #tpu.memory_space<hbm>> -> memref<96x128xf32, #tpu.memory_space<hbm>>
      %dma_start3A_314 = arith.constant 0 : i32
      %dma_start3A_315 = tpu.memref_slice %arg4[%add3A_64, %dma_start3A_314] : memref<52224x128xf32, #tpu.memory_space<hbm>> -> memref<96x128xf32, #tpu.memory_space<hbm>>
      %dma_start3A_316 = arith.constant 0 : i32
      %dma_start3A_317 = arith.constant 0 : i32
      %dma_start3A_318 = tpu.memref_slice %arg6[%dma_start3A_316, %dma_start3A_317] : memref<192x128xf32, #tpu.memory_space<vmem>> -> memref<96x128xf32, #tpu.memory_space<vmem>>
      tpu.enqueue_dma source(%dma_start3A_318 : memref<96x128xf32, #tpu.memory_space<vmem>>) target(%dma_start3A_315 : memref<96x128xf32, #tpu.memory_space<hbm>>) target_semaphore(%run_scoped3A : memref<!tpu.dma_semaphore, #tpu.memory_space<semaphore_mem>>)
      %dma_wait3A_319 = arith.constant 0 : i32
      %dma_wait3A_320 = arith.constant 0 : i32
      %dma_wait3A_321 = tpu.memref_slice %arg6[%dma_wait3A_319, %dma_wait3A_320] : memref<192x128xf32, #tpu.memory_space<vmem>> -> memref<96x128xf32, #tpu.memory_space<vmem>>
      %dma_wait3A_322 = arith.constant 0 : i32
      %dma_wait3A_323 = tpu.memref_slice %arg4[%add3A_64, %dma_wait3A_322] : memref<52224x128xf32, #tpu.memory_space<hbm>> -> memref<96x128xf32, #tpu.memory_space<hbm>>
      %dma_wait3A_324 = arith.constant 0 : i32
      %dma_wait3A_325 = tpu.memref_slice %arg4[%add3A_64, %dma_wait3A_324] : memref<52224x128xf32, #tpu.memory_space<hbm>> -> memref<96x128xf32, #tpu.memory_space<hbm>>
      %dma_wait3A_326 = arith.constant 0 : i32
      %dma_wait3A_327 = arith.constant 0 : i32
      %dma_wait3A_328 = tpu.memref_slice %arg6[%dma_wait3A_326, %dma_wait3A_327] : memref<192x128xf32, #tpu.memory_space<vmem>> -> memref<96x128xf32, #tpu.memory_space<vmem>>
      tpu.wait_dma2 semaphore(%run_scoped3A : memref<!tpu.dma_semaphore, #tpu.memory_space<semaphore_mem>>) src(%dma_wait3A_328 : memref<96x128xf32, #tpu.memory_space<vmem>>) dst(%dma_wait3A_325 : memref<96x128xf32, #tpu.memory_space<hbm>>)
      tpu.yield
    }) : () -> ()
    %dma_start3A_65 = arith.constant 0 : i32
    %dma_start3A_66 = arith.constant 0 : i32
    %dma_start3A_67 = tpu.memref_slice %arg6[%dma_start3A_65, %dma_start3A_66] : memref<192x128xf32, #tpu.memory_space<vmem>> -> memref<96x128xf32, #tpu.memory_space<vmem>>
    %dma_start3A_68 = arith.constant 384 : i32
    %dma_start3A_69 = tpu.memref_slice %arg5[%dma_start3A_68] : memref<1632xi32, #tpu.memory_space<vmem>> -> memref<96xi32, #tpu.memory_space<vmem>>
    %dma_start3A_70 = arith.constant 0 : i32
    %dma_start3A_71 = arith.constant 0 : i32
    %dma_start3A_72 = tpu.memref_slice %arg7[%dma_start3A_70, %dma_start3A_71] : memref<512x128xf32, #tpu.memory_space<vmem_shared>> -> memref<512x128xf32, #tpu.memory_space<vmem_shared>>
    tpu.enqueue_indirect_dma source(%dma_start3A_72 : memref<512x128xf32, #tpu.memory_space<vmem_shared>>) target(%dma_start3A_67 : memref<96x128xf32, #tpu.memory_space<vmem>>) offsets(%dma_start3A_69 : memref<96xi32, #tpu.memory_space<vmem>>) semaphore(%arg8 : memref<!tpu.dma_semaphore, #tpu.memory_space<semaphore_mem>>)
    %dma_wait3A_73 = arith.constant 96 : i32
    %dma_wait3A_74 = arith.constant 0 : i32
    %dma_wait3A_75 = tpu.memref_slice %arg6[%dma_wait3A_73, %dma_wait3A_74] : memref<192x128xf32, #tpu.memory_space<vmem>> -> memref<96x128xf32, #tpu.memory_space<vmem>>
    %dma_wait3A_76 = arith.constant 288 : i32
    %dma_wait3A_77 = tpu.memref_slice %arg5[%dma_wait3A_76] : memref<1632xi32, #tpu.memory_space<vmem>> -> memref<96xi32, #tpu.memory_space<vmem>>
    %dma_wait3A_78 = arith.constant 0 : i32
    %dma_wait3A_79 = arith.constant 0 : i32
    %dma_wait3A_80 = tpu.memref_slice %arg7[%dma_wait3A_78, %dma_wait3A_79] : memref<512x128xf32, #tpu.memory_space<vmem_shared>> -> memref<512x128xf32, #tpu.memory_space<vmem_shared>>
    tpu.wait_indirect_dma semaphore(%arg9 : memref<!tpu.dma_semaphore, #tpu.memory_space<semaphore_mem>>) src(%dma_wait3A_80 : memref<512x128xf32, #tpu.memory_space<vmem_shared>>) dst(%dma_wait3A_75 : memref<96x128xf32, #tpu.memory_space<vmem>>)
    %add3A_81 = arith.constant 288 : i32
    %add3A_82 = arith.addi %mul3A_2, %add3A_81 : i32
    "tpu.region"() ({
      %run_scoped3A = tpu.sem_alloc : memref<!tpu.dma_semaphore, #tpu.memory_space<semaphore_mem>>
      %dma_start3A_309 = arith.constant 96 : i32
      %dma_start3A_310 = arith.constant 0 : i32
      %dma_start3A_311 = tpu.memref_slice %arg6[%dma_start3A_309, %dma_start3A_310] : memref<192x128xf32, #tpu.memory_space<vmem>> -> memref<96x128xf32, #tpu.memory_space<vmem>>
      %dma_start3A_312 = arith.constant 0 : i32
      %dma_start3A_313 = tpu.memref_slice %arg4[%add3A_82, %dma_start3A_312] : memref<52224x128xf32, #tpu.memory_space<hbm>> -> memref<96x128xf32, #tpu.memory_space<hbm>>
      %dma_start3A_314 = arith.constant 0 : i32
      %dma_start3A_315 = tpu.memref_slice %arg4[%add3A_82, %dma_start3A_314] : memref<52224x128xf32, #tpu.memory_space<hbm>> -> memref<96x128xf32, #tpu.memory_space<hbm>>
      %dma_start3A_316 = arith.constant 96 : i32
      %dma_start3A_317 = arith.constant 0 : i32
      %dma_start3A_318 = tpu.memref_slice %arg6[%dma_start3A_316, %dma_start3A_317] : memref<192x128xf32, #tpu.memory_space<vmem>> -> memref<96x128xf32, #tpu.memory_space<vmem>>
      tpu.enqueue_dma source(%dma_start3A_318 : memref<96x128xf32, #tpu.memory_space<vmem>>) target(%dma_start3A_315 : memref<96x128xf32, #tpu.memory_space<hbm>>) target_semaphore(%run_scoped3A : memref<!tpu.dma_semaphore, #tpu.memory_space<semaphore_mem>>)
      %dma_wait3A_319 = arith.constant 96 : i32
      %dma_wait3A_320 = arith.constant 0 : i32
      %dma_wait3A_321 = tpu.memref_slice %arg6[%dma_wait3A_319, %dma_wait3A_320] : memref<192x128xf32, #tpu.memory_space<vmem>> -> memref<96x128xf32, #tpu.memory_space<vmem>>
      %dma_wait3A_322 = arith.constant 0 : i32
      %dma_wait3A_323 = tpu.memref_slice %arg4[%add3A_82, %dma_wait3A_322] : memref<52224x128xf32, #tpu.memory_space<hbm>> -> memref<96x128xf32, #tpu.memory_space<hbm>>
      %dma_wait3A_324 = arith.constant 0 : i32
      %dma_wait3A_325 = tpu.memref_slice %arg4[%add3A_82, %dma_wait3A_324] : memref<52224x128xf32, #tpu.memory_space<hbm>> -> memref<96x128xf32, #tpu.memory_space<hbm>>
      %dma_wait3A_326 = arith.constant 96 : i32
      %dma_wait3A_327 = arith.constant 0 : i32
      %dma_wait3A_328 = tpu.memref_slice %arg6[%dma_wait3A_326, %dma_wait3A_327] : memref<192x128xf32, #tpu.memory_space<vmem>> -> memref<96x128xf32, #tpu.memory_space<vmem>>
      tpu.wait_dma2 semaphore(%run_scoped3A : memref<!tpu.dma_semaphore, #tpu.memory_space<semaphore_mem>>) src(%dma_wait3A_328 : memref<96x128xf32, #tpu.memory_space<vmem>>) dst(%dma_wait3A_325 : memref<96x128xf32, #tpu.memory_space<hbm>>)
      tpu.yield
    }) : () -> ()
    %dma_start3A_83 = arith.constant 96 : i32
    %dma_start3A_84 = arith.constant 0 : i32
    %dma_start3A_85 = tpu.memref_slice %arg6[%dma_start3A_83, %dma_start3A_84] : memref<192x128xf32, #tpu.memory_space<vmem>> -> memref<96x128xf32, #tpu.memory_space<vmem>>
    %dma_start3A_86 = arith.constant 480 : i32
    %dma_start3A_87 = tpu.memref_slice %arg5[%dma_start3A_86] : memref<1632xi32, #tpu.memory_space<vmem>> -> memref<96xi32, #tpu.memory_space<vmem>>
    %dma_start3A_88 = arith.constant 0 : i32
    %dma_start3A_89 = arith.constant 0 : i32
    %dma_start3A_90 = tpu.memref_slice %arg7[%dma_start3A_88, %dma_start3A_89] : memref<512x128xf32, #tpu.memory_space<vmem_shared>> -> memref<512x128xf32, #tpu.memory_space<vmem_shared>>
    tpu.enqueue_indirect_dma source(%dma_start3A_90 : memref<512x128xf32, #tpu.memory_space<vmem_shared>>) target(%dma_start3A_85 : memref<96x128xf32, #tpu.memory_space<vmem>>) offsets(%dma_start3A_87 : memref<96xi32, #tpu.memory_space<vmem>>) semaphore(%arg9 : memref<!tpu.dma_semaphore, #tpu.memory_space<semaphore_mem>>)
    %dma_wait3A_91 = arith.constant 0 : i32
    %dma_wait3A_92 = arith.constant 0 : i32
    %dma_wait3A_93 = tpu.memref_slice %arg6[%dma_wait3A_91, %dma_wait3A_92] : memref<192x128xf32, #tpu.memory_space<vmem>> -> memref<96x128xf32, #tpu.memory_space<vmem>>
    %dma_wait3A_94 = arith.constant 384 : i32
    %dma_wait3A_95 = tpu.memref_slice %arg5[%dma_wait3A_94] : memref<1632xi32, #tpu.memory_space<vmem>> -> memref<96xi32, #tpu.memory_space<vmem>>
    %dma_wait3A_96 = arith.constant 0 : i32
    %dma_wait3A_97 = arith.constant 0 : i32
    %dma_wait3A_98 = tpu.memref_slice %arg7[%dma_wait3A_96, %dma_wait3A_97] : memref<512x128xf32, #tpu.memory_space<vmem_shared>> -> memref<512x128xf32, #tpu.memory_space<vmem_shared>>
    tpu.wait_indirect_dma semaphore(%arg8 : memref<!tpu.dma_semaphore, #tpu.memory_space<semaphore_mem>>) src(%dma_wait3A_98 : memref<512x128xf32, #tpu.memory_space<vmem_shared>>) dst(%dma_wait3A_93 : memref<96x128xf32, #tpu.memory_space<vmem>>)
    %add3A_99 = arith.constant 384 : i32
    %add3A_100 = arith.addi %mul3A_2, %add3A_99 : i32
    "tpu.region"() ({
      %run_scoped3A = tpu.sem_alloc : memref<!tpu.dma_semaphore, #tpu.memory_space<semaphore_mem>>
      %dma_start3A_309 = arith.constant 0 : i32
      %dma_start3A_310 = arith.constant 0 : i32
      %dma_start3A_311 = tpu.memref_slice %arg6[%dma_start3A_309, %dma_start3A_310] : memref<192x128xf32, #tpu.memory_space<vmem>> -> memref<96x128xf32, #tpu.memory_space<vmem>>
      %dma_start3A_312 = arith.constant 0 : i32
      %dma_start3A_313 = tpu.memref_slice %arg4[%add3A_100, %dma_start3A_312] : memref<52224x128xf32, #tpu.memory_space<hbm>> -> memref<96x128xf32, #tpu.memory_space<hbm>>
      %dma_start3A_314 = arith.constant 0 : i32
      %dma_start3A_315 = tpu.memref_slice %arg4[%add3A_100, %dma_start3A_314] : memref<52224x128xf32, #tpu.memory_space<hbm>> -> memref<96x128xf32, #tpu.memory_space<hbm>>
      %dma_start3A_316 = arith.constant 0 : i32
      %dma_start3A_317 = arith.constant 0 : i32
      %dma_start3A_318 = tpu.memref_slice %arg6[%dma_start3A_316, %dma_start3A_317] : memref<192x128xf32, #tpu.memory_space<vmem>> -> memref<96x128xf32, #tpu.memory_space<vmem>>
      tpu.enqueue_dma source(%dma_start3A_318 : memref<96x128xf32, #tpu.memory_space<vmem>>) target(%dma_start3A_315 : memref<96x128xf32, #tpu.memory_space<hbm>>) target_semaphore(%run_scoped3A : memref<!tpu.dma_semaphore, #tpu.memory_space<semaphore_mem>>)
      %dma_wait3A_319 = arith.constant 0 : i32
      %dma_wait3A_320 = arith.constant 0 : i32
      %dma_wait3A_321 = tpu.memref_slice %arg6[%dma_wait3A_319, %dma_wait3A_320] : memref<192x128xf32, #tpu.memory_space<vmem>> -> memref<96x128xf32, #tpu.memory_space<vmem>>
      %dma_wait3A_322 = arith.constant 0 : i32
      %dma_wait3A_323 = tpu.memref_slice %arg4[%add3A_100, %dma_wait3A_322] : memref<52224x128xf32, #tpu.memory_space<hbm>> -> memref<96x128xf32, #tpu.memory_space<hbm>>
      %dma_wait3A_324 = arith.constant 0 : i32
      %dma_wait3A_325 = tpu.memref_slice %arg4[%add3A_100, %dma_wait3A_324] : memref<52224x128xf32, #tpu.memory_space<hbm>> -> memref<96x128xf32, #tpu.memory_space<hbm>>
      %dma_wait3A_326 = arith.constant 0 : i32
      %dma_wait3A_327 = arith.constant 0 : i32
      %dma_wait3A_328 = tpu.memref_slice %arg6[%dma_wait3A_326, %dma_wait3A_327] : memref<192x128xf32, #tpu.memory_space<vmem>> -> memref<96x128xf32, #tpu.memory_space<vmem>>
      tpu.wait_dma2 semaphore(%run_scoped3A : memref<!tpu.dma_semaphore, #tpu.memory_space<semaphore_mem>>) src(%dma_wait3A_328 : memref<96x128xf32, #tpu.memory_space<vmem>>) dst(%dma_wait3A_325 : memref<96x128xf32, #tpu.memory_space<hbm>>)
      tpu.yield
    }) : () -> ()
    %dma_start3A_101 = arith.constant 0 : i32
    %dma_start3A_102 = arith.constant 0 : i32
    %dma_start3A_103 = tpu.memref_slice %arg6[%dma_start3A_101, %dma_start3A_102] : memref<192x128xf32, #tpu.memory_space<vmem>> -> memref<96x128xf32, #tpu.memory_space<vmem>>
    %dma_start3A_104 = arith.constant 576 : i32
    %dma_start3A_105 = tpu.memref_slice %arg5[%dma_start3A_104] : memref<1632xi32, #tpu.memory_space<vmem>> -> memref<96xi32, #tpu.memory_space<vmem>>
    %dma_start3A_106 = arith.constant 0 : i32
    %dma_start3A_107 = arith.constant 0 : i32
    %dma_start3A_108 = tpu.memref_slice %arg7[%dma_start3A_106, %dma_start3A_107] : memref<512x128xf32, #tpu.memory_space<vmem_shared>> -> memref<512x128xf32, #tpu.memory_space<vmem_shared>>
    tpu.enqueue_indirect_dma source(%dma_start3A_108 : memref<512x128xf32, #tpu.memory_space<vmem_shared>>) target(%dma_start3A_103 : memref<96x128xf32, #tpu.memory_space<vmem>>) offsets(%dma_start3A_105 : memref<96xi32, #tpu.memory_space<vmem>>) semaphore(%arg8 : memref<!tpu.dma_semaphore, #tpu.memory_space<semaphore_mem>>)
    %dma_wait3A_109 = arith.constant 96 : i32
    %dma_wait3A_110 = arith.constant 0 : i32
    %dma_wait3A_111 = tpu.memref_slice %arg6[%dma_wait3A_109, %dma_wait3A_110] : memref<192x128xf32, #tpu.memory_space<vmem>> -> memref<96x128xf32, #tpu.memory_space<vmem>>
    %dma_wait3A_112 = arith.constant 480 : i32
    %dma_wait3A_113 = tpu.memref_slice %arg5[%dma_wait3A_112] : memref<1632xi32, #tpu.memory_space<vmem>> -> memref<96xi32, #tpu.memory_space<vmem>>
    %dma_wait3A_114 = arith.constant 0 : i32
    %dma_wait3A_115 = arith.constant 0 : i32
    %dma_wait3A_116 = tpu.memref_slice %arg7[%dma_wait3A_114, %dma_wait3A_115] : memref<512x128xf32, #tpu.memory_space<vmem_shared>> -> memref<512x128xf32, #tpu.memory_space<vmem_shared>>
    tpu.wait_indirect_dma semaphore(%arg9 : memref<!tpu.dma_semaphore, #tpu.memory_space<semaphore_mem>>) src(%dma_wait3A_116 : memref<512x128xf32, #tpu.memory_space<vmem_shared>>) dst(%dma_wait3A_111 : memref<96x128xf32, #tpu.memory_space<vmem>>)
    %add3A_117 = arith.constant 480 : i32
    %add3A_118 = arith.addi %mul3A_2, %add3A_117 : i32
    "tpu.region"() ({
      %run_scoped3A = tpu.sem_alloc : memref<!tpu.dma_semaphore, #tpu.memory_space<semaphore_mem>>
      %dma_start3A_309 = arith.constant 96 : i32
      %dma_start3A_310 = arith.constant 0 : i32
      %dma_start3A_311 = tpu.memref_slice %arg6[%dma_start3A_309, %dma_start3A_310] : memref<192x128xf32, #tpu.memory_space<vmem>> -> memref<96x128xf32, #tpu.memory_space<vmem>>
      %dma_start3A_312 = arith.constant 0 : i32
      %dma_start3A_313 = tpu.memref_slice %arg4[%add3A_118, %dma_start3A_312] : memref<52224x128xf32, #tpu.memory_space<hbm>> -> memref<96x128xf32, #tpu.memory_space<hbm>>
      %dma_start3A_314 = arith.constant 0 : i32
      %dma_start3A_315 = tpu.memref_slice %arg4[%add3A_118, %dma_start3A_314] : memref<52224x128xf32, #tpu.memory_space<hbm>> -> memref<96x128xf32, #tpu.memory_space<hbm>>
      %dma_start3A_316 = arith.constant 96 : i32
      %dma_start3A_317 = arith.constant 0 : i32
      %dma_start3A_318 = tpu.memref_slice %arg6[%dma_start3A_316, %dma_start3A_317] : memref<192x128xf32, #tpu.memory_space<vmem>> -> memref<96x128xf32, #tpu.memory_space<vmem>>
      tpu.enqueue_dma source(%dma_start3A_318 : memref<96x128xf32, #tpu.memory_space<vmem>>) target(%dma_start3A_315 : memref<96x128xf32, #tpu.memory_space<hbm>>) target_semaphore(%run_scoped3A : memref<!tpu.dma_semaphore, #tpu.memory_space<semaphore_mem>>)
      %dma_wait3A_319 = arith.constant 96 : i32
      %dma_wait3A_320 = arith.constant 0 : i32
      %dma_wait3A_321 = tpu.memref_slice %arg6[%dma_wait3A_319, %dma_wait3A_320] : memref<192x128xf32, #tpu.memory_space<vmem>> -> memref<96x128xf32, #tpu.memory_space<vmem>>
      %dma_wait3A_322 = arith.constant 0 : i32
      %dma_wait3A_323 = tpu.memref_slice %arg4[%add3A_118, %dma_wait3A_322] : memref<52224x128xf32, #tpu.memory_space<hbm>> -> memref<96x128xf32, #tpu.memory_space<hbm>>
      %dma_wait3A_324 = arith.constant 0 : i32
      %dma_wait3A_325 = tpu.memref_slice %arg4[%add3A_118, %dma_wait3A_324] : memref<52224x128xf32, #tpu.memory_space<hbm>> -> memref<96x128xf32, #tpu.memory_space<hbm>>
      %dma_wait3A_326 = arith.constant 96 : i32
      %dma_wait3A_327 = arith.constant 0 : i32
      %dma_wait3A_328 = tpu.memref_slice %arg6[%dma_wait3A_326, %dma_wait3A_327] : memref<192x128xf32, #tpu.memory_space<vmem>> -> memref<96x128xf32, #tpu.memory_space<vmem>>
      tpu.wait_dma2 semaphore(%run_scoped3A : memref<!tpu.dma_semaphore, #tpu.memory_space<semaphore_mem>>) src(%dma_wait3A_328 : memref<96x128xf32, #tpu.memory_space<vmem>>) dst(%dma_wait3A_325 : memref<96x128xf32, #tpu.memory_space<hbm>>)
      tpu.yield
    }) : () -> ()
    %dma_start3A_119 = arith.constant 96 : i32
    %dma_start3A_120 = arith.constant 0 : i32
    %dma_start3A_121 = tpu.memref_slice %arg6[%dma_start3A_119, %dma_start3A_120] : memref<192x128xf32, #tpu.memory_space<vmem>> -> memref<96x128xf32, #tpu.memory_space<vmem>>
    %dma_start3A_122 = arith.constant 672 : i32
    %dma_start3A_123 = tpu.memref_slice %arg5[%dma_start3A_122] : memref<1632xi32, #tpu.memory_space<vmem>> -> memref<96xi32, #tpu.memory_space<vmem>>
    %dma_start3A_124 = arith.constant 0 : i32
    %dma_start3A_125 = arith.constant 0 : i32
    %dma_start3A_126 = tpu.memref_slice %arg7[%dma_start3A_124, %dma_start3A_125] : memref<512x128xf32, #tpu.memory_space<vmem_shared>> -> memref<512x128xf32, #tpu.memory_space<vmem_shared>>
    tpu.enqueue_indirect_dma source(%dma_start3A_126 : memref<512x128xf32, #tpu.memory_space<vmem_shared>>) target(%dma_start3A_121 : memref<96x128xf32, #tpu.memory_space<vmem>>) offsets(%dma_start3A_123 : memref<96xi32, #tpu.memory_space<vmem>>) semaphore(%arg9 : memref<!tpu.dma_semaphore, #tpu.memory_space<semaphore_mem>>)
    %dma_wait3A_127 = arith.constant 0 : i32
    %dma_wait3A_128 = arith.constant 0 : i32
    %dma_wait3A_129 = tpu.memref_slice %arg6[%dma_wait3A_127, %dma_wait3A_128] : memref<192x128xf32, #tpu.memory_space<vmem>> -> memref<96x128xf32, #tpu.memory_space<vmem>>
    %dma_wait3A_130 = arith.constant 576 : i32
    %dma_wait3A_131 = tpu.memref_slice %arg5[%dma_wait3A_130] : memref<1632xi32, #tpu.memory_space<vmem>> -> memref<96xi32, #tpu.memory_space<vmem>>
    %dma_wait3A_132 = arith.constant 0 : i32
    %dma_wait3A_133 = arith.constant 0 : i32
    %dma_wait3A_134 = tpu.memref_slice %arg7[%dma_wait3A_132, %dma_wait3A_133] : memref<512x128xf32, #tpu.memory_space<vmem_shared>> -> memref<512x128xf32, #tpu.memory_space<vmem_shared>>
    tpu.wait_indirect_dma semaphore(%arg8 : memref<!tpu.dma_semaphore, #tpu.memory_space<semaphore_mem>>) src(%dma_wait3A_134 : memref<512x128xf32, #tpu.memory_space<vmem_shared>>) dst(%dma_wait3A_129 : memref<96x128xf32, #tpu.memory_space<vmem>>)
    %add3A_135 = arith.constant 576 : i32
    %add3A_136 = arith.addi %mul3A_2, %add3A_135 : i32
    "tpu.region"() ({
      %run_scoped3A = tpu.sem_alloc : memref<!tpu.dma_semaphore, #tpu.memory_space<semaphore_mem>>
      %dma_start3A_309 = arith.constant 0 : i32
      %dma_start3A_310 = arith.constant 0 : i32
      %dma_start3A_311 = tpu.memref_slice %arg6[%dma_start3A_309, %dma_start3A_310] : memref<192x128xf32, #tpu.memory_space<vmem>> -> memref<96x128xf32, #tpu.memory_space<vmem>>
      %dma_start3A_312 = arith.constant 0 : i32
      %dma_start3A_313 = tpu.memref_slice %arg4[%add3A_136, %dma_start3A_312] : memref<52224x128xf32, #tpu.memory_space<hbm>> -> memref<96x128xf32, #tpu.memory_space<hbm>>
      %dma_start3A_314 = arith.constant 0 : i32
      %dma_start3A_315 = tpu.memref_slice %arg4[%add3A_136, %dma_start3A_314] : memref<52224x128xf32, #tpu.memory_space<hbm>> -> memref<96x128xf32, #tpu.memory_space<hbm>>
      %dma_start3A_316 = arith.constant 0 : i32
      %dma_start3A_317 = arith.constant 0 : i32
      %dma_start3A_318 = tpu.memref_slice %arg6[%dma_start3A_316, %dma_start3A_317] : memref<192x128xf32, #tpu.memory_space<vmem>> -> memref<96x128xf32, #tpu.memory_space<vmem>>
      tpu.enqueue_dma source(%dma_start3A_318 : memref<96x128xf32, #tpu.memory_space<vmem>>) target(%dma_start3A_315 : memref<96x128xf32, #tpu.memory_space<hbm>>) target_semaphore(%run_scoped3A : memref<!tpu.dma_semaphore, #tpu.memory_space<semaphore_mem>>)
      %dma_wait3A_319 = arith.constant 0 : i32
      %dma_wait3A_320 = arith.constant 0 : i32
      %dma_wait3A_321 = tpu.memref_slice %arg6[%dma_wait3A_319, %dma_wait3A_320] : memref<192x128xf32, #tpu.memory_space<vmem>> -> memref<96x128xf32, #tpu.memory_space<vmem>>
      %dma_wait3A_322 = arith.constant 0 : i32
      %dma_wait3A_323 = tpu.memref_slice %arg4[%add3A_136, %dma_wait3A_322] : memref<52224x128xf32, #tpu.memory_space<hbm>> -> memref<96x128xf32, #tpu.memory_space<hbm>>
      %dma_wait3A_324 = arith.constant 0 : i32
      %dma_wait3A_325 = tpu.memref_slice %arg4[%add3A_136, %dma_wait3A_324] : memref<52224x128xf32, #tpu.memory_space<hbm>> -> memref<96x128xf32, #tpu.memory_space<hbm>>
      %dma_wait3A_326 = arith.constant 0 : i32
      %dma_wait3A_327 = arith.constant 0 : i32
      %dma_wait3A_328 = tpu.memref_slice %arg6[%dma_wait3A_326, %dma_wait3A_327] : memref<192x128xf32, #tpu.memory_space<vmem>> -> memref<96x128xf32, #tpu.memory_space<vmem>>
      tpu.wait_dma2 semaphore(%run_scoped3A : memref<!tpu.dma_semaphore, #tpu.memory_space<semaphore_mem>>) src(%dma_wait3A_328 : memref<96x128xf32, #tpu.memory_space<vmem>>) dst(%dma_wait3A_325 : memref<96x128xf32, #tpu.memory_space<hbm>>)
      tpu.yield
    }) : () -> ()
    %dma_start3A_137 = arith.constant 0 : i32
    %dma_start3A_138 = arith.constant 0 : i32
    %dma_start3A_139 = tpu.memref_slice %arg6[%dma_start3A_137, %dma_start3A_138] : memref<192x128xf32, #tpu.memory_space<vmem>> -> memref<96x128xf32, #tpu.memory_space<vmem>>
    %dma_start3A_140 = arith.constant 768 : i32
    %dma_start3A_141 = tpu.memref_slice %arg5[%dma_start3A_140] : memref<1632xi32, #tpu.memory_space<vmem>> -> memref<96xi32, #tpu.memory_space<vmem>>
    %dma_start3A_142 = arith.constant 0 : i32
    %dma_start3A_143 = arith.constant 0 : i32
    %dma_start3A_144 = tpu.memref_slice %arg7[%dma_start3A_142, %dma_start3A_143] : memref<512x128xf32, #tpu.memory_space<vmem_shared>> -> memref<512x128xf32, #tpu.memory_space<vmem_shared>>
    tpu.enqueue_indirect_dma source(%dma_start3A_144 : memref<512x128xf32, #tpu.memory_space<vmem_shared>>) target(%dma_start3A_139 : memref<96x128xf32, #tpu.memory_space<vmem>>) offsets(%dma_start3A_141 : memref<96xi32, #tpu.memory_space<vmem>>) semaphore(%arg8 : memref<!tpu.dma_semaphore, #tpu.memory_space<semaphore_mem>>)
    %dma_wait3A_145 = arith.constant 96 : i32
    %dma_wait3A_146 = arith.constant 0 : i32
    %dma_wait3A_147 = tpu.memref_slice %arg6[%dma_wait3A_145, %dma_wait3A_146] : memref<192x128xf32, #tpu.memory_space<vmem>> -> memref<96x128xf32, #tpu.memory_space<vmem>>
    %dma_wait3A_148 = arith.constant 672 : i32
    %dma_wait3A_149 = tpu.memref_slice %arg5[%dma_wait3A_148] : memref<1632xi32, #tpu.memory_space<vmem>> -> memref<96xi32, #tpu.memory_space<vmem>>
    %dma_wait3A_150 = arith.constant 0 : i32
    %dma_wait3A_151 = arith.constant 0 : i32
    %dma_wait3A_152 = tpu.memref_slice %arg7[%dma_wait3A_150, %dma_wait3A_151] : memref<512x128xf32, #tpu.memory_space<vmem_shared>> -> memref<512x128xf32, #tpu.memory_space<vmem_shared>>
    tpu.wait_indirect_dma semaphore(%arg9 : memref<!tpu.dma_semaphore, #tpu.memory_space<semaphore_mem>>) src(%dma_wait3A_152 : memref<512x128xf32, #tpu.memory_space<vmem_shared>>) dst(%dma_wait3A_147 : memref<96x128xf32, #tpu.memory_space<vmem>>)
    %add3A_153 = arith.constant 672 : i32
    %add3A_154 = arith.addi %mul3A_2, %add3A_153 : i32
    "tpu.region"() ({
      %run_scoped3A = tpu.sem_alloc : memref<!tpu.dma_semaphore, #tpu.memory_space<semaphore_mem>>
      %dma_start3A_309 = arith.constant 96 : i32
      %dma_start3A_310 = arith.constant 0 : i32
      %dma_start3A_311 = tpu.memref_slice %arg6[%dma_start3A_309, %dma_start3A_310] : memref<192x128xf32, #tpu.memory_space<vmem>> -> memref<96x128xf32, #tpu.memory_space<vmem>>
      %dma_start3A_312 = arith.constant 0 : i32
      %dma_start3A_313 = tpu.memref_slice %arg4[%add3A_154, %dma_start3A_312] : memref<52224x128xf32, #tpu.memory_space<hbm>> -> memref<96x128xf32, #tpu.memory_space<hbm>>
      %dma_start3A_314 = arith.constant 0 : i32
      %dma_start3A_315 = tpu.memref_slice %arg4[%add3A_154, %dma_start3A_314] : memref<52224x128xf32, #tpu.memory_space<hbm>> -> memref<96x128xf32, #tpu.memory_space<hbm>>
      %dma_start3A_316 = arith.constant 96 : i32
      %dma_start3A_317 = arith.constant 0 : i32
      %dma_start3A_318 = tpu.memref_slice %arg6[%dma_start3A_316, %dma_start3A_317] : memref<192x128xf32, #tpu.memory_space<vmem>> -> memref<96x128xf32, #tpu.memory_space<vmem>>
      tpu.enqueue_dma source(%dma_start3A_318 : memref<96x128xf32, #tpu.memory_space<vmem>>) target(%dma_start3A_315 : memref<96x128xf32, #tpu.memory_space<hbm>>) target_semaphore(%run_scoped3A : memref<!tpu.dma_semaphore, #tpu.memory_space<semaphore_mem>>)
      %dma_wait3A_319 = arith.constant 96 : i32
      %dma_wait3A_320 = arith.constant 0 : i32
      %dma_wait3A_321 = tpu.memref_slice %arg6[%dma_wait3A_319, %dma_wait3A_320] : memref<192x128xf32, #tpu.memory_space<vmem>> -> memref<96x128xf32, #tpu.memory_space<vmem>>
      %dma_wait3A_322 = arith.constant 0 : i32
      %dma_wait3A_323 = tpu.memref_slice %arg4[%add3A_154, %dma_wait3A_322] : memref<52224x128xf32, #tpu.memory_space<hbm>> -> memref<96x128xf32, #tpu.memory_space<hbm>>
      %dma_wait3A_324 = arith.constant 0 : i32
      %dma_wait3A_325 = tpu.memref_slice %arg4[%add3A_154, %dma_wait3A_324] : memref<52224x128xf32, #tpu.memory_space<hbm>> -> memref<96x128xf32, #tpu.memory_space<hbm>>
      %dma_wait3A_326 = arith.constant 96 : i32
      %dma_wait3A_327 = arith.constant 0 : i32
      %dma_wait3A_328 = tpu.memref_slice %arg6[%dma_wait3A_326, %dma_wait3A_327] : memref<192x128xf32, #tpu.memory_space<vmem>> -> memref<96x128xf32, #tpu.memory_space<vmem>>
      tpu.wait_dma2 semaphore(%run_scoped3A : memref<!tpu.dma_semaphore, #tpu.memory_space<semaphore_mem>>) src(%dma_wait3A_328 : memref<96x128xf32, #tpu.memory_space<vmem>>) dst(%dma_wait3A_325 : memref<96x128xf32, #tpu.memory_space<hbm>>)
      tpu.yield
    }) : () -> ()
    %dma_start3A_155 = arith.constant 96 : i32
    %dma_start3A_156 = arith.constant 0 : i32
    %dma_start3A_157 = tpu.memref_slice %arg6[%dma_start3A_155, %dma_start3A_156] : memref<192x128xf32, #tpu.memory_space<vmem>> -> memref<96x128xf32, #tpu.memory_space<vmem>>
    %dma_start3A_158 = arith.constant 864 : i32
    %dma_start3A_159 = tpu.memref_slice %arg5[%dma_start3A_158] : memref<1632xi32, #tpu.memory_space<vmem>> -> memref<96xi32, #tpu.memory_space<vmem>>
    %dma_start3A_160 = arith.constant 0 : i32
    %dma_start3A_161 = arith.constant 0 : i32
    %dma_start3A_162 = tpu.memref_slice %arg7[%dma_start3A_160, %dma_start3A_161] : memref<512x128xf32, #tpu.memory_space<vmem_shared>> -> memref<512x128xf32, #tpu.memory_space<vmem_shared>>
    tpu.enqueue_indirect_dma source(%dma_start3A_162 : memref<512x128xf32, #tpu.memory_space<vmem_shared>>) target(%dma_start3A_157 : memref<96x128xf32, #tpu.memory_space<vmem>>) offsets(%dma_start3A_159 : memref<96xi32, #tpu.memory_space<vmem>>) semaphore(%arg9 : memref<!tpu.dma_semaphore, #tpu.memory_space<semaphore_mem>>)
    %dma_wait3A_163 = arith.constant 0 : i32
    %dma_wait3A_164 = arith.constant 0 : i32
    %dma_wait3A_165 = tpu.memref_slice %arg6[%dma_wait3A_163, %dma_wait3A_164] : memref<192x128xf32, #tpu.memory_space<vmem>> -> memref<96x128xf32, #tpu.memory_space<vmem>>
    %dma_wait3A_166 = arith.constant 768 : i32
    %dma_wait3A_167 = tpu.memref_slice %arg5[%dma_wait3A_166] : memref<1632xi32, #tpu.memory_space<vmem>> -> memref<96xi32, #tpu.memory_space<vmem>>
    %dma_wait3A_168 = arith.constant 0 : i32
    %dma_wait3A_169 = arith.constant 0 : i32
    %dma_wait3A_170 = tpu.memref_slice %arg7[%dma_wait3A_168, %dma_wait3A_169] : memref<512x128xf32, #tpu.memory_space<vmem_shared>> -> memref<512x128xf32, #tpu.memory_space<vmem_shared>>
    tpu.wait_indirect_dma semaphore(%arg8 : memref<!tpu.dma_semaphore, #tpu.memory_space<semaphore_mem>>) src(%dma_wait3A_170 : memref<512x128xf32, #tpu.memory_space<vmem_shared>>) dst(%dma_wait3A_165 : memref<96x128xf32, #tpu.memory_space<vmem>>)
    %add3A_171 = arith.constant 768 : i32
    %add3A_172 = arith.addi %mul3A_2, %add3A_171 : i32
    "tpu.region"() ({
      %run_scoped3A = tpu.sem_alloc : memref<!tpu.dma_semaphore, #tpu.memory_space<semaphore_mem>>
      %dma_start3A_309 = arith.constant 0 : i32
      %dma_start3A_310 = arith.constant 0 : i32
      %dma_start3A_311 = tpu.memref_slice %arg6[%dma_start3A_309, %dma_start3A_310] : memref<192x128xf32, #tpu.memory_space<vmem>> -> memref<96x128xf32, #tpu.memory_space<vmem>>
      %dma_start3A_312 = arith.constant 0 : i32
      %dma_start3A_313 = tpu.memref_slice %arg4[%add3A_172, %dma_start3A_312] : memref<52224x128xf32, #tpu.memory_space<hbm>> -> memref<96x128xf32, #tpu.memory_space<hbm>>
      %dma_start3A_314 = arith.constant 0 : i32
      %dma_start3A_315 = tpu.memref_slice %arg4[%add3A_172, %dma_start3A_314] : memref<52224x128xf32, #tpu.memory_space<hbm>> -> memref<96x128xf32, #tpu.memory_space<hbm>>
      %dma_start3A_316 = arith.constant 0 : i32
      %dma_start3A_317 = arith.constant 0 : i32
      %dma_start3A_318 = tpu.memref_slice %arg6[%dma_start3A_316, %dma_start3A_317] : memref<192x128xf32, #tpu.memory_space<vmem>> -> memref<96x128xf32, #tpu.memory_space<vmem>>
      tpu.enqueue_dma source(%dma_start3A_318 : memref<96x128xf32, #tpu.memory_space<vmem>>) target(%dma_start3A_315 : memref<96x128xf32, #tpu.memory_space<hbm>>) target_semaphore(%run_scoped3A : memref<!tpu.dma_semaphore, #tpu.memory_space<semaphore_mem>>)
      %dma_wait3A_319 = arith.constant 0 : i32
      %dma_wait3A_320 = arith.constant 0 : i32
      %dma_wait3A_321 = tpu.memref_slice %arg6[%dma_wait3A_319, %dma_wait3A_320] : memref<192x128xf32, #tpu.memory_space<vmem>> -> memref<96x128xf32, #tpu.memory_space<vmem>>
      %dma_wait3A_322 = arith.constant 0 : i32
      %dma_wait3A_323 = tpu.memref_slice %arg4[%add3A_172, %dma_wait3A_322] : memref<52224x128xf32, #tpu.memory_space<hbm>> -> memref<96x128xf32, #tpu.memory_space<hbm>>
      %dma_wait3A_324 = arith.constant 0 : i32
      %dma_wait3A_325 = tpu.memref_slice %arg4[%add3A_172, %dma_wait3A_324] : memref<52224x128xf32, #tpu.memory_space<hbm>> -> memref<96x128xf32, #tpu.memory_space<hbm>>
      %dma_wait3A_326 = arith.constant 0 : i32
      %dma_wait3A_327 = arith.constant 0 : i32
      %dma_wait3A_328 = tpu.memref_slice %arg6[%dma_wait3A_326, %dma_wait3A_327] : memref<192x128xf32, #tpu.memory_space<vmem>> -> memref<96x128xf32, #tpu.memory_space<vmem>>
      tpu.wait_dma2 semaphore(%run_scoped3A : memref<!tpu.dma_semaphore, #tpu.memory_space<semaphore_mem>>) src(%dma_wait3A_328 : memref<96x128xf32, #tpu.memory_space<vmem>>) dst(%dma_wait3A_325 : memref<96x128xf32, #tpu.memory_space<hbm>>)
      tpu.yield
    }) : () -> ()
    %dma_start3A_173 = arith.constant 0 : i32
    %dma_start3A_174 = arith.constant 0 : i32
    %dma_start3A_175 = tpu.memref_slice %arg6[%dma_start3A_173, %dma_start3A_174] : memref<192x128xf32, #tpu.memory_space<vmem>> -> memref<96x128xf32, #tpu.memory_space<vmem>>
    %dma_start3A_176 = arith.constant 960 : i32
    %dma_start3A_177 = tpu.memref_slice %arg5[%dma_start3A_176] : memref<1632xi32, #tpu.memory_space<vmem>> -> memref<96xi32, #tpu.memory_space<vmem>>
    %dma_start3A_178 = arith.constant 0 : i32
    %dma_start3A_179 = arith.constant 0 : i32
    %dma_start3A_180 = tpu.memref_slice %arg7[%dma_start3A_178, %dma_start3A_179] : memref<512x128xf32, #tpu.memory_space<vmem_shared>> -> memref<512x128xf32, #tpu.memory_space<vmem_shared>>
    tpu.enqueue_indirect_dma source(%dma_start3A_180 : memref<512x128xf32, #tpu.memory_space<vmem_shared>>) target(%dma_start3A_175 : memref<96x128xf32, #tpu.memory_space<vmem>>) offsets(%dma_start3A_177 : memref<96xi32, #tpu.memory_space<vmem>>) semaphore(%arg8 : memref<!tpu.dma_semaphore, #tpu.memory_space<semaphore_mem>>)
    %dma_wait3A_181 = arith.constant 96 : i32
    %dma_wait3A_182 = arith.constant 0 : i32
    %dma_wait3A_183 = tpu.memref_slice %arg6[%dma_wait3A_181, %dma_wait3A_182] : memref<192x128xf32, #tpu.memory_space<vmem>> -> memref<96x128xf32, #tpu.memory_space<vmem>>
    %dma_wait3A_184 = arith.constant 864 : i32
    %dma_wait3A_185 = tpu.memref_slice %arg5[%dma_wait3A_184] : memref<1632xi32, #tpu.memory_space<vmem>> -> memref<96xi32, #tpu.memory_space<vmem>>
    %dma_wait3A_186 = arith.constant 0 : i32
    %dma_wait3A_187 = arith.constant 0 : i32
    %dma_wait3A_188 = tpu.memref_slice %arg7[%dma_wait3A_186, %dma_wait3A_187] : memref<512x128xf32, #tpu.memory_space<vmem_shared>> -> memref<512x128xf32, #tpu.memory_space<vmem_shared>>
    tpu.wait_indirect_dma semaphore(%arg9 : memref<!tpu.dma_semaphore, #tpu.memory_space<semaphore_mem>>) src(%dma_wait3A_188 : memref<512x128xf32, #tpu.memory_space<vmem_shared>>) dst(%dma_wait3A_183 : memref<96x128xf32, #tpu.memory_space<vmem>>)
    %add3A_189 = arith.constant 864 : i32
    %add3A_190 = arith.addi %mul3A_2, %add3A_189 : i32
    "tpu.region"() ({
      %run_scoped3A = tpu.sem_alloc : memref<!tpu.dma_semaphore, #tpu.memory_space<semaphore_mem>>
      %dma_start3A_309 = arith.constant 96 : i32
      %dma_start3A_310 = arith.constant 0 : i32
      %dma_start3A_311 = tpu.memref_slice %arg6[%dma_start3A_309, %dma_start3A_310] : memref<192x128xf32, #tpu.memory_space<vmem>> -> memref<96x128xf32, #tpu.memory_space<vmem>>
      %dma_start3A_312 = arith.constant 0 : i32
      %dma_start3A_313 = tpu.memref_slice %arg4[%add3A_190, %dma_start3A_312] : memref<52224x128xf32, #tpu.memory_space<hbm>> -> memref<96x128xf32, #tpu.memory_space<hbm>>
      %dma_start3A_314 = arith.constant 0 : i32
      %dma_start3A_315 = tpu.memref_slice %arg4[%add3A_190, %dma_start3A_314] : memref<52224x128xf32, #tpu.memory_space<hbm>> -> memref<96x128xf32, #tpu.memory_space<hbm>>
      %dma_start3A_316 = arith.constant 96 : i32
      %dma_start3A_317 = arith.constant 0 : i32
      %dma_start3A_318 = tpu.memref_slice %arg6[%dma_start3A_316, %dma_start3A_317] : memref<192x128xf32, #tpu.memory_space<vmem>> -> memref<96x128xf32, #tpu.memory_space<vmem>>
      tpu.enqueue_dma source(%dma_start3A_318 : memref<96x128xf32, #tpu.memory_space<vmem>>) target(%dma_start3A_315 : memref<96x128xf32, #tpu.memory_space<hbm>>) target_semaphore(%run_scoped3A : memref<!tpu.dma_semaphore, #tpu.memory_space<semaphore_mem>>)
      %dma_wait3A_319 = arith.constant 96 : i32
      %dma_wait3A_320 = arith.constant 0 : i32
      %dma_wait3A_321 = tpu.memref_slice %arg6[%dma_wait3A_319, %dma_wait3A_320] : memref<192x128xf32, #tpu.memory_space<vmem>> -> memref<96x128xf32, #tpu.memory_space<vmem>>
      %dma_wait3A_322 = arith.constant 0 : i32
      %dma_wait3A_323 = tpu.memref_slice %arg4[%add3A_190, %dma_wait3A_322] : memref<52224x128xf32, #tpu.memory_space<hbm>> -> memref<96x128xf32, #tpu.memory_space<hbm>>
      %dma_wait3A_324 = arith.constant 0 : i32
      %dma_wait3A_325 = tpu.memref_slice %arg4[%add3A_190, %dma_wait3A_324] : memref<52224x128xf32, #tpu.memory_space<hbm>> -> memref<96x128xf32, #tpu.memory_space<hbm>>
      %dma_wait3A_326 = arith.constant 96 : i32
      %dma_wait3A_327 = arith.constant 0 : i32
      %dma_wait3A_328 = tpu.memref_slice %arg6[%dma_wait3A_326, %dma_wait3A_327] : memref<192x128xf32, #tpu.memory_space<vmem>> -> memref<96x128xf32, #tpu.memory_space<vmem>>
      tpu.wait_dma2 semaphore(%run_scoped3A : memref<!tpu.dma_semaphore, #tpu.memory_space<semaphore_mem>>) src(%dma_wait3A_328 : memref<96x128xf32, #tpu.memory_space<vmem>>) dst(%dma_wait3A_325 : memref<96x128xf32, #tpu.memory_space<hbm>>)
      tpu.yield
    }) : () -> ()
    %dma_start3A_191 = arith.constant 96 : i32
    %dma_start3A_192 = arith.constant 0 : i32
    %dma_start3A_193 = tpu.memref_slice %arg6[%dma_start3A_191, %dma_start3A_192] : memref<192x128xf32, #tpu.memory_space<vmem>> -> memref<96x128xf32, #tpu.memory_space<vmem>>
    %dma_start3A_194 = arith.constant 1056 : i32
    %dma_start3A_195 = tpu.memref_slice %arg5[%dma_start3A_194] : memref<1632xi32, #tpu.memory_space<vmem>> -> memref<96xi32, #tpu.memory_space<vmem>>
    %dma_start3A_196 = arith.constant 0 : i32
    %dma_start3A_197 = arith.constant 0 : i32
    %dma_start3A_198 = tpu.memref_slice %arg7[%dma_start3A_196, %dma_start3A_197] : memref<512x128xf32, #tpu.memory_space<vmem_shared>> -> memref<512x128xf32, #tpu.memory_space<vmem_shared>>
    tpu.enqueue_indirect_dma source(%dma_start3A_198 : memref<512x128xf32, #tpu.memory_space<vmem_shared>>) target(%dma_start3A_193 : memref<96x128xf32, #tpu.memory_space<vmem>>) offsets(%dma_start3A_195 : memref<96xi32, #tpu.memory_space<vmem>>) semaphore(%arg9 : memref<!tpu.dma_semaphore, #tpu.memory_space<semaphore_mem>>)
    %dma_wait3A_199 = arith.constant 0 : i32
    %dma_wait3A_200 = arith.constant 0 : i32
    %dma_wait3A_201 = tpu.memref_slice %arg6[%dma_wait3A_199, %dma_wait3A_200] : memref<192x128xf32, #tpu.memory_space<vmem>> -> memref<96x128xf32, #tpu.memory_space<vmem>>
    %dma_wait3A_202 = arith.constant 960 : i32
    %dma_wait3A_203 = tpu.memref_slice %arg5[%dma_wait3A_202] : memref<1632xi32, #tpu.memory_space<vmem>> -> memref<96xi32, #tpu.memory_space<vmem>>
    %dma_wait3A_204 = arith.constant 0 : i32
    %dma_wait3A_205 = arith.constant 0 : i32
    %dma_wait3A_206 = tpu.memref_slice %arg7[%dma_wait3A_204, %dma_wait3A_205] : memref<512x128xf32, #tpu.memory_space<vmem_shared>> -> memref<512x128xf32, #tpu.memory_space<vmem_shared>>
    tpu.wait_indirect_dma semaphore(%arg8 : memref<!tpu.dma_semaphore, #tpu.memory_space<semaphore_mem>>) src(%dma_wait3A_206 : memref<512x128xf32, #tpu.memory_space<vmem_shared>>) dst(%dma_wait3A_201 : memref<96x128xf32, #tpu.memory_space<vmem>>)
    %add3A_207 = arith.constant 960 : i32
    %add3A_208 = arith.addi %mul3A_2, %add3A_207 : i32
    "tpu.region"() ({
      %run_scoped3A = tpu.sem_alloc : memref<!tpu.dma_semaphore, #tpu.memory_space<semaphore_mem>>
      %dma_start3A_309 = arith.constant 0 : i32
      %dma_start3A_310 = arith.constant 0 : i32
      %dma_start3A_311 = tpu.memref_slice %arg6[%dma_start3A_309, %dma_start3A_310] : memref<192x128xf32, #tpu.memory_space<vmem>> -> memref<96x128xf32, #tpu.memory_space<vmem>>
      %dma_start3A_312 = arith.constant 0 : i32
      %dma_start3A_313 = tpu.memref_slice %arg4[%add3A_208, %dma_start3A_312] : memref<52224x128xf32, #tpu.memory_space<hbm>> -> memref<96x128xf32, #tpu.memory_space<hbm>>
      %dma_start3A_314 = arith.constant 0 : i32
      %dma_start3A_315 = tpu.memref_slice %arg4[%add3A_208, %dma_start3A_314] : memref<52224x128xf32, #tpu.memory_space<hbm>> -> memref<96x128xf32, #tpu.memory_space<hbm>>
      %dma_start3A_316 = arith.constant 0 : i32
      %dma_start3A_317 = arith.constant 0 : i32
      %dma_start3A_318 = tpu.memref_slice %arg6[%dma_start3A_316, %dma_start3A_317] : memref<192x128xf32, #tpu.memory_space<vmem>> -> memref<96x128xf32, #tpu.memory_space<vmem>>
      tpu.enqueue_dma source(%dma_start3A_318 : memref<96x128xf32, #tpu.memory_space<vmem>>) target(%dma_start3A_315 : memref<96x128xf32, #tpu.memory_space<hbm>>) target_semaphore(%run_scoped3A : memref<!tpu.dma_semaphore, #tpu.memory_space<semaphore_mem>>)
      %dma_wait3A_319 = arith.constant 0 : i32
      %dma_wait3A_320 = arith.constant 0 : i32
      %dma_wait3A_321 = tpu.memref_slice %arg6[%dma_wait3A_319, %dma_wait3A_320] : memref<192x128xf32, #tpu.memory_space<vmem>> -> memref<96x128xf32, #tpu.memory_space<vmem>>
      %dma_wait3A_322 = arith.constant 0 : i32
      %dma_wait3A_323 = tpu.memref_slice %arg4[%add3A_208, %dma_wait3A_322] : memref<52224x128xf32, #tpu.memory_space<hbm>> -> memref<96x128xf32, #tpu.memory_space<hbm>>
      %dma_wait3A_324 = arith.constant 0 : i32
      %dma_wait3A_325 = tpu.memref_slice %arg4[%add3A_208, %dma_wait3A_324] : memref<52224x128xf32, #tpu.memory_space<hbm>> -> memref<96x128xf32, #tpu.memory_space<hbm>>
      %dma_wait3A_326 = arith.constant 0 : i32
      %dma_wait3A_327 = arith.constant 0 : i32
      %dma_wait3A_328 = tpu.memref_slice %arg6[%dma_wait3A_326, %dma_wait3A_327] : memref<192x128xf32, #tpu.memory_space<vmem>> -> memref<96x128xf32, #tpu.memory_space<vmem>>
      tpu.wait_dma2 semaphore(%run_scoped3A : memref<!tpu.dma_semaphore, #tpu.memory_space<semaphore_mem>>) src(%dma_wait3A_328 : memref<96x128xf32, #tpu.memory_space<vmem>>) dst(%dma_wait3A_325 : memref<96x128xf32, #tpu.memory_space<hbm>>)
      tpu.yield
    }) : () -> ()
    %dma_start3A_209 = arith.constant 0 : i32
    %dma_start3A_210 = arith.constant 0 : i32
    %dma_start3A_211 = tpu.memref_slice %arg6[%dma_start3A_209, %dma_start3A_210] : memref<192x128xf32, #tpu.memory_space<vmem>> -> memref<96x128xf32, #tpu.memory_space<vmem>>
    %dma_start3A_212 = arith.constant 1152 : i32
    %dma_start3A_213 = tpu.memref_slice %arg5[%dma_start3A_212] : memref<1632xi32, #tpu.memory_space<vmem>> -> memref<96xi32, #tpu.memory_space<vmem>>
    %dma_start3A_214 = arith.constant 0 : i32
    %dma_start3A_215 = arith.constant 0 : i32
    %dma_start3A_216 = tpu.memref_slice %arg7[%dma_start3A_214, %dma_start3A_215] : memref<512x128xf32, #tpu.memory_space<vmem_shared>> -> memref<512x128xf32, #tpu.memory_space<vmem_shared>>
    tpu.enqueue_indirect_dma source(%dma_start3A_216 : memref<512x128xf32, #tpu.memory_space<vmem_shared>>) target(%dma_start3A_211 : memref<96x128xf32, #tpu.memory_space<vmem>>) offsets(%dma_start3A_213 : memref<96xi32, #tpu.memory_space<vmem>>) semaphore(%arg8 : memref<!tpu.dma_semaphore, #tpu.memory_space<semaphore_mem>>)
    %dma_wait3A_217 = arith.constant 96 : i32
    %dma_wait3A_218 = arith.constant 0 : i32
    %dma_wait3A_219 = tpu.memref_slice %arg6[%dma_wait3A_217, %dma_wait3A_218] : memref<192x128xf32, #tpu.memory_space<vmem>> -> memref<96x128xf32, #tpu.memory_space<vmem>>
    %dma_wait3A_220 = arith.constant 1056 : i32
    %dma_wait3A_221 = tpu.memref_slice %arg5[%dma_wait3A_220] : memref<1632xi32, #tpu.memory_space<vmem>> -> memref<96xi32, #tpu.memory_space<vmem>>
    %dma_wait3A_222 = arith.constant 0 : i32
    %dma_wait3A_223 = arith.constant 0 : i32
    %dma_wait3A_224 = tpu.memref_slice %arg7[%dma_wait3A_222, %dma_wait3A_223] : memref<512x128xf32, #tpu.memory_space<vmem_shared>> -> memref<512x128xf32, #tpu.memory_space<vmem_shared>>
    tpu.wait_indirect_dma semaphore(%arg9 : memref<!tpu.dma_semaphore, #tpu.memory_space<semaphore_mem>>) src(%dma_wait3A_224 : memref<512x128xf32, #tpu.memory_space<vmem_shared>>) dst(%dma_wait3A_219 : memref<96x128xf32, #tpu.memory_space<vmem>>)
    %add3A_225 = arith.constant 1056 : i32
    %add3A_226 = arith.addi %mul3A_2, %add3A_225 : i32
    "tpu.region"() ({
      %run_scoped3A = tpu.sem_alloc : memref<!tpu.dma_semaphore, #tpu.memory_space<semaphore_mem>>
      %dma_start3A_309 = arith.constant 96 : i32
      %dma_start3A_310 = arith.constant 0 : i32
      %dma_start3A_311 = tpu.memref_slice %arg6[%dma_start3A_309, %dma_start3A_310] : memref<192x128xf32, #tpu.memory_space<vmem>> -> memref<96x128xf32, #tpu.memory_space<vmem>>
      %dma_start3A_312 = arith.constant 0 : i32
      %dma_start3A_313 = tpu.memref_slice %arg4[%add3A_226, %dma_start3A_312] : memref<52224x128xf32, #tpu.memory_space<hbm>> -> memref<96x128xf32, #tpu.memory_space<hbm>>
      %dma_start3A_314 = arith.constant 0 : i32
      %dma_start3A_315 = tpu.memref_slice %arg4[%add3A_226, %dma_start3A_314] : memref<52224x128xf32, #tpu.memory_space<hbm>> -> memref<96x128xf32, #tpu.memory_space<hbm>>
      %dma_start3A_316 = arith.constant 96 : i32
      %dma_start3A_317 = arith.constant 0 : i32
      %dma_start3A_318 = tpu.memref_slice %arg6[%dma_start3A_316, %dma_start3A_317] : memref<192x128xf32, #tpu.memory_space<vmem>> -> memref<96x128xf32, #tpu.memory_space<vmem>>
      tpu.enqueue_dma source(%dma_start3A_318 : memref<96x128xf32, #tpu.memory_space<vmem>>) target(%dma_start3A_315 : memref<96x128xf32, #tpu.memory_space<hbm>>) target_semaphore(%run_scoped3A : memref<!tpu.dma_semaphore, #tpu.memory_space<semaphore_mem>>)
      %dma_wait3A_319 = arith.constant 96 : i32
      %dma_wait3A_320 = arith.constant 0 : i32
      %dma_wait3A_321 = tpu.memref_slice %arg6[%dma_wait3A_319, %dma_wait3A_320] : memref<192x128xf32, #tpu.memory_space<vmem>> -> memref<96x128xf32, #tpu.memory_space<vmem>>
      %dma_wait3A_322 = arith.constant 0 : i32
      %dma_wait3A_323 = tpu.memref_slice %arg4[%add3A_226, %dma_wait3A_322] : memref<52224x128xf32, #tpu.memory_space<hbm>> -> memref<96x128xf32, #tpu.memory_space<hbm>>
      %dma_wait3A_324 = arith.constant 0 : i32
      %dma_wait3A_325 = tpu.memref_slice %arg4[%add3A_226, %dma_wait3A_324] : memref<52224x128xf32, #tpu.memory_space<hbm>> -> memref<96x128xf32, #tpu.memory_space<hbm>>
      %dma_wait3A_326 = arith.constant 96 : i32
      %dma_wait3A_327 = arith.constant 0 : i32
      %dma_wait3A_328 = tpu.memref_slice %arg6[%dma_wait3A_326, %dma_wait3A_327] : memref<192x128xf32, #tpu.memory_space<vmem>> -> memref<96x128xf32, #tpu.memory_space<vmem>>
      tpu.wait_dma2 semaphore(%run_scoped3A : memref<!tpu.dma_semaphore, #tpu.memory_space<semaphore_mem>>) src(%dma_wait3A_328 : memref<96x128xf32, #tpu.memory_space<vmem>>) dst(%dma_wait3A_325 : memref<96x128xf32, #tpu.memory_space<hbm>>)
      tpu.yield
    }) : () -> ()
    %dma_start3A_227 = arith.constant 96 : i32
    %dma_start3A_228 = arith.constant 0 : i32
    %dma_start3A_229 = tpu.memref_slice %arg6[%dma_start3A_227, %dma_start3A_228] : memref<192x128xf32, #tpu.memory_space<vmem>> -> memref<96x128xf32, #tpu.memory_space<vmem>>
    %dma_start3A_230 = arith.constant 1248 : i32
    %dma_start3A_231 = tpu.memref_slice %arg5[%dma_start3A_230] : memref<1632xi32, #tpu.memory_space<vmem>> -> memref<96xi32, #tpu.memory_space<vmem>>
    %dma_start3A_232 = arith.constant 0 : i32
    %dma_start3A_233 = arith.constant 0 : i32
    %dma_start3A_234 = tpu.memref_slice %arg7[%dma_start3A_232, %dma_start3A_233] : memref<512x128xf32, #tpu.memory_space<vmem_shared>> -> memref<512x128xf32, #tpu.memory_space<vmem_shared>>
    tpu.enqueue_indirect_dma source(%dma_start3A_234 : memref<512x128xf32, #tpu.memory_space<vmem_shared>>) target(%dma_start3A_229 : memref<96x128xf32, #tpu.memory_space<vmem>>) offsets(%dma_start3A_231 : memref<96xi32, #tpu.memory_space<vmem>>) semaphore(%arg9 : memref<!tpu.dma_semaphore, #tpu.memory_space<semaphore_mem>>)
    %dma_wait3A_235 = arith.constant 0 : i32
    %dma_wait3A_236 = arith.constant 0 : i32
    %dma_wait3A_237 = tpu.memref_slice %arg6[%dma_wait3A_235, %dma_wait3A_236] : memref<192x128xf32, #tpu.memory_space<vmem>> -> memref<96x128xf32, #tpu.memory_space<vmem>>
    %dma_wait3A_238 = arith.constant 1152 : i32
    %dma_wait3A_239 = tpu.memref_slice %arg5[%dma_wait3A_238] : memref<1632xi32, #tpu.memory_space<vmem>> -> memref<96xi32, #tpu.memory_space<vmem>>
    %dma_wait3A_240 = arith.constant 0 : i32
    %dma_wait3A_241 = arith.constant 0 : i32
    %dma_wait3A_242 = tpu.memref_slice %arg7[%dma_wait3A_240, %dma_wait3A_241] : memref<512x128xf32, #tpu.memory_space<vmem_shared>> -> memref<512x128xf32, #tpu.memory_space<vmem_shared>>
    tpu.wait_indirect_dma semaphore(%arg8 : memref<!tpu.dma_semaphore, #tpu.memory_space<semaphore_mem>>) src(%dma_wait3A_242 : memref<512x128xf32, #tpu.memory_space<vmem_shared>>) dst(%dma_wait3A_237 : memref<96x128xf32, #tpu.memory_space<vmem>>)
    %add3A_243 = arith.constant 1152 : i32
    %add3A_244 = arith.addi %mul3A_2, %add3A_243 : i32
    "tpu.region"() ({
      %run_scoped3A = tpu.sem_alloc : memref<!tpu.dma_semaphore, #tpu.memory_space<semaphore_mem>>
      %dma_start3A_309 = arith.constant 0 : i32
      %dma_start3A_310 = arith.constant 0 : i32
      %dma_start3A_311 = tpu.memref_slice %arg6[%dma_start3A_309, %dma_start3A_310] : memref<192x128xf32, #tpu.memory_space<vmem>> -> memref<96x128xf32, #tpu.memory_space<vmem>>
      %dma_start3A_312 = arith.constant 0 : i32
      %dma_start3A_313 = tpu.memref_slice %arg4[%add3A_244, %dma_start3A_312] : memref<52224x128xf32, #tpu.memory_space<hbm>> -> memref<96x128xf32, #tpu.memory_space<hbm>>
      %dma_start3A_314 = arith.constant 0 : i32
      %dma_start3A_315 = tpu.memref_slice %arg4[%add3A_244, %dma_start3A_314] : memref<52224x128xf32, #tpu.memory_space<hbm>> -> memref<96x128xf32, #tpu.memory_space<hbm>>
      %dma_start3A_316 = arith.constant 0 : i32
      %dma_start3A_317 = arith.constant 0 : i32
      %dma_start3A_318 = tpu.memref_slice %arg6[%dma_start3A_316, %dma_start3A_317] : memref<192x128xf32, #tpu.memory_space<vmem>> -> memref<96x128xf32, #tpu.memory_space<vmem>>
      tpu.enqueue_dma source(%dma_start3A_318 : memref<96x128xf32, #tpu.memory_space<vmem>>) target(%dma_start3A_315 : memref<96x128xf32, #tpu.memory_space<hbm>>) target_semaphore(%run_scoped3A : memref<!tpu.dma_semaphore, #tpu.memory_space<semaphore_mem>>)
      %dma_wait3A_319 = arith.constant 0 : i32
      %dma_wait3A_320 = arith.constant 0 : i32
      %dma_wait3A_321 = tpu.memref_slice %arg6[%dma_wait3A_319, %dma_wait3A_320] : memref<192x128xf32, #tpu.memory_space<vmem>> -> memref<96x128xf32, #tpu.memory_space<vmem>>
      %dma_wait3A_322 = arith.constant 0 : i32
      %dma_wait3A_323 = tpu.memref_slice %arg4[%add3A_244, %dma_wait3A_322] : memref<52224x128xf32, #tpu.memory_space<hbm>> -> memref<96x128xf32, #tpu.memory_space<hbm>>
      %dma_wait3A_324 = arith.constant 0 : i32
      %dma_wait3A_325 = tpu.memref_slice %arg4[%add3A_244, %dma_wait3A_324] : memref<52224x128xf32, #tpu.memory_space<hbm>> -> memref<96x128xf32, #tpu.memory_space<hbm>>
      %dma_wait3A_326 = arith.constant 0 : i32
      %dma_wait3A_327 = arith.constant 0 : i32
      %dma_wait3A_328 = tpu.memref_slice %arg6[%dma_wait3A_326, %dma_wait3A_327] : memref<192x128xf32, #tpu.memory_space<vmem>> -> memref<96x128xf32, #tpu.memory_space<vmem>>
      tpu.wait_dma2 semaphore(%run_scoped3A : memref<!tpu.dma_semaphore, #tpu.memory_space<semaphore_mem>>) src(%dma_wait3A_328 : memref<96x128xf32, #tpu.memory_space<vmem>>) dst(%dma_wait3A_325 : memref<96x128xf32, #tpu.memory_space<hbm>>)
      tpu.yield
    }) : () -> ()
    %dma_start3A_245 = arith.constant 0 : i32
    %dma_start3A_246 = arith.constant 0 : i32
    %dma_start3A_247 = tpu.memref_slice %arg6[%dma_start3A_245, %dma_start3A_246] : memref<192x128xf32, #tpu.memory_space<vmem>> -> memref<96x128xf32, #tpu.memory_space<vmem>>
    %dma_start3A_248 = arith.constant 1344 : i32
    %dma_start3A_249 = tpu.memref_slice %arg5[%dma_start3A_248] : memref<1632xi32, #tpu.memory_space<vmem>> -> memref<96xi32, #tpu.memory_space<vmem>>
    %dma_start3A_250 = arith.constant 0 : i32
    %dma_start3A_251 = arith.constant 0 : i32
    %dma_start3A_252 = tpu.memref_slice %arg7[%dma_start3A_250, %dma_start3A_251] : memref<512x128xf32, #tpu.memory_space<vmem_shared>> -> memref<512x128xf32, #tpu.memory_space<vmem_shared>>
    tpu.enqueue_indirect_dma source(%dma_start3A_252 : memref<512x128xf32, #tpu.memory_space<vmem_shared>>) target(%dma_start3A_247 : memref<96x128xf32, #tpu.memory_space<vmem>>) offsets(%dma_start3A_249 : memref<96xi32, #tpu.memory_space<vmem>>) semaphore(%arg8 : memref<!tpu.dma_semaphore, #tpu.memory_space<semaphore_mem>>)
    %dma_wait3A_253 = arith.constant 96 : i32
    %dma_wait3A_254 = arith.constant 0 : i32
    %dma_wait3A_255 = tpu.memref_slice %arg6[%dma_wait3A_253, %dma_wait3A_254] : memref<192x128xf32, #tpu.memory_space<vmem>> -> memref<96x128xf32, #tpu.memory_space<vmem>>
    %dma_wait3A_256 = arith.constant 1248 : i32
    %dma_wait3A_257 = tpu.memref_slice %arg5[%dma_wait3A_256] : memref<1632xi32, #tpu.memory_space<vmem>> -> memref<96xi32, #tpu.memory_space<vmem>>
    %dma_wait3A_258 = arith.constant 0 : i32
    %dma_wait3A_259 = arith.constant 0 : i32
    %dma_wait3A_260 = tpu.memref_slice %arg7[%dma_wait3A_258, %dma_wait3A_259] : memref<512x128xf32, #tpu.memory_space<vmem_shared>> -> memref<512x128xf32, #tpu.memory_space<vmem_shared>>
    tpu.wait_indirect_dma semaphore(%arg9 : memref<!tpu.dma_semaphore, #tpu.memory_space<semaphore_mem>>) src(%dma_wait3A_260 : memref<512x128xf32, #tpu.memory_space<vmem_shared>>) dst(%dma_wait3A_255 : memref<96x128xf32, #tpu.memory_space<vmem>>)
    %add3A_261 = arith.constant 1248 : i32
    %add3A_262 = arith.addi %mul3A_2, %add3A_261 : i32
    "tpu.region"() ({
      %run_scoped3A = tpu.sem_alloc : memref<!tpu.dma_semaphore, #tpu.memory_space<semaphore_mem>>
      %dma_start3A_309 = arith.constant 96 : i32
      %dma_start3A_310 = arith.constant 0 : i32
      %dma_start3A_311 = tpu.memref_slice %arg6[%dma_start3A_309, %dma_start3A_310] : memref<192x128xf32, #tpu.memory_space<vmem>> -> memref<96x128xf32, #tpu.memory_space<vmem>>
      %dma_start3A_312 = arith.constant 0 : i32
      %dma_start3A_313 = tpu.memref_slice %arg4[%add3A_262, %dma_start3A_312] : memref<52224x128xf32, #tpu.memory_space<hbm>> -> memref<96x128xf32, #tpu.memory_space<hbm>>
      %dma_start3A_314 = arith.constant 0 : i32
      %dma_start3A_315 = tpu.memref_slice %arg4[%add3A_262, %dma_start3A_314] : memref<52224x128xf32, #tpu.memory_space<hbm>> -> memref<96x128xf32, #tpu.memory_space<hbm>>
      %dma_start3A_316 = arith.constant 96 : i32
      %dma_start3A_317 = arith.constant 0 : i32
      %dma_start3A_318 = tpu.memref_slice %arg6[%dma_start3A_316, %dma_start3A_317] : memref<192x128xf32, #tpu.memory_space<vmem>> -> memref<96x128xf32, #tpu.memory_space<vmem>>
      tpu.enqueue_dma source(%dma_start3A_318 : memref<96x128xf32, #tpu.memory_space<vmem>>) target(%dma_start3A_315 : memref<96x128xf32, #tpu.memory_space<hbm>>) target_semaphore(%run_scoped3A : memref<!tpu.dma_semaphore, #tpu.memory_space<semaphore_mem>>)
      %dma_wait3A_319 = arith.constant 96 : i32
      %dma_wait3A_320 = arith.constant 0 : i32
      %dma_wait3A_321 = tpu.memref_slice %arg6[%dma_wait3A_319, %dma_wait3A_320] : memref<192x128xf32, #tpu.memory_space<vmem>> -> memref<96x128xf32, #tpu.memory_space<vmem>>
      %dma_wait3A_322 = arith.constant 0 : i32
      %dma_wait3A_323 = tpu.memref_slice %arg4[%add3A_262, %dma_wait3A_322] : memref<52224x128xf32, #tpu.memory_space<hbm>> -> memref<96x128xf32, #tpu.memory_space<hbm>>
      %dma_wait3A_324 = arith.constant 0 : i32
      %dma_wait3A_325 = tpu.memref_slice %arg4[%add3A_262, %dma_wait3A_324] : memref<52224x128xf32, #tpu.memory_space<hbm>> -> memref<96x128xf32, #tpu.memory_space<hbm>>
      %dma_wait3A_326 = arith.constant 96 : i32
      %dma_wait3A_327 = arith.constant 0 : i32
      %dma_wait3A_328 = tpu.memref_slice %arg6[%dma_wait3A_326, %dma_wait3A_327] : memref<192x128xf32, #tpu.memory_space<vmem>> -> memref<96x128xf32, #tpu.memory_space<vmem>>
      tpu.wait_dma2 semaphore(%run_scoped3A : memref<!tpu.dma_semaphore, #tpu.memory_space<semaphore_mem>>) src(%dma_wait3A_328 : memref<96x128xf32, #tpu.memory_space<vmem>>) dst(%dma_wait3A_325 : memref<96x128xf32, #tpu.memory_space<hbm>>)
      tpu.yield
    }) : () -> ()
    %dma_start3A_263 = arith.constant 96 : i32
    %dma_start3A_264 = arith.constant 0 : i32
    %dma_start3A_265 = tpu.memref_slice %arg6[%dma_start3A_263, %dma_start3A_264] : memref<192x128xf32, #tpu.memory_space<vmem>> -> memref<96x128xf32, #tpu.memory_space<vmem>>
    %dma_start3A_266 = arith.constant 1440 : i32
    %dma_start3A_267 = tpu.memref_slice %arg5[%dma_start3A_266] : memref<1632xi32, #tpu.memory_space<vmem>> -> memref<96xi32, #tpu.memory_space<vmem>>
    %dma_start3A_268 = arith.constant 0 : i32
    %dma_start3A_269 = arith.constant 0 : i32
    %dma_start3A_270 = tpu.memref_slice %arg7[%dma_start3A_268, %dma_start3A_269] : memref<512x128xf32, #tpu.memory_space<vmem_shared>> -> memref<512x128xf32, #tpu.memory_space<vmem_shared>>
    tpu.enqueue_indirect_dma source(%dma_start3A_270 : memref<512x128xf32, #tpu.memory_space<vmem_shared>>) target(%dma_start3A_265 : memref<96x128xf32, #tpu.memory_space<vmem>>) offsets(%dma_start3A_267 : memref<96xi32, #tpu.memory_space<vmem>>) semaphore(%arg9 : memref<!tpu.dma_semaphore, #tpu.memory_space<semaphore_mem>>)
    %dma_wait3A_271 = arith.constant 0 : i32
    %dma_wait3A_272 = arith.constant 0 : i32
    %dma_wait3A_273 = tpu.memref_slice %arg6[%dma_wait3A_271, %dma_wait3A_272] : memref<192x128xf32, #tpu.memory_space<vmem>> -> memref<96x128xf32, #tpu.memory_space<vmem>>
    %dma_wait3A_274 = arith.constant 1344 : i32
    %dma_wait3A_275 = tpu.memref_slice %arg5[%dma_wait3A_274] : memref<1632xi32, #tpu.memory_space<vmem>> -> memref<96xi32, #tpu.memory_space<vmem>>
    %dma_wait3A_276 = arith.constant 0 : i32
    %dma_wait3A_277 = arith.constant 0 : i32
    %dma_wait3A_278 = tpu.memref_slice %arg7[%dma_wait3A_276, %dma_wait3A_277] : memref<512x128xf32, #tpu.memory_space<vmem_shared>> -> memref<512x128xf32, #tpu.memory_space<vmem_shared>>
    tpu.wait_indirect_dma semaphore(%arg8 : memref<!tpu.dma_semaphore, #tpu.memory_space<semaphore_mem>>) src(%dma_wait3A_278 : memref<512x128xf32, #tpu.memory_space<vmem_shared>>) dst(%dma_wait3A_273 : memref<96x128xf32, #tpu.memory_space<vmem>>)
    %add3A_279 = arith.constant 1344 : i32
    %add3A_280 = arith.addi %mul3A_2, %add3A_279 : i32
    "tpu.region"() ({
      %run_scoped3A = tpu.sem_alloc : memref<!tpu.dma_semaphore, #tpu.memory_space<semaphore_mem>>
      %dma_start3A_309 = arith.constant 0 : i32
      %dma_start3A_310 = arith.constant 0 : i32
      %dma_start3A_311 = tpu.memref_slice %arg6[%dma_start3A_309, %dma_start3A_310] : memref<192x128xf32, #tpu.memory_space<vmem>> -> memref<96x128xf32, #tpu.memory_space<vmem>>
      %dma_start3A_312 = arith.constant 0 : i32
      %dma_start3A_313 = tpu.memref_slice %arg4[%add3A_280, %dma_start3A_312] : memref<52224x128xf32, #tpu.memory_space<hbm>> -> memref<96x128xf32, #tpu.memory_space<hbm>>
      %dma_start3A_314 = arith.constant 0 : i32
      %dma_start3A_315 = tpu.memref_slice %arg4[%add3A_280, %dma_start3A_314] : memref<52224x128xf32, #tpu.memory_space<hbm>> -> memref<96x128xf32, #tpu.memory_space<hbm>>
      %dma_start3A_316 = arith.constant 0 : i32
      %dma_start3A_317 = arith.constant 0 : i32
      %dma_start3A_318 = tpu.memref_slice %arg6[%dma_start3A_316, %dma_start3A_317] : memref<192x128xf32, #tpu.memory_space<vmem>> -> memref<96x128xf32, #tpu.memory_space<vmem>>
      tpu.enqueue_dma source(%dma_start3A_318 : memref<96x128xf32, #tpu.memory_space<vmem>>) target(%dma_start3A_315 : memref<96x128xf32, #tpu.memory_space<hbm>>) target_semaphore(%run_scoped3A : memref<!tpu.dma_semaphore, #tpu.memory_space<semaphore_mem>>)
      %dma_wait3A_319 = arith.constant 0 : i32
      %dma_wait3A_320 = arith.constant 0 : i32
      %dma_wait3A_321 = tpu.memref_slice %arg6[%dma_wait3A_319, %dma_wait3A_320] : memref<192x128xf32, #tpu.memory_space<vmem>> -> memref<96x128xf32, #tpu.memory_space<vmem>>
      %dma_wait3A_322 = arith.constant 0 : i32
      %dma_wait3A_323 = tpu.memref_slice %arg4[%add3A_280, %dma_wait3A_322] : memref<52224x128xf32, #tpu.memory_space<hbm>> -> memref<96x128xf32, #tpu.memory_space<hbm>>
      %dma_wait3A_324 = arith.constant 0 : i32
      %dma_wait3A_325 = tpu.memref_slice %arg4[%add3A_280, %dma_wait3A_324] : memref<52224x128xf32, #tpu.memory_space<hbm>> -> memref<96x128xf32, #tpu.memory_space<hbm>>
      %dma_wait3A_326 = arith.constant 0 : i32
      %dma_wait3A_327 = arith.constant 0 : i32
      %dma_wait3A_328 = tpu.memref_slice %arg6[%dma_wait3A_326, %dma_wait3A_327] : memref<192x128xf32, #tpu.memory_space<vmem>> -> memref<96x128xf32, #tpu.memory_space<vmem>>
      tpu.wait_dma2 semaphore(%run_scoped3A : memref<!tpu.dma_semaphore, #tpu.memory_space<semaphore_mem>>) src(%dma_wait3A_328 : memref<96x128xf32, #tpu.memory_space<vmem>>) dst(%dma_wait3A_325 : memref<96x128xf32, #tpu.memory_space<hbm>>)
      tpu.yield
    }) : () -> ()
    %dma_start3A_281 = arith.constant 0 : i32
    %dma_start3A_282 = arith.constant 0 : i32
    %dma_start3A_283 = tpu.memref_slice %arg6[%dma_start3A_281, %dma_start3A_282] : memref<192x128xf32, #tpu.memory_space<vmem>> -> memref<96x128xf32, #tpu.memory_space<vmem>>
    %dma_start3A_284 = arith.constant 1536 : i32
    %dma_start3A_285 = tpu.memref_slice %arg5[%dma_start3A_284] : memref<1632xi32, #tpu.memory_space<vmem>> -> memref<96xi32, #tpu.memory_space<vmem>>
    %dma_start3A_286 = arith.constant 0 : i32
    %dma_start3A_287 = arith.constant 0 : i32
    %dma_start3A_288 = tpu.memref_slice %arg7[%dma_start3A_286, %dma_start3A_287] : memref<512x128xf32, #tpu.memory_space<vmem_shared>> -> memref<512x128xf32, #tpu.memory_space<vmem_shared>>
    tpu.enqueue_indirect_dma source(%dma_start3A_288 : memref<512x128xf32, #tpu.memory_space<vmem_shared>>) target(%dma_start3A_283 : memref<96x128xf32, #tpu.memory_space<vmem>>) offsets(%dma_start3A_285 : memref<96xi32, #tpu.memory_space<vmem>>) semaphore(%arg8 : memref<!tpu.dma_semaphore, #tpu.memory_space<semaphore_mem>>)
    %dma_wait3A_289 = arith.constant 96 : i32
    %dma_wait3A_290 = arith.constant 0 : i32
    %dma_wait3A_291 = tpu.memref_slice %arg6[%dma_wait3A_289, %dma_wait3A_290] : memref<192x128xf32, #tpu.memory_space<vmem>> -> memref<96x128xf32, #tpu.memory_space<vmem>>
    %dma_wait3A_292 = arith.constant 1440 : i32
    %dma_wait3A_293 = tpu.memref_slice %arg5[%dma_wait3A_292] : memref<1632xi32, #tpu.memory_space<vmem>> -> memref<96xi32, #tpu.memory_space<vmem>>
    %dma_wait3A_294 = arith.constant 0 : i32
    %dma_wait3A_295 = arith.constant 0 : i32
    %dma_wait3A_296 = tpu.memref_slice %arg7[%dma_wait3A_294, %dma_wait3A_295] : memref<512x128xf32, #tpu.memory_space<vmem_shared>> -> memref<512x128xf32, #tpu.memory_space<vmem_shared>>
    tpu.wait_indirect_dma semaphore(%arg9 : memref<!tpu.dma_semaphore, #tpu.memory_space<semaphore_mem>>) src(%dma_wait3A_296 : memref<512x128xf32, #tpu.memory_space<vmem_shared>>) dst(%dma_wait3A_291 : memref<96x128xf32, #tpu.memory_space<vmem>>)
    %add3A_297 = arith.constant 1440 : i32
    %add3A_298 = arith.addi %mul3A_2, %add3A_297 : i32
    "tpu.region"() ({
      %run_scoped3A = tpu.sem_alloc : memref<!tpu.dma_semaphore, #tpu.memory_space<semaphore_mem>>
      %dma_start3A_309 = arith.constant 96 : i32
      %dma_start3A_310 = arith.constant 0 : i32
      %dma_start3A_311 = tpu.memref_slice %arg6[%dma_start3A_309, %dma_start3A_310] : memref<192x128xf32, #tpu.memory_space<vmem>> -> memref<96x128xf32, #tpu.memory_space<vmem>>
      %dma_start3A_312 = arith.constant 0 : i32
      %dma_start3A_313 = tpu.memref_slice %arg4[%add3A_298, %dma_start3A_312] : memref<52224x128xf32, #tpu.memory_space<hbm>> -> memref<96x128xf32, #tpu.memory_space<hbm>>
      %dma_start3A_314 = arith.constant 0 : i32
      %dma_start3A_315 = tpu.memref_slice %arg4[%add3A_298, %dma_start3A_314] : memref<52224x128xf32, #tpu.memory_space<hbm>> -> memref<96x128xf32, #tpu.memory_space<hbm>>
      %dma_start3A_316 = arith.constant 96 : i32
      %dma_start3A_317 = arith.constant 0 : i32
      %dma_start3A_318 = tpu.memref_slice %arg6[%dma_start3A_316, %dma_start3A_317] : memref<192x128xf32, #tpu.memory_space<vmem>> -> memref<96x128xf32, #tpu.memory_space<vmem>>
      tpu.enqueue_dma source(%dma_start3A_318 : memref<96x128xf32, #tpu.memory_space<vmem>>) target(%dma_start3A_315 : memref<96x128xf32, #tpu.memory_space<hbm>>) target_semaphore(%run_scoped3A : memref<!tpu.dma_semaphore, #tpu.memory_space<semaphore_mem>>)
      %dma_wait3A_319 = arith.constant 96 : i32
      %dma_wait3A_320 = arith.constant 0 : i32
      %dma_wait3A_321 = tpu.memref_slice %arg6[%dma_wait3A_319, %dma_wait3A_320] : memref<192x128xf32, #tpu.memory_space<vmem>> -> memref<96x128xf32, #tpu.memory_space<vmem>>
      %dma_wait3A_322 = arith.constant 0 : i32
      %dma_wait3A_323 = tpu.memref_slice %arg4[%add3A_298, %dma_wait3A_322] : memref<52224x128xf32, #tpu.memory_space<hbm>> -> memref<96x128xf32, #tpu.memory_space<hbm>>
      %dma_wait3A_324 = arith.constant 0 : i32
      %dma_wait3A_325 = tpu.memref_slice %arg4[%add3A_298, %dma_wait3A_324] : memref<52224x128xf32, #tpu.memory_space<hbm>> -> memref<96x128xf32, #tpu.memory_space<hbm>>
      %dma_wait3A_326 = arith.constant 96 : i32
      %dma_wait3A_327 = arith.constant 0 : i32
      %dma_wait3A_328 = tpu.memref_slice %arg6[%dma_wait3A_326, %dma_wait3A_327] : memref<192x128xf32, #tpu.memory_space<vmem>> -> memref<96x128xf32, #tpu.memory_space<vmem>>
      tpu.wait_dma2 semaphore(%run_scoped3A : memref<!tpu.dma_semaphore, #tpu.memory_space<semaphore_mem>>) src(%dma_wait3A_328 : memref<96x128xf32, #tpu.memory_space<vmem>>) dst(%dma_wait3A_325 : memref<96x128xf32, #tpu.memory_space<hbm>>)
      tpu.yield
    }) : () -> ()
    %dma_wait3A_299 = arith.constant 0 : i32
    %dma_wait3A_300 = arith.constant 0 : i32
    %dma_wait3A_301 = tpu.memref_slice %arg6[%dma_wait3A_299, %dma_wait3A_300] : memref<192x128xf32, #tpu.memory_space<vmem>> -> memref<96x128xf32, #tpu.memory_space<vmem>>
    %dma_wait3A_302 = arith.constant 1536 : i32
    %dma_wait3A_303 = tpu.memref_slice %arg5[%dma_wait3A_302] : memref<1632xi32, #tpu.memory_space<vmem>> -> memref<96xi32, #tpu.memory_space<vmem>>
    %dma_wait3A_304 = arith.constant 0 : i32
    %dma_wait3A_305 = arith.constant 0 : i32
    %dma_wait3A_306 = tpu.memref_slice %arg7[%dma_wait3A_304, %dma_wait3A_305] : memref<512x128xf32, #tpu.memory_space<vmem_shared>> -> memref<512x128xf32, #tpu.memory_space<vmem_shared>>
    tpu.wait_indirect_dma semaphore(%arg8 : memref<!tpu.dma_semaphore, #tpu.memory_space<semaphore_mem>>) src(%dma_wait3A_306 : memref<512x128xf32, #tpu.memory_space<vmem_shared>>) dst(%dma_wait3A_301 : memref<96x128xf32, #tpu.memory_space<vmem>>)
    %add3A_307 = arith.constant 1536 : i32
    %add3A_308 = arith.addi %mul3A_2, %add3A_307 : i32
    "tpu.region"() ({
      %run_scoped3A = tpu.sem_alloc : memref<!tpu.dma_semaphore, #tpu.memory_space<semaphore_mem>>
      %dma_start3A_309 = arith.constant 0 : i32
      %dma_start3A_310 = arith.constant 0 : i32
      %dma_start3A_311 = tpu.memref_slice %arg6[%dma_start3A_309, %dma_start3A_310] : memref<192x128xf32, #tpu.memory_space<vmem>> -> memref<96x128xf32, #tpu.memory_space<vmem>>
      %dma_start3A_312 = arith.constant 0 : i32
      %dma_start3A_313 = tpu.memref_slice %arg4[%add3A_308, %dma_start3A_312] : memref<52224x128xf32, #tpu.memory_space<hbm>> -> memref<96x128xf32, #tpu.memory_space<hbm>>
      %dma_start3A_314 = arith.constant 0 : i32
      %dma_start3A_315 = tpu.memref_slice %arg4[%add3A_308, %dma_start3A_314] : memref<52224x128xf32, #tpu.memory_space<hbm>> -> memref<96x128xf32, #tpu.memory_space<hbm>>
      %dma_start3A_316 = arith.constant 0 : i32
      %dma_start3A_317 = arith.constant 0 : i32
      %dma_start3A_318 = tpu.memref_slice %arg6[%dma_start3A_316, %dma_start3A_317] : memref<192x128xf32, #tpu.memory_space<vmem>> -> memref<96x128xf32, #tpu.memory_space<vmem>>
      tpu.enqueue_dma source(%dma_start3A_318 : memref<96x128xf32, #tpu.memory_space<vmem>>) target(%dma_start3A_315 : memref<96x128xf32, #tpu.memory_space<hbm>>) target_semaphore(%run_scoped3A : memref<!tpu.dma_semaphore, #tpu.memory_space<semaphore_mem>>)
      %dma_wait3A_319 = arith.constant 0 : i32
      %dma_wait3A_320 = arith.constant 0 : i32
      %dma_wait3A_321 = tpu.memref_slice %arg6[%dma_wait3A_319, %dma_wait3A_320] : memref<192x128xf32, #tpu.memory_space<vmem>> -> memref<96x128xf32, #tpu.memory_space<vmem>>
      %dma_wait3A_322 = arith.constant 0 : i32
      %dma_wait3A_323 = tpu.memref_slice %arg4[%add3A_308, %dma_wait3A_322] : memref<52224x128xf32, #tpu.memory_space<hbm>> -> memref<96x128xf32, #tpu.memory_space<hbm>>
      %dma_wait3A_324 = arith.constant 0 : i32
      %dma_wait3A_325 = tpu.memref_slice %arg4[%add3A_308, %dma_wait3A_324] : memref<52224x128xf32, #tpu.memory_space<hbm>> -> memref<96x128xf32, #tpu.memory_space<hbm>>
      %dma_wait3A_326 = arith.constant 0 : i32
      %dma_wait3A_327 = arith.constant 0 : i32
      %dma_wait3A_328 = tpu.memref_slice %arg6[%dma_wait3A_326, %dma_wait3A_327] : memref<192x128xf32, #tpu.memory_space<vmem>> -> memref<96x128xf32, #tpu.memory_space<vmem>>
      tpu.wait_dma2 semaphore(%run_scoped3A : memref<!tpu.dma_semaphore, #tpu.memory_space<semaphore_mem>>) src(%dma_wait3A_328 : memref<96x128xf32, #tpu.memory_space<vmem>>) dst(%dma_wait3A_325 : memref<96x128xf32, #tpu.memory_space<hbm>>)
      tpu.yield
    }) : () -> ()
    return
  }
}

module attributes {stable_mosaic.version = 14 : i64} {
  func.func @_kenc_body(%arg0: i32, %arg1: memref<1x3616x48xf32, #tpu.memory_space<vmem>>, %arg2: memref<9x48x192xf32, #tpu.memory_space<vmem>>, %arg3: memref<1x192xf32, #tpu.memory_space<vmem>>, %arg4: memref<9x192x64xf32, #tpu.memory_space<vmem>>, %arg5: memref<1x64xf32, #tpu.memory_space<vmem>>, %arg6: memref<1x3488x64xf32, #tpu.memory_space<vmem>>) attributes {dimension_semantics = [#tpu.dimension_semantics<arbitrary>], iteration_bounds = array<i64: 16>, scalar_prefetch = 0 : i64, scratch_operands = 0 : i64, tpu.core_type = #tpu.core_type<tc>, window_params = [{transform_indices = @transform_0, window_bounds = array<i64: 1, 3616, 48>}, {pipeline_mode = #tpu.pipeline_mode<synchronous>, transform_indices = @transform_1, window_bounds = array<i64: 9, 48, 192>}, {pipeline_mode = #tpu.pipeline_mode<synchronous>, transform_indices = @transform_2, window_bounds = array<i64: 1, 192>}, {pipeline_mode = #tpu.pipeline_mode<synchronous>, transform_indices = @transform_3, window_bounds = array<i64: 9, 192, 64>}, {pipeline_mode = #tpu.pipeline_mode<synchronous>, transform_indices = @transform_4, window_bounds = array<i64: 1, 64>}, {transform_indices = @transform_5, window_bounds = array<i64: 1, 3488, 64>}]} {
    %iota3A = tpu.iota {dimensions = array<i32: 0>} : vector<3552x1xi32>
    %jit3A = arith.constant 59 : i32
    %div3A = vector.broadcast %jit3A : i32 to vector<3552x1xi32>
    %div3A_0 = arith.divsi %iota3A, %div3A : vector<3552x1xi32>
    %sign3A = arith.constant 0 : i32
    %sign3A_1 = vector.broadcast %sign3A : i32 to vector<3552x1xi32>
    %sign3A_2 = arith.cmpi sgt, %iota3A, %sign3A_1 : vector<3552x1xi32>
    %sign3A_3 = arith.extui %sign3A_2 : vector<3552x1xi1> to vector<3552x1xi32>
    %sign3A_4 = arith.constant 0 : i32
    %sign3A_5 = vector.broadcast %sign3A_4 : i32 to vector<3552x1xi32>
    %sign3A_6 = arith.cmpi slt, %iota3A, %sign3A_5 : vector<3552x1xi32>
    %sign3A_7 = arith.extui %sign3A_6 : vector<3552x1xi1> to vector<3552x1xi32>
    %sign3A_8 = arith.subi %sign3A_3, %sign3A_7 : vector<3552x1xi32>
    %sign3A_9 = arith.constant 0 : i32
    %sign3A_10 = arith.cmpi sgt, %jit3A, %sign3A_9 : i32
    %sign3A_11 = arith.extui %sign3A_10 : i1 to i32
    %sign3A_12 = arith.constant 0 : i32
    %sign3A_13 = arith.cmpi slt, %jit3A, %sign3A_12 : i32
    %sign3A_14 = arith.extui %sign3A_13 : i1 to i32
    %sign3A_15 = arith.subi %sign3A_11, %sign3A_14 : i32
    %ne3A = vector.broadcast %sign3A_15 : i32 to vector<3552x1xi32>
    %ne3A_16 = arith.cmpi ne, %sign3A_8, %ne3A : vector<3552x1xi32>
    %rem3A = vector.broadcast %jit3A : i32 to vector<3552x1xi32>
    %rem3A_17 = arith.remsi %iota3A, %rem3A : vector<3552x1xi32>
    %ne3A_18 = arith.constant 0 : i32
    %ne3A_19 = vector.broadcast %ne3A_18 : i32 to vector<3552x1xi32>
    %ne3A_20 = arith.cmpi ne, %rem3A_17, %ne3A_19 : vector<3552x1xi32>
    %and3A = arith.andi %ne3A_16, %ne3A_20 : vector<3552x1xi1>
    %sub3A = arith.constant 1 : i32
    %sub3A_21 = vector.broadcast %sub3A : i32 to vector<3552x1xi32>
    %sub3A_22 = arith.subi %div3A_0, %sub3A_21 : vector<3552x1xi32>
    %select_n3A = arith.select %and3A, %sub3A_22, %div3A_0 : vector<3552x1xi1>, vector<3552x1xi32>
    %mul3A = arith.constant 59 : i32
    %mul3A_23 = vector.broadcast %mul3A : i32 to vector<3552x1xi32>
    %mul3A_24 = arith.muli %select_n3A, %mul3A_23 : vector<3552x1xi32>
    %sub3A_25 = arith.subi %iota3A, %mul3A_24 : vector<3552x1xi32>
    %get3A = arith.constant 0 : index
    %get3A_26 = arith.constant 0 : index
    %get3A_27 = arith.constant 0 : index
    %get3A_28 = vector.load %arg1[%get3A, %get3A_26, %get3A_27] : memref<1x3616x48xf32, #tpu.memory_space<vmem>>, vector<1x3552x48xf32>
    %get3A_29 = vector.shape_cast %get3A_28 : vector<1x3552x48xf32> to vector<3552x48xf32>
    %get3A_30 = arith.constant 0 : index
    %get3A_31 = arith.constant 0 : index
    %get3A_32 = arith.constant 0 : index
    %get3A_33 = vector.load %arg2[%get3A_30, %get3A_31, %get3A_32] : memref<9x48x192xf32, #tpu.memory_space<vmem>>, vector<1x48x192xf32>
    %get3A_34 = vector.shape_cast %get3A_33 : vector<1x48x192xf32> to vector<48x192xf32>
    %dot_general3A = arith.constant dense<0.000000e+00> : vector<3552x192xf32>
    %dot_general3A_35 = tpu.matmul %get3A_29, %get3A_34, %dot_general3A {dimension_numbers = #tpu.dot_dimension_numbers<[1], [0], [0], [1], [0, 0, 1, 1], [], []>, transpose_lhs_hint = false} : vector<3552x48xf32>, vector<48x192xf32>, vector<3552x192xf32> -> vector<3552x192xf32>
    %mul3A_36 = arith.constant 2 : i32
    %mul3A_37 = vector.broadcast %mul3A_36 : i32 to vector<3552x1xi32>
    %mul3A_38 = arith.muli %mul3A_37, %select_n3A : vector<3552x1xi32>
    %add3A = arith.constant 0 : i32
    %add3A_39 = vector.broadcast %add3A : i32 to vector<3552x1xi32>
    %add3A_40 = arith.addi %mul3A_38, %add3A_39 : vector<3552x1xi32>
    %sub3A_41 = arith.constant 1 : i32
    %sub3A_42 = vector.broadcast %sub3A_41 : i32 to vector<3552x1xi32>
    %sub3A_43 = arith.subi %add3A_40, %sub3A_42 : vector<3552x1xi32>
    %mul3A_44 = arith.constant 2 : i32
    %mul3A_45 = vector.broadcast %mul3A_44 : i32 to vector<3552x1xi32>
    %mul3A_46 = arith.muli %mul3A_45, %sub3A_25 : vector<3552x1xi32>
    %add3A_47 = arith.constant 0 : i32
    %add3A_48 = vector.broadcast %add3A_47 : i32 to vector<3552x1xi32>
    %add3A_49 = arith.addi %mul3A_46, %add3A_48 : vector<3552x1xi32>
    %sub3A_50 = arith.constant 1 : i32
    %sub3A_51 = vector.broadcast %sub3A_50 : i32 to vector<3552x1xi32>
    %sub3A_52 = arith.subi %add3A_49, %sub3A_51 : vector<3552x1xi32>
    %ge3A = arith.constant 0 : i32
    %ge3A_53 = vector.broadcast %ge3A : i32 to vector<3552x1xi32>
    %ge3A_54 = arith.cmpi sge, %sub3A_43, %ge3A_53 : vector<3552x1xi32>
    %le3A = arith.constant 112 : i32
    %le3A_55 = vector.broadcast %le3A : i32 to vector<3552x1xi32>
    %le3A_56 = arith.cmpi sle, %sub3A_43, %le3A_55 : vector<3552x1xi32>
    %and3A_57 = arith.andi %ge3A_54, %le3A_56 : vector<3552x1xi1>
    %ge3A_58 = arith.constant 0 : i32
    %ge3A_59 = vector.broadcast %ge3A_58 : i32 to vector<3552x1xi32>
    %ge3A_60 = arith.cmpi sge, %sub3A_52, %ge3A_59 : vector<3552x1xi32>
    %and3A_61 = arith.andi %and3A_57, %ge3A_60 : vector<3552x1xi1>
    %le3A_62 = arith.constant 112 : i32
    %le3A_63 = vector.broadcast %le3A_62 : i32 to vector<3552x1xi32>
    %le3A_64 = arith.cmpi sle, %sub3A_52, %le3A_63 : vector<3552x1xi32>
    %and3A_65 = arith.andi %and3A_61, %le3A_64 : vector<3552x1xi1>
    %lt3A = arith.constant 3481 : i32
    %lt3A_66 = vector.broadcast %lt3A : i32 to vector<3552x1xi32>
    %lt3A_67 = arith.cmpi slt, %iota3A, %lt3A_66 : vector<3552x1xi32>
    %and3A_68 = arith.andi %and3A_65, %lt3A_67 : vector<3552x1xi1>
    %get3A_69 = arith.constant 0 : index
    %get3A_70 = arith.constant 0 : index
    %get3A_71 = vector.load %arg3[%get3A_69, %get3A_70] : memref<1x192xf32, #tpu.memory_space<vmem>>, vector<1x192xf32>
    %add3A_72 = vector.broadcast %get3A_71 : vector<1x192xf32> to vector<3552x192xf32>
    %add3A_73 = arith.addf %dot_general3A_35, %add3A_72 : vector<3552x192xf32>
    %max3A = arith.constant 0.000000e+00 : f32
    %max3A_74 = vector.broadcast %max3A : f32 to vector<3552x192xf32>
    %max3A_75 = arith.maximumf %add3A_73, %max3A_74 : vector<3552x192xf32>
    %jit3A_76 = arith.constant 0.000000e+00 : f32
    %broadcast_in_dim3A = vector.shape_cast %and3A_68 : vector<3552x1xi1> to vector<3552x1xi1>
    %broadcast_in_dim3A_77 = vector.broadcast %broadcast_in_dim3A : vector<3552x1xi1> to vector<3552x192xi1>
    %broadcast_in_dim3A_78 = vector.broadcast %jit3A_76 : f32 to vector<3552x192xf32>
    %select_n3A_79 = arith.select %broadcast_in_dim3A_77, %max3A_75, %broadcast_in_dim3A_78 : vector<3552x192xi1>, vector<3552x192xf32>
    %get3A_80 = arith.constant 0 : index
    %get3A_81 = arith.constant 0 : index
    %get3A_82 = arith.constant 0 : index
    %get3A_83 = vector.load %arg1[%get3A_80, %get3A_81, %get3A_82] : memref<1x3616x48xf32, #tpu.memory_space<vmem>>, vector<1x3552x48xf32>
    %get3A_84 = vector.shape_cast %get3A_83 : vector<1x3552x48xf32> to vector<3552x48xf32>
    %get3A_85 = arith.constant 1 : index
    %get3A_86 = arith.constant 0 : index
    %get3A_87 = arith.constant 0 : index
    %get3A_88 = vector.load %arg2[%get3A_85, %get3A_86, %get3A_87] : memref<9x48x192xf32, #tpu.memory_space<vmem>>, vector<1x48x192xf32>
    %get3A_89 = vector.shape_cast %get3A_88 : vector<1x48x192xf32> to vector<48x192xf32>
    %dot_general3A_90 = arith.constant dense<0.000000e+00> : vector<3552x192xf32>
    %dot_general3A_91 = tpu.matmul %get3A_84, %get3A_89, %dot_general3A_90 {dimension_numbers = #tpu.dot_dimension_numbers<[1], [0], [0], [1], [0, 0, 1, 1], [], []>, transpose_lhs_hint = false} : vector<3552x48xf32>, vector<48x192xf32>, vector<3552x192xf32> -> vector<3552x192xf32>
    %get3A_92 = arith.constant 0 : index
    %get3A_93 = arith.constant 1 : index
    %get3A_94 = arith.constant 0 : index
    %get3A_95 = vector.load %arg1[%get3A_92, %get3A_93, %get3A_94] : memref<1x3616x48xf32, #tpu.memory_space<vmem>>, vector<1x3552x48xf32>
    %get3A_96 = vector.shape_cast %get3A_95 : vector<1x3552x48xf32> to vector<3552x48xf32>
    %get3A_97 = arith.constant 2 : index
    %get3A_98 = arith.constant 0 : index
    %get3A_99 = arith.constant 0 : index
    %get3A_100 = vector.load %arg2[%get3A_97, %get3A_98, %get3A_99] : memref<9x48x192xf32, #tpu.memory_space<vmem>>, vector<1x48x192xf32>
    %get3A_101 = vector.shape_cast %get3A_100 : vector<1x48x192xf32> to vector<48x192xf32>
    %dot_general3A_102 = arith.constant dense<0.000000e+00> : vector<3552x192xf32>
    %dot_general3A_103 = tpu.matmul %get3A_96, %get3A_101, %dot_general3A_102 {dimension_numbers = #tpu.dot_dimension_numbers<[1], [0], [0], [1], [0, 0, 1, 1], [], []>, transpose_lhs_hint = false} : vector<3552x48xf32>, vector<48x192xf32>, vector<3552x192xf32> -> vector<3552x192xf32>
    %add3A_104 = arith.addf %dot_general3A_91, %dot_general3A_103 : vector<3552x192xf32>
    %mul3A_105 = arith.constant 2 : i32
    %mul3A_106 = vector.broadcast %mul3A_105 : i32 to vector<3552x1xi32>
    %mul3A_107 = arith.muli %mul3A_106, %select_n3A : vector<3552x1xi32>
    %add3A_108 = arith.constant 0 : i32
    %add3A_109 = vector.broadcast %add3A_108 : i32 to vector<3552x1xi32>
    %add3A_110 = arith.addi %mul3A_107, %add3A_109 : vector<3552x1xi32>
    %sub3A_111 = arith.constant 1 : i32
    %sub3A_112 = vector.broadcast %sub3A_111 : i32 to vector<3552x1xi32>
    %sub3A_113 = arith.subi %add3A_110, %sub3A_112 : vector<3552x1xi32>
    %mul3A_114 = arith.constant 2 : i32
    %mul3A_115 = vector.broadcast %mul3A_114 : i32 to vector<3552x1xi32>
    %mul3A_116 = arith.muli %mul3A_115, %sub3A_25 : vector<3552x1xi32>
    %add3A_117 = arith.constant 1 : i32
    %add3A_118 = vector.broadcast %add3A_117 : i32 to vector<3552x1xi32>
    %add3A_119 = arith.addi %mul3A_116, %add3A_118 : vector<3552x1xi32>
    %sub3A_120 = arith.constant 1 : i32
    %sub3A_121 = vector.broadcast %sub3A_120 : i32 to vector<3552x1xi32>
    %sub3A_122 = arith.subi %add3A_119, %sub3A_121 : vector<3552x1xi32>
    %ge3A_123 = arith.constant 0 : i32
    %ge3A_124 = vector.broadcast %ge3A_123 : i32 to vector<3552x1xi32>
    %ge3A_125 = arith.cmpi sge, %sub3A_113, %ge3A_124 : vector<3552x1xi32>
    %le3A_126 = arith.constant 112 : i32
    %le3A_127 = vector.broadcast %le3A_126 : i32 to vector<3552x1xi32>
    %le3A_128 = arith.cmpi sle, %sub3A_113, %le3A_127 : vector<3552x1xi32>
    %and3A_129 = arith.andi %ge3A_125, %le3A_128 : vector<3552x1xi1>
    %ge3A_130 = arith.constant 0 : i32
    %ge3A_131 = vector.broadcast %ge3A_130 : i32 to vector<3552x1xi32>
    %ge3A_132 = arith.cmpi sge, %sub3A_122, %ge3A_131 : vector<3552x1xi32>
    %and3A_133 = arith.andi %and3A_129, %ge3A_132 : vector<3552x1xi1>
    %le3A_134 = arith.constant 112 : i32
    %le3A_135 = vector.broadcast %le3A_134 : i32 to vector<3552x1xi32>
    %le3A_136 = arith.cmpi sle, %sub3A_122, %le3A_135 : vector<3552x1xi32>
    %and3A_137 = arith.andi %and3A_133, %le3A_136 : vector<3552x1xi1>
    %lt3A_138 = arith.constant 3481 : i32
    %lt3A_139 = vector.broadcast %lt3A_138 : i32 to vector<3552x1xi32>
    %lt3A_140 = arith.cmpi slt, %iota3A, %lt3A_139 : vector<3552x1xi32>
    %and3A_141 = arith.andi %and3A_137, %lt3A_140 : vector<3552x1xi1>
    %get3A_142 = arith.constant 0 : index
    %get3A_143 = arith.constant 0 : index
    %get3A_144 = vector.load %arg3[%get3A_142, %get3A_143] : memref<1x192xf32, #tpu.memory_space<vmem>>, vector<1x192xf32>
    %add3A_145 = vector.broadcast %get3A_144 : vector<1x192xf32> to vector<3552x192xf32>
    %add3A_146 = arith.addf %add3A_104, %add3A_145 : vector<3552x192xf32>
    %max3A_147 = arith.constant 0.000000e+00 : f32
    %max3A_148 = vector.broadcast %max3A_147 : f32 to vector<3552x192xf32>
    %max3A_149 = arith.maximumf %add3A_146, %max3A_148 : vector<3552x192xf32>
    %jit3A_150 = arith.constant 0.000000e+00 : f32
    %broadcast_in_dim3A_151 = vector.shape_cast %and3A_141 : vector<3552x1xi1> to vector<3552x1xi1>
    %broadcast_in_dim3A_152 = vector.broadcast %broadcast_in_dim3A_151 : vector<3552x1xi1> to vector<3552x192xi1>
    %broadcast_in_dim3A_153 = vector.broadcast %jit3A_150 : f32 to vector<3552x192xf32>
    %select_n3A_154 = arith.select %broadcast_in_dim3A_152, %max3A_149, %broadcast_in_dim3A_153 : vector<3552x192xi1>, vector<3552x192xf32>
    %get3A_155 = arith.constant 0 : index
    %get3A_156 = arith.constant 0 : index
    %get3A_157 = arith.constant 0 : index
    %get3A_158 = vector.load %arg1[%get3A_155, %get3A_156, %get3A_157] : memref<1x3616x48xf32, #tpu.memory_space<vmem>>, vector<1x3552x48xf32>
    %get3A_159 = vector.shape_cast %get3A_158 : vector<1x3552x48xf32> to vector<3552x48xf32>
    %get3A_160 = arith.constant 3 : index
    %get3A_161 = arith.constant 0 : index
    %get3A_162 = arith.constant 0 : index
    %get3A_163 = vector.load %arg2[%get3A_160, %get3A_161, %get3A_162] : memref<9x48x192xf32, #tpu.memory_space<vmem>>, vector<1x48x192xf32>
    %get3A_164 = vector.shape_cast %get3A_163 : vector<1x48x192xf32> to vector<48x192xf32>
    %dot_general3A_165 = arith.constant dense<0.000000e+00> : vector<3552x192xf32>
    %dot_general3A_166 = tpu.matmul %get3A_159, %get3A_164, %dot_general3A_165 {dimension_numbers = #tpu.dot_dimension_numbers<[1], [0], [0], [1], [0, 0, 1, 1], [], []>, transpose_lhs_hint = false} : vector<3552x48xf32>, vector<48x192xf32>, vector<3552x192xf32> -> vector<3552x192xf32>
    %get3A_167 = arith.constant 0 : index
    %get3A_168 = arith.constant 59 : index
    %get3A_169 = arith.constant 0 : index
    %get3A_170 = vector.load %arg1[%get3A_167, %get3A_168, %get3A_169] : memref<1x3616x48xf32, #tpu.memory_space<vmem>>, vector<1x3552x48xf32>
    %get3A_171 = vector.shape_cast %get3A_170 : vector<1x3552x48xf32> to vector<3552x48xf32>
    %get3A_172 = arith.constant 4 : index
    %get3A_173 = arith.constant 0 : index
    %get3A_174 = arith.constant 0 : index
    %get3A_175 = vector.load %arg2[%get3A_172, %get3A_173, %get3A_174] : memref<9x48x192xf32, #tpu.memory_space<vmem>>, vector<1x48x192xf32>
    %get3A_176 = vector.shape_cast %get3A_175 : vector<1x48x192xf32> to vector<48x192xf32>
    %dot_general3A_177 = arith.constant dense<0.000000e+00> : vector<3552x192xf32>
    %dot_general3A_178 = tpu.matmul %get3A_171, %get3A_176, %dot_general3A_177 {dimension_numbers = #tpu.dot_dimension_numbers<[1], [0], [0], [1], [0, 0, 1, 1], [], []>, transpose_lhs_hint = false} : vector<3552x48xf32>, vector<48x192xf32>, vector<3552x192xf32> -> vector<3552x192xf32>
    %add3A_179 = arith.addf %dot_general3A_166, %dot_general3A_178 : vector<3552x192xf32>
    %mul3A_180 = arith.constant 2 : i32
    %mul3A_181 = vector.broadcast %mul3A_180 : i32 to vector<3552x1xi32>
    %mul3A_182 = arith.muli %mul3A_181, %select_n3A : vector<3552x1xi32>
    %add3A_183 = arith.constant 1 : i32
    %add3A_184 = vector.broadcast %add3A_183 : i32 to vector<3552x1xi32>
    %add3A_185 = arith.addi %mul3A_182, %add3A_184 : vector<3552x1xi32>
    %sub3A_186 = arith.constant 1 : i32
    %sub3A_187 = vector.broadcast %sub3A_186 : i32 to vector<3552x1xi32>
    %sub3A_188 = arith.subi %add3A_185, %sub3A_187 : vector<3552x1xi32>
    %mul3A_189 = arith.constant 2 : i32
    %mul3A_190 = vector.broadcast %mul3A_189 : i32 to vector<3552x1xi32>
    %mul3A_191 = arith.muli %mul3A_190, %sub3A_25 : vector<3552x1xi32>
    %add3A_192 = arith.constant 0 : i32
    %add3A_193 = vector.broadcast %add3A_192 : i32 to vector<3552x1xi32>
    %add3A_194 = arith.addi %mul3A_191, %add3A_193 : vector<3552x1xi32>
    %sub3A_195 = arith.constant 1 : i32
    %sub3A_196 = vector.broadcast %sub3A_195 : i32 to vector<3552x1xi32>
    %sub3A_197 = arith.subi %add3A_194, %sub3A_196 : vector<3552x1xi32>
    %ge3A_198 = arith.constant 0 : i32
    %ge3A_199 = vector.broadcast %ge3A_198 : i32 to vector<3552x1xi32>
    %ge3A_200 = arith.cmpi sge, %sub3A_188, %ge3A_199 : vector<3552x1xi32>
    %le3A_201 = arith.constant 112 : i32
    %le3A_202 = vector.broadcast %le3A_201 : i32 to vector<3552x1xi32>
    %le3A_203 = arith.cmpi sle, %sub3A_188, %le3A_202 : vector<3552x1xi32>
    %and3A_204 = arith.andi %ge3A_200, %le3A_203 : vector<3552x1xi1>
    %ge3A_205 = arith.constant 0 : i32
    %ge3A_206 = vector.broadcast %ge3A_205 : i32 to vector<3552x1xi32>
    %ge3A_207 = arith.cmpi sge, %sub3A_197, %ge3A_206 : vector<3552x1xi32>
    %and3A_208 = arith.andi %and3A_204, %ge3A_207 : vector<3552x1xi1>
    %le3A_209 = arith.constant 112 : i32
    %le3A_210 = vector.broadcast %le3A_209 : i32 to vector<3552x1xi32>
    %le3A_211 = arith.cmpi sle, %sub3A_197, %le3A_210 : vector<3552x1xi32>
    %and3A_212 = arith.andi %and3A_208, %le3A_211 : vector<3552x1xi1>
    %lt3A_213 = arith.constant 3481 : i32
    %lt3A_214 = vector.broadcast %lt3A_213 : i32 to vector<3552x1xi32>
    %lt3A_215 = arith.cmpi slt, %iota3A, %lt3A_214 : vector<3552x1xi32>
    %and3A_216 = arith.andi %and3A_212, %lt3A_215 : vector<3552x1xi1>
    %get3A_217 = arith.constant 0 : index
    %get3A_218 = arith.constant 0 : index
    %get3A_219 = vector.load %arg3[%get3A_217, %get3A_218] : memref<1x192xf32, #tpu.memory_space<vmem>>, vector<1x192xf32>
    %add3A_220 = vector.broadcast %get3A_219 : vector<1x192xf32> to vector<3552x192xf32>
    %add3A_221 = arith.addf %add3A_179, %add3A_220 : vector<3552x192xf32>
    %max3A_222 = arith.constant 0.000000e+00 : f32
    %max3A_223 = vector.broadcast %max3A_222 : f32 to vector<3552x192xf32>
    %max3A_224 = arith.maximumf %add3A_221, %max3A_223 : vector<3552x192xf32>
    %jit3A_225 = arith.constant 0.000000e+00 : f32
    %broadcast_in_dim3A_226 = vector.shape_cast %and3A_216 : vector<3552x1xi1> to vector<3552x1xi1>
    %broadcast_in_dim3A_227 = vector.broadcast %broadcast_in_dim3A_226 : vector<3552x1xi1> to vector<3552x192xi1>
    %broadcast_in_dim3A_228 = vector.broadcast %jit3A_225 : f32 to vector<3552x192xf32>
    %select_n3A_229 = arith.select %broadcast_in_dim3A_227, %max3A_224, %broadcast_in_dim3A_228 : vector<3552x192xi1>, vector<3552x192xf32>
    %get3A_230 = arith.constant 0 : index
    %get3A_231 = arith.constant 0 : index
    %get3A_232 = arith.constant 0 : index
    %get3A_233 = vector.load %arg1[%get3A_230, %get3A_231, %get3A_232] : memref<1x3616x48xf32, #tpu.memory_space<vmem>>, vector<1x3552x48xf32>
    %get3A_234 = vector.shape_cast %get3A_233 : vector<1x3552x48xf32> to vector<3552x48xf32>
    %get3A_235 = arith.constant 5 : index
    %get3A_236 = arith.constant 0 : index
    %get3A_237 = arith.constant 0 : index
    %get3A_238 = vector.load %arg2[%get3A_235, %get3A_236, %get3A_237] : memref<9x48x192xf32, #tpu.memory_space<vmem>>, vector<1x48x192xf32>
    %get3A_239 = vector.shape_cast %get3A_238 : vector<1x48x192xf32> to vector<48x192xf32>
    %dot_general3A_240 = arith.constant dense<0.000000e+00> : vector<3552x192xf32>
    %dot_general3A_241 = tpu.matmul %get3A_234, %get3A_239, %dot_general3A_240 {dimension_numbers = #tpu.dot_dimension_numbers<[1], [0], [0], [1], [0, 0, 1, 1], [], []>, transpose_lhs_hint = false} : vector<3552x48xf32>, vector<48x192xf32>, vector<3552x192xf32> -> vector<3552x192xf32>
    %get3A_242 = arith.constant 0 : index
    %get3A_243 = arith.constant 1 : index
    %get3A_244 = arith.constant 0 : index
    %get3A_245 = vector.load %arg1[%get3A_242, %get3A_243, %get3A_244] : memref<1x3616x48xf32, #tpu.memory_space<vmem>>, vector<1x3552x48xf32>
    %get3A_246 = vector.shape_cast %get3A_245 : vector<1x3552x48xf32> to vector<3552x48xf32>
    %get3A_247 = arith.constant 6 : index
    %get3A_248 = arith.constant 0 : index
    %get3A_249 = arith.constant 0 : index
    %get3A_250 = vector.load %arg2[%get3A_247, %get3A_248, %get3A_249] : memref<9x48x192xf32, #tpu.memory_space<vmem>>, vector<1x48x192xf32>
    %get3A_251 = vector.shape_cast %get3A_250 : vector<1x48x192xf32> to vector<48x192xf32>
    %dot_general3A_252 = arith.constant dense<0.000000e+00> : vector<3552x192xf32>
    %dot_general3A_253 = tpu.matmul %get3A_246, %get3A_251, %dot_general3A_252 {dimension_numbers = #tpu.dot_dimension_numbers<[1], [0], [0], [1], [0, 0, 1, 1], [], []>, transpose_lhs_hint = false} : vector<3552x48xf32>, vector<48x192xf32>, vector<3552x192xf32> -> vector<3552x192xf32>
    %add3A_254 = arith.addf %dot_general3A_241, %dot_general3A_253 : vector<3552x192xf32>
    %get3A_255 = arith.constant 0 : index
    %get3A_256 = arith.constant 59 : index
    %get3A_257 = arith.constant 0 : index
    %get3A_258 = vector.load %arg1[%get3A_255, %get3A_256, %get3A_257] : memref<1x3616x48xf32, #tpu.memory_space<vmem>>, vector<1x3552x48xf32>
    %get3A_259 = vector.shape_cast %get3A_258 : vector<1x3552x48xf32> to vector<3552x48xf32>
    %get3A_260 = arith.constant 7 : index
    %get3A_261 = arith.constant 0 : index
    %get3A_262 = arith.constant 0 : index
    %get3A_263 = vector.load %arg2[%get3A_260, %get3A_261, %get3A_262] : memref<9x48x192xf32, #tpu.memory_space<vmem>>, vector<1x48x192xf32>
    %get3A_264 = vector.shape_cast %get3A_263 : vector<1x48x192xf32> to vector<48x192xf32>
    %dot_general3A_265 = arith.constant dense<0.000000e+00> : vector<3552x192xf32>
    %dot_general3A_266 = tpu.matmul %get3A_259, %get3A_264, %dot_general3A_265 {dimension_numbers = #tpu.dot_dimension_numbers<[1], [0], [0], [1], [0, 0, 1, 1], [], []>, transpose_lhs_hint = false} : vector<3552x48xf32>, vector<48x192xf32>, vector<3552x192xf32> -> vector<3552x192xf32>
    %add3A_267 = arith.addf %add3A_254, %dot_general3A_266 : vector<3552x192xf32>
    %get3A_268 = arith.constant 0 : index
    %get3A_269 = arith.constant 60 : index
    %get3A_270 = arith.constant 0 : index
    %get3A_271 = vector.load %arg1[%get3A_268, %get3A_269, %get3A_270] : memref<1x3616x48xf32, #tpu.memory_space<vmem>>, vector<1x3552x48xf32>
    %get3A_272 = vector.shape_cast %get3A_271 : vector<1x3552x48xf32> to vector<3552x48xf32>
    %get3A_273 = arith.constant 8 : index
    %get3A_274 = arith.constant 0 : index
    %get3A_275 = arith.constant 0 : index
    %get3A_276 = vector.load %arg2[%get3A_273, %get3A_274, %get3A_275] : memref<9x48x192xf32, #tpu.memory_space<vmem>>, vector<1x48x192xf32>
    %get3A_277 = vector.shape_cast %get3A_276 : vector<1x48x192xf32> to vector<48x192xf32>
    %dot_general3A_278 = arith.constant dense<0.000000e+00> : vector<3552x192xf32>
    %dot_general3A_279 = tpu.matmul %get3A_272, %get3A_277, %dot_general3A_278 {dimension_numbers = #tpu.dot_dimension_numbers<[1], [0], [0], [1], [0, 0, 1, 1], [], []>, transpose_lhs_hint = false} : vector<3552x48xf32>, vector<48x192xf32>, vector<3552x192xf32> -> vector<3552x192xf32>
    %add3A_280 = arith.addf %add3A_267, %dot_general3A_279 : vector<3552x192xf32>
    %mul3A_281 = arith.constant 2 : i32
    %mul3A_282 = vector.broadcast %mul3A_281 : i32 to vector<3552x1xi32>
    %mul3A_283 = arith.muli %mul3A_282, %select_n3A : vector<3552x1xi32>
    %add3A_284 = arith.constant 1 : i32
    %add3A_285 = vector.broadcast %add3A_284 : i32 to vector<3552x1xi32>
    %add3A_286 = arith.addi %mul3A_283, %add3A_285 : vector<3552x1xi32>
    %sub3A_287 = arith.constant 1 : i32
    %sub3A_288 = vector.broadcast %sub3A_287 : i32 to vector<3552x1xi32>
    %sub3A_289 = arith.subi %add3A_286, %sub3A_288 : vector<3552x1xi32>
    %mul3A_290 = arith.constant 2 : i32
    %mul3A_291 = vector.broadcast %mul3A_290 : i32 to vector<3552x1xi32>
    %mul3A_292 = arith.muli %mul3A_291, %sub3A_25 : vector<3552x1xi32>
    %add3A_293 = arith.constant 1 : i32
    %add3A_294 = vector.broadcast %add3A_293 : i32 to vector<3552x1xi32>
    %add3A_295 = arith.addi %mul3A_292, %add3A_294 : vector<3552x1xi32>
    %sub3A_296 = arith.constant 1 : i32
    %sub3A_297 = vector.broadcast %sub3A_296 : i32 to vector<3552x1xi32>
    %sub3A_298 = arith.subi %add3A_295, %sub3A_297 : vector<3552x1xi32>
    %ge3A_299 = arith.constant 0 : i32
    %ge3A_300 = vector.broadcast %ge3A_299 : i32 to vector<3552x1xi32>
    %ge3A_301 = arith.cmpi sge, %sub3A_289, %ge3A_300 : vector<3552x1xi32>
    %le3A_302 = arith.constant 112 : i32
    %le3A_303 = vector.broadcast %le3A_302 : i32 to vector<3552x1xi32>
    %le3A_304 = arith.cmpi sle, %sub3A_289, %le3A_303 : vector<3552x1xi32>
    %and3A_305 = arith.andi %ge3A_301, %le3A_304 : vector<3552x1xi1>
    %ge3A_306 = arith.constant 0 : i32
    %ge3A_307 = vector.broadcast %ge3A_306 : i32 to vector<3552x1xi32>
    %ge3A_308 = arith.cmpi sge, %sub3A_298, %ge3A_307 : vector<3552x1xi32>
    %and3A_309 = arith.andi %and3A_305, %ge3A_308 : vector<3552x1xi1>
    %le3A_310 = arith.constant 112 : i32
    %le3A_311 = vector.broadcast %le3A_310 : i32 to vector<3552x1xi32>
    %le3A_312 = arith.cmpi sle, %sub3A_298, %le3A_311 : vector<3552x1xi32>
    %and3A_313 = arith.andi %and3A_309, %le3A_312 : vector<3552x1xi1>
    %lt3A_314 = arith.constant 3481 : i32
    %lt3A_315 = vector.broadcast %lt3A_314 : i32 to vector<3552x1xi32>
    %lt3A_316 = arith.cmpi slt, %iota3A, %lt3A_315 : vector<3552x1xi32>
    %and3A_317 = arith.andi %and3A_313, %lt3A_316 : vector<3552x1xi1>
    %get3A_318 = arith.constant 0 : index
    %get3A_319 = arith.constant 0 : index
    %get3A_320 = vector.load %arg3[%get3A_318, %get3A_319] : memref<1x192xf32, #tpu.memory_space<vmem>>, vector<1x192xf32>
    %add3A_321 = vector.broadcast %get3A_320 : vector<1x192xf32> to vector<3552x192xf32>
    %add3A_322 = arith.addf %add3A_280, %add3A_321 : vector<3552x192xf32>
    %max3A_323 = arith.constant 0.000000e+00 : f32
    %max3A_324 = vector.broadcast %max3A_323 : f32 to vector<3552x192xf32>
    %max3A_325 = arith.maximumf %add3A_322, %max3A_324 : vector<3552x192xf32>
    %jit3A_326 = arith.constant 0.000000e+00 : f32
    %broadcast_in_dim3A_327 = vector.shape_cast %and3A_317 : vector<3552x1xi1> to vector<3552x1xi1>
    %broadcast_in_dim3A_328 = vector.broadcast %broadcast_in_dim3A_327 : vector<3552x1xi1> to vector<3552x192xi1>
    %broadcast_in_dim3A_329 = vector.broadcast %jit3A_326 : f32 to vector<3552x192xf32>
    %select_n3A_330 = arith.select %broadcast_in_dim3A_328, %max3A_325, %broadcast_in_dim3A_329 : vector<3552x192xi1>, vector<3552x192xf32>
    %slice3A = vector.extract_strided_slice %select_n3A_79 {offsets = [0, 0], sizes = [3488, 192], strides = [1, 1]} : vector<3552x192xf32> to vector<3488x192xf32>
    %get3A_331 = arith.constant 0 : index
    %get3A_332 = arith.constant 0 : index
    %get3A_333 = arith.constant 0 : index
    %get3A_334 = vector.load %arg4[%get3A_331, %get3A_332, %get3A_333] : memref<9x192x64xf32, #tpu.memory_space<vmem>>, vector<1x192x64xf32>
    %get3A_335 = vector.shape_cast %get3A_334 : vector<1x192x64xf32> to vector<192x64xf32>
    %dot_general3A_336 = arith.constant dense<0.000000e+00> : vector<3488x64xf32>
    %dot_general3A_337 = tpu.matmul %slice3A, %get3A_335, %dot_general3A_336 {dimension_numbers = #tpu.dot_dimension_numbers<[1], [0], [0], [1], [0, 0, 1, 1], [], []>, transpose_lhs_hint = false} : vector<3488x192xf32>, vector<192x64xf32>, vector<3488x64xf32> -> vector<3488x64xf32>
    %slice3A_338 = vector.extract_strided_slice %select_n3A_154 {offsets = [0, 0], sizes = [3488, 192], strides = [1, 1]} : vector<3552x192xf32> to vector<3488x192xf32>
    %get3A_339 = arith.constant 1 : index
    %get3A_340 = arith.constant 0 : index
    %get3A_341 = arith.constant 0 : index
    %get3A_342 = vector.load %arg4[%get3A_339, %get3A_340, %get3A_341] : memref<9x192x64xf32, #tpu.memory_space<vmem>>, vector<1x192x64xf32>
    %get3A_343 = vector.shape_cast %get3A_342 : vector<1x192x64xf32> to vector<192x64xf32>
    %dot_general3A_344 = arith.constant dense<0.000000e+00> : vector<3488x64xf32>
    %dot_general3A_345 = tpu.matmul %slice3A_338, %get3A_343, %dot_general3A_344 {dimension_numbers = #tpu.dot_dimension_numbers<[1], [0], [0], [1], [0, 0, 1, 1], [], []>, transpose_lhs_hint = false} : vector<3488x192xf32>, vector<192x64xf32>, vector<3488x64xf32> -> vector<3488x64xf32>
    %add3A_346 = arith.addf %dot_general3A_337, %dot_general3A_345 : vector<3488x64xf32>
    %slice3A_347 = vector.extract_strided_slice %select_n3A_79 {offsets = [1, 0], sizes = [3488, 192], strides = [1, 1]} : vector<3552x192xf32> to vector<3488x192xf32>
    %get3A_348 = arith.constant 2 : index
    %get3A_349 = arith.constant 0 : index
    %get3A_350 = arith.constant 0 : index
    %get3A_351 = vector.load %arg4[%get3A_348, %get3A_349, %get3A_350] : memref<9x192x64xf32, #tpu.memory_space<vmem>>, vector<1x192x64xf32>
    %get3A_352 = vector.shape_cast %get3A_351 : vector<1x192x64xf32> to vector<192x64xf32>
    %dot_general3A_353 = arith.constant dense<0.000000e+00> : vector<3488x64xf32>
    %dot_general3A_354 = tpu.matmul %slice3A_347, %get3A_352, %dot_general3A_353 {dimension_numbers = #tpu.dot_dimension_numbers<[1], [0], [0], [1], [0, 0, 1, 1], [], []>, transpose_lhs_hint = false} : vector<3488x192xf32>, vector<192x64xf32>, vector<3488x64xf32> -> vector<3488x64xf32>
    %add3A_355 = arith.addf %add3A_346, %dot_general3A_354 : vector<3488x64xf32>
    %slice3A_356 = vector.extract_strided_slice %select_n3A_229 {offsets = [0, 0], sizes = [3488, 192], strides = [1, 1]} : vector<3552x192xf32> to vector<3488x192xf32>
    %get3A_357 = arith.constant 3 : index
    %get3A_358 = arith.constant 0 : index
    %get3A_359 = arith.constant 0 : index
    %get3A_360 = vector.load %arg4[%get3A_357, %get3A_358, %get3A_359] : memref<9x192x64xf32, #tpu.memory_space<vmem>>, vector<1x192x64xf32>
    %get3A_361 = vector.shape_cast %get3A_360 : vector<1x192x64xf32> to vector<192x64xf32>
    %dot_general3A_362 = arith.constant dense<0.000000e+00> : vector<3488x64xf32>
    %dot_general3A_363 = tpu.matmul %slice3A_356, %get3A_361, %dot_general3A_362 {dimension_numbers = #tpu.dot_dimension_numbers<[1], [0], [0], [1], [0, 0, 1, 1], [], []>, transpose_lhs_hint = false} : vector<3488x192xf32>, vector<192x64xf32>, vector<3488x64xf32> -> vector<3488x64xf32>
    %add3A_364 = arith.addf %add3A_355, %dot_general3A_363 : vector<3488x64xf32>
    %slice3A_365 = vector.extract_strided_slice %select_n3A_330 {offsets = [0, 0], sizes = [3488, 192], strides = [1, 1]} : vector<3552x192xf32> to vector<3488x192xf32>
    %get3A_366 = arith.constant 4 : index
    %get3A_367 = arith.constant 0 : index
    %get3A_368 = arith.constant 0 : index
    %get3A_369 = vector.load %arg4[%get3A_366, %get3A_367, %get3A_368] : memref<9x192x64xf32, #tpu.memory_space<vmem>>, vector<1x192x64xf32>
    %get3A_370 = vector.shape_cast %get3A_369 : vector<1x192x64xf32> to vector<192x64xf32>
    %dot_general3A_371 = arith.constant dense<0.000000e+00> : vector<3488x64xf32>
    %dot_general3A_372 = tpu.matmul %slice3A_365, %get3A_370, %dot_general3A_371 {dimension_numbers = #tpu.dot_dimension_numbers<[1], [0], [0], [1], [0, 0, 1, 1], [], []>, transpose_lhs_hint = false} : vector<3488x192xf32>, vector<192x64xf32>, vector<3488x64xf32> -> vector<3488x64xf32>
    %add3A_373 = arith.addf %add3A_364, %dot_general3A_372 : vector<3488x64xf32>
    %slice3A_374 = vector.extract_strided_slice %select_n3A_229 {offsets = [1, 0], sizes = [3488, 192], strides = [1, 1]} : vector<3552x192xf32> to vector<3488x192xf32>
    %get3A_375 = arith.constant 5 : index
    %get3A_376 = arith.constant 0 : index
    %get3A_377 = arith.constant 0 : index
    %get3A_378 = vector.load %arg4[%get3A_375, %get3A_376, %get3A_377] : memref<9x192x64xf32, #tpu.memory_space<vmem>>, vector<1x192x64xf32>
    %get3A_379 = vector.shape_cast %get3A_378 : vector<1x192x64xf32> to vector<192x64xf32>
    %dot_general3A_380 = arith.constant dense<0.000000e+00> : vector<3488x64xf32>
    %dot_general3A_381 = tpu.matmul %slice3A_374, %get3A_379, %dot_general3A_380 {dimension_numbers = #tpu.dot_dimension_numbers<[1], [0], [0], [1], [0, 0, 1, 1], [], []>, transpose_lhs_hint = false} : vector<3488x192xf32>, vector<192x64xf32>, vector<3488x64xf32> -> vector<3488x64xf32>
    %add3A_382 = arith.addf %add3A_373, %dot_general3A_381 : vector<3488x64xf32>
    %slice3A_383 = vector.extract_strided_slice %select_n3A_79 {offsets = [59, 0], sizes = [3488, 192], strides = [1, 1]} : vector<3552x192xf32> to vector<3488x192xf32>
    %get3A_384 = arith.constant 6 : index
    %get3A_385 = arith.constant 0 : index
    %get3A_386 = arith.constant 0 : index
    %get3A_387 = vector.load %arg4[%get3A_384, %get3A_385, %get3A_386] : memref<9x192x64xf32, #tpu.memory_space<vmem>>, vector<1x192x64xf32>
    %get3A_388 = vector.shape_cast %get3A_387 : vector<1x192x64xf32> to vector<192x64xf32>
    %dot_general3A_389 = arith.constant dense<0.000000e+00> : vector<3488x64xf32>
    %dot_general3A_390 = tpu.matmul %slice3A_383, %get3A_388, %dot_general3A_389 {dimension_numbers = #tpu.dot_dimension_numbers<[1], [0], [0], [1], [0, 0, 1, 1], [], []>, transpose_lhs_hint = false} : vector<3488x192xf32>, vector<192x64xf32>, vector<3488x64xf32> -> vector<3488x64xf32>
    %add3A_391 = arith.addf %add3A_382, %dot_general3A_390 : vector<3488x64xf32>
    %slice3A_392 = vector.extract_strided_slice %select_n3A_154 {offsets = [59, 0], sizes = [3488, 192], strides = [1, 1]} : vector<3552x192xf32> to vector<3488x192xf32>
    %get3A_393 = arith.constant 7 : index
    %get3A_394 = arith.constant 0 : index
    %get3A_395 = arith.constant 0 : index
    %get3A_396 = vector.load %arg4[%get3A_393, %get3A_394, %get3A_395] : memref<9x192x64xf32, #tpu.memory_space<vmem>>, vector<1x192x64xf32>
    %get3A_397 = vector.shape_cast %get3A_396 : vector<1x192x64xf32> to vector<192x64xf32>
    %dot_general3A_398 = arith.constant dense<0.000000e+00> : vector<3488x64xf32>
    %dot_general3A_399 = tpu.matmul %slice3A_392, %get3A_397, %dot_general3A_398 {dimension_numbers = #tpu.dot_dimension_numbers<[1], [0], [0], [1], [0, 0, 1, 1], [], []>, transpose_lhs_hint = false} : vector<3488x192xf32>, vector<192x64xf32>, vector<3488x64xf32> -> vector<3488x64xf32>
    %add3A_400 = arith.addf %add3A_391, %dot_general3A_399 : vector<3488x64xf32>
    %slice3A_401 = vector.extract_strided_slice %select_n3A_79 {offsets = [60, 0], sizes = [3488, 192], strides = [1, 1]} : vector<3552x192xf32> to vector<3488x192xf32>
    %get3A_402 = arith.constant 8 : index
    %get3A_403 = arith.constant 0 : index
    %get3A_404 = arith.constant 0 : index
    %get3A_405 = vector.load %arg4[%get3A_402, %get3A_403, %get3A_404] : memref<9x192x64xf32, #tpu.memory_space<vmem>>, vector<1x192x64xf32>
    %get3A_406 = vector.shape_cast %get3A_405 : vector<1x192x64xf32> to vector<192x64xf32>
    %dot_general3A_407 = arith.constant dense<0.000000e+00> : vector<3488x64xf32>
    %dot_general3A_408 = tpu.matmul %slice3A_401, %get3A_406, %dot_general3A_407 {dimension_numbers = #tpu.dot_dimension_numbers<[1], [0], [0], [1], [0, 0, 1, 1], [], []>, transpose_lhs_hint = false} : vector<3488x192xf32>, vector<192x64xf32>, vector<3488x64xf32> -> vector<3488x64xf32>
    %add3A_409 = arith.addf %add3A_400, %dot_general3A_408 : vector<3488x64xf32>
    %get3A_410 = arith.constant 0 : index
    %get3A_411 = arith.constant 0 : index
    %get3A_412 = vector.load %arg5[%get3A_410, %get3A_411] : memref<1x64xf32, #tpu.memory_space<vmem>>, vector<1x64xf32>
    %add3A_413 = vector.broadcast %get3A_412 : vector<1x64xf32> to vector<3488x64xf32>
    %add3A_414 = arith.addf %add3A_409, %add3A_413 : vector<3488x64xf32>
    %swap3A = arith.constant 0 : index
    %swap3A_415 = arith.constant 0 : index
    %swap3A_416 = arith.constant 0 : index
    %swap3A_417 = vector.load %arg6[%swap3A, %swap3A_415, %swap3A_416] : memref<1x3488x64xf32, #tpu.memory_space<vmem>>, vector<1x3488x64xf32>
    %swap3A_418 = vector.shape_cast %swap3A_417 : vector<1x3488x64xf32> to vector<3488x64xf32>
    %swap3A_419 = vector.shape_cast %add3A_414 : vector<3488x64xf32> to vector<1x3488x64xf32>
    tpu.vector_store %arg6[%swap3A, %swap3A_415, %swap3A_416], %swap3A_419 {strides = array<i32>} : memref<1x3488x64xf32, #tpu.memory_space<vmem>>, vector<1x3488x64xf32>,
    return
  }
  func.func @transform_0(%arg0: i32) -> (i32, i32, i32) {
    %c0_i32 = arith.constant 0 : i32
    %c0_i32_0 = arith.constant 0 : i32
    %c0_i32_1 = arith.constant 0 : i32
    return %arg0, %c0_i32, %c0_i32_0 : i32, i32, i32
  }
  func.func @transform_1(%arg0: i32) -> (i32, i32, i32) {
    %c0_i32 = arith.constant 0 : i32
    %c0_i32_0 = arith.constant 0 : i32
    %c0_i32_1 = arith.constant 0 : i32
    %c0_i32_2 = arith.constant 0 : i32
    return %c0_i32, %c0_i32_0, %c0_i32_1 : i32, i32, i32
  }
  func.func @transform_2(%arg0: i32) -> (i32, i32) {
    %c0_i32 = arith.constant 0 : i32
    %c0_i32_0 = arith.constant 0 : i32
    %c0_i32_1 = arith.constant 0 : i32
    return %c0_i32, %c0_i32_0 : i32, i32
  }
  func.func @transform_3(%arg0: i32) -> (i32, i32, i32) {
    %c0_i32 = arith.constant 0 : i32
    %c0_i32_0 = arith.constant 0 : i32
    %c0_i32_1 = arith.constant 0 : i32
    %c0_i32_2 = arith.constant 0 : i32
    return %c0_i32, %c0_i32_0, %c0_i32_1 : i32, i32, i32
  }
  func.func @transform_4(%arg0: i32) -> (i32, i32) {
    %c0_i32 = arith.constant 0 : i32
    %c0_i32_0 = arith.constant 0 : i32
    %c0_i32_1 = arith.constant 0 : i32
    return %c0_i32, %c0_i32_0 : i32, i32
  }
  func.func @transform_5(%arg0: i32) -> (i32, i32, i32) {
    %c0_i32 = arith.constant 0 : i32
    %c0_i32_0 = arith.constant 0 : i32
    %c0_i32_1 = arith.constant 0 : i32
    return %arg0, %c0_i32, %c0_i32_0 : i32, i32, i32
  }
}

module attributes {stable_mosaic.version = 14 : i64} {
  func.func @_k3_body(%arg0: i32, %arg1: memref<3264x64xf32, #tpu.memory_space<vmem>>, %arg2: memref<512x64xf32, #tpu.memory_space<vmem>>, %arg3: memref<1x1x3264xi32, #tpu.memory_space<vmem>>, %arg4: memref<1x8x128xf32, #tpu.memory_space<vmem>>) attributes {dimension_semantics = [#tpu.dimension_semantics<arbitrary>], iteration_bounds = array<i64: 16>, scalar_prefetch = 0 : i64, scratch_operands = 0 : i64, tpu.core_type = #tpu.core_type<tc>, window_params = [{transform_indices = @transform_0, window_bounds = array<i64: 3264, 64>}, {pipeline_mode = #tpu.pipeline_mode<synchronous>, transform_indices = @transform_1, window_bounds = array<i64: 512, 64>}, {transform_indices = @transform_2, window_bounds = array<i64: 1, 1, 3264>}, {transform_indices = @transform_3, window_bounds = array<i64: 1, 8, 128>}]} {
    %get3A = arith.constant 0 : index
    %get3A_0 = arith.constant 0 : index
    %get3A_1 = vector.load %arg1[%get3A, %get3A_0] : memref<3264x64xf32, #tpu.memory_space<vmem>>, vector<3264x64xf32>
    %get3A_2 = arith.constant 0 : index
    %get3A_3 = arith.constant 0 : index
    %get3A_4 = vector.load %arg2[%get3A_2, %get3A_3] : memref<512x64xf32, #tpu.memory_space<vmem>>, vector<512x64xf32>
    %mul3A = arith.mulf %get3A_4, %get3A_4 : vector<512x64xf32>
    %reduce_sum3A = arith.constant dense<0.000000e+00> : vector<512xf32>
    %reduce_sum3A_5 = vector.multi_reduction <add>, %mul3A, %reduce_sum3A [1] : vector<512x64xf32> to vector<512xf32>
    %mul3A_6 = arith.mulf %get3A_1, %get3A_1 : vector<3264x64xf32>
    %reduce_sum3A_7 = arith.constant dense<0.000000e+00> : vector<3264xf32>
    %reduce_sum3A_8 = vector.multi_reduction <add>, %mul3A_6, %reduce_sum3A_7 [1] : vector<3264x64xf32> to vector<3264xf32>
    %broadcast_in_dim3A = vector.shape_cast %reduce_sum3A_8 : vector<3264xf32> to vector<3264x1xf32>
    %dot_general3A = arith.constant dense<0.000000e+00> : vector<3264x512xf32>
    %dot_general3A_9 = tpu.matmul %get3A_1, %get3A_4, %dot_general3A {dimension_numbers = #tpu.dot_dimension_numbers<[1], [1], [0], [0], [0, 0, 1, 0], [], []>, transpose_lhs_hint = false} : vector<3264x64xf32>, vector<512x64xf32>, vector<3264x512xf32> -> vector<3264x512xf32>
    %broadcast_in_dim3A_10 = vector.shape_cast %reduce_sum3A_5 : vector<512xf32> to vector<1x512xf32>
    %add3A = vector.broadcast %broadcast_in_dim3A : vector<3264x1xf32> to vector<3264x512xf32>
    %add3A_11 = vector.broadcast %broadcast_in_dim3A_10 : vector<1x512xf32> to vector<3264x512xf32>
    %add3A_12 = arith.addf %add3A, %add3A_11 : vector<3264x512xf32>
    %mul3A_13 = arith.constant 2.000000e+00 : f32
    %mul3A_14 = vector.broadcast %mul3A_13 : f32 to vector<3264x512xf32>
    %mul3A_15 = arith.mulf %mul3A_14, %dot_general3A_9 : vector<3264x512xf32>
    %sub3A = arith.subf %add3A_12, %mul3A_15 : vector<3264x512xf32>
    %argmin3A = tpu.reduce_index %sub3A {axis = 1 : i32, kind = #tpu.reduction_kind<arg_min>} : vector<3264x512xf32> -> vector<3264xi32>
    %mul3A_16 = arith.constant 3264 : i32
    %mul3A_17 = arith.muli %arg0, %mul3A_16 : i32
    %iota3A = tpu.iota {dimensions = array<i32: 0>} : vector<3264x1xi32>
    %add3A_18 = vector.broadcast %mul3A_17 : i32 to vector<3264x1xi32>
    %add3A_19 = arith.addi %add3A_18, %iota3A : vector<3264x1xi32>
    %lt3A = arith.constant 51984 : i32
    %lt3A_20 = vector.broadcast %lt3A : i32 to vector<3264x1xi32>
    %lt3A_21 = arith.cmpi slt, %add3A_19, %lt3A_20 : vector<3264x1xi32>
    %convert_element_type3A = arith.extui %lt3A_21 : vector<3264x1xi1> to vector<3264x1xi32>
    %convert_element_type3A_22 = arith.sitofp %convert_element_type3A : vector<3264x1xi32> to vector<3264x1xf32>
    %reduce_min3A = arith.constant dense<0x7F800000> : vector<3264xf32>
    %reduce_min3A_23 = vector.multi_reduction <minimumf>, %sub3A, %reduce_min3A [1] : vector<3264x512xf32> to vector<3264xf32>
    %broadcast_in_dim3A_24 = vector.shape_cast %reduce_min3A_23 : vector<3264xf32> to vector<3264x1xf32>
    %mul3A_25 = arith.mulf %broadcast_in_dim3A_24, %convert_element_type3A_22 : vector<3264x1xf32>
    %swap3A = arith.constant 0 : index
    %swap3A_26 = arith.constant 0 : index
    %swap3A_27 = arith.constant 0 : index
    %swap3A_28 = vector.load %arg3[%swap3A, %swap3A_26, %swap3A_27] : memref<1x1x3264xi32, #tpu.memory_space<vmem>>, vector<1x1x3264xi32>
    %swap3A_29 = vector.shape_cast %swap3A_28 : vector<1x1x3264xi32> to vector<3264xi32>
    %swap3A_30 = vector.shape_cast %argmin3A : vector<3264xi32> to vector<1x1x3264xi32>
    tpu.vector_store %arg3[%swap3A, %swap3A_26, %swap3A_27], %swap3A_30 {strides = array<i32>} : memref<1x1x3264xi32, #tpu.memory_space<vmem>>, vector<1x1x3264xi32>,
    %reduce_sum3A_31 = vector.shape_cast %mul3A_25 : vector<3264x1xf32> to vector<1x3264x1xf32>
    %reduce_sum3A_32 = arith.constant dense<0.000000e+00> : vector<1xf32>
    %reduce_sum3A_33 = vector.multi_reduction <add>, %reduce_sum3A_31, %reduce_sum3A_32 [1, 2] : vector<1x3264x1xf32> to vector<1xf32>
    %reduce_sum3A_34 = vector.shape_cast %reduce_sum3A_33 : vector<1xf32> to vector<1x1x1xf32>
    %reduce_sum3A_35 = vector.extract %reduce_sum3A_34[0, 0, 0] : f32 from vector<1x1x1xf32>
    %broadcast_in_dim3A_36 = vector.broadcast %reduce_sum3A_35 : f32 to vector<8x128xf32>
    %swap3A_37 = arith.constant 0 : index
    %swap3A_38 = arith.constant 0 : index
    %swap3A_39 = arith.constant 0 : index
    %swap3A_40 = vector.load %arg4[%swap3A_37, %swap3A_38, %swap3A_39] : memref<1x8x128xf32, #tpu.memory_space<vmem>>, vector<1x8x128xf32>
    %swap3A_41 = vector.shape_cast %swap3A_40 : vector<1x8x128xf32> to vector<8x128xf32>
    %swap3A_42 = vector.shape_cast %broadcast_in_dim3A_36 : vector<8x128xf32> to vector<1x8x128xf32>
    tpu.vector_store %arg4[%swap3A_37, %swap3A_38, %swap3A_39], %swap3A_42 {strides = array<i32>} : memref<1x8x128xf32, #tpu.memory_space<vmem>>, vector<1x8x128xf32>,
    return
  }
  func.func @transform_0(%arg0: i32) -> (i32, i32) {
    %c0_i32 = arith.constant 0 : i32
    %c0_i32_0 = arith.constant 0 : i32
    return %arg0, %c0_i32 : i32, i32
  }
  func.func @transform_1(%arg0: i32) -> (i32, i32) {
    %c0_i32 = arith.constant 0 : i32
    %c0_i32_0 = arith.constant 0 : i32
    %c0_i32_1 = arith.constant 0 : i32
    return %c0_i32, %c0_i32_0 : i32, i32
  }
  func.func @transform_2(%arg0: i32) -> (i32, i32, i32) {
    %c0_i32 = arith.constant 0 : i32
    %c0_i32_0 = arith.constant 0 : i32
    %c0_i32_1 = arith.constant 0 : i32
    return %arg0, %c0_i32, %c0_i32_0 : i32, i32, i32
  }
  func.func @transform_3(%arg0: i32) -> (i32, i32, i32) {
    %c0_i32 = arith.constant 0 : i32
    %c0_i32_0 = arith.constant 0 : i32
    %c0_i32_1 = arith.constant 0 : i32
    return %arg0, %c0_i32, %c0_i32_0 : i32, i32, i32
  }
}

module attributes {stable_mosaic.version = 14 : i64} {
  func.func @_k45_body(%arg0: i32, %arg1: memref<1x3392x64xf32, #tpu.memory_space<vmem>>, %arg2: memref<9x64x192xf32, #tpu.memory_space<vmem>>, %arg3: memref<1x192xf32, #tpu.memory_space<vmem>>, %arg4: memref<9x192x128xf32, #tpu.memory_space<vmem>>, %arg5: memref<1x128xf32, #tpu.memory_space<vmem>>, %arg6: memref<1x3264x128xf32, #tpu.memory_space<vmem>>) attributes {dimension_semantics = [#tpu.dimension_semantics<arbitrary>], iteration_bounds = array<i64: 16>, scalar_prefetch = 0 : i64, scratch_operands = 0 : i64, tpu.core_type = #tpu.core_type<tc>, window_params = [{transform_indices = @transform_0, window_bounds = array<i64: 1, 3392, 64>}, {pipeline_mode = #tpu.pipeline_mode<synchronous>, transform_indices = @transform_1, window_bounds = array<i64: 9, 64, 192>}, {pipeline_mode = #tpu.pipeline_mode<synchronous>, transform_indices = @transform_2, window_bounds = array<i64: 1, 192>}, {pipeline_mode = #tpu.pipeline_mode<synchronous>, transform_indices = @transform_3, window_bounds = array<i64: 9, 192, 128>}, {pipeline_mode = #tpu.pipeline_mode<synchronous>, transform_indices = @transform_4, window_bounds = array<i64: 1, 128>}, {transform_indices = @transform_5, window_bounds = array<i64: 1, 3264, 128>}]} {
    %get3A = arith.constant 0 : index
    %get3A_0 = arith.constant 0 : index
    %get3A_1 = vector.load %arg3[%get3A, %get3A_0] : memref<1x192xf32, #tpu.memory_space<vmem>>, vector<1x192xf32>
    %get3A_2 = arith.constant 0 : index
    %get3A_3 = arith.constant 0 : index
    %get3A_4 = arith.constant 0 : index
    %get3A_5 = vector.load %arg1[%get3A_2, %get3A_3, %get3A_4] : memref<1x3392x64xf32, #tpu.memory_space<vmem>>, vector<1x3328x64xf32>
    %get3A_6 = vector.shape_cast %get3A_5 : vector<1x3328x64xf32> to vector<3328x64xf32>
    %get3A_7 = arith.constant 0 : index
    %get3A_8 = arith.constant 0 : index
    %get3A_9 = arith.constant 0 : index
    %get3A_10 = vector.load %arg2[%get3A_7, %get3A_8, %get3A_9] : memref<9x64x192xf32, #tpu.memory_space<vmem>>, vector<1x64x192xf32>
    %get3A_11 = vector.shape_cast %get3A_10 : vector<1x64x192xf32> to vector<64x192xf32>
    %dot_general3A = arith.constant dense<0.000000e+00> : vector<3328x192xf32>
    %dot_general3A_12 = tpu.matmul %get3A_6, %get3A_11, %dot_general3A {dimension_numbers = #tpu.dot_dimension_numbers<[1], [0], [0], [1], [0, 0, 1, 1], [], []>, transpose_lhs_hint = false} : vector<3328x64xf32>, vector<64x192xf32>, vector<3328x192xf32> -> vector<3328x192xf32>
    %add3A = vector.broadcast %get3A_1 : vector<1x192xf32> to vector<3328x192xf32>
    %add3A_13 = arith.addf %dot_general3A_12, %add3A : vector<3328x192xf32>
    %max3A = arith.constant 0.000000e+00 : f32
    %max3A_14 = vector.broadcast %max3A : f32 to vector<3328x192xf32>
    %max3A_15 = arith.maximumf %add3A_13, %max3A_14 : vector<3328x192xf32>
    %get3A_16 = arith.constant 0 : index
    %get3A_17 = arith.constant 0 : index
    %get3A_18 = arith.constant 0 : index
    %get3A_19 = vector.load %arg1[%get3A_16, %get3A_17, %get3A_18] : memref<1x3392x64xf32, #tpu.memory_space<vmem>>, vector<1x3328x64xf32>
    %get3A_20 = vector.shape_cast %get3A_19 : vector<1x3328x64xf32> to vector<3328x64xf32>
    %get3A_21 = arith.constant 1 : index
    %get3A_22 = arith.constant 0 : index
    %get3A_23 = arith.constant 0 : index
    %get3A_24 = vector.load %arg2[%get3A_21, %get3A_22, %get3A_23] : memref<9x64x192xf32, #tpu.memory_space<vmem>>, vector<1x64x192xf32>
    %get3A_25 = vector.shape_cast %get3A_24 : vector<1x64x192xf32> to vector<64x192xf32>
    %dot_general3A_26 = arith.constant dense<0.000000e+00> : vector<3328x192xf32>
    %dot_general3A_27 = tpu.matmul %get3A_20, %get3A_25, %dot_general3A_26 {dimension_numbers = #tpu.dot_dimension_numbers<[1], [0], [0], [1], [0, 0, 1, 1], [], []>, transpose_lhs_hint = false} : vector<3328x64xf32>, vector<64x192xf32>, vector<3328x192xf32> -> vector<3328x192xf32>
    %get3A_28 = arith.constant 0 : index
    %get3A_29 = arith.constant 1 : index
    %get3A_30 = arith.constant 0 : index
    %get3A_31 = vector.load %arg1[%get3A_28, %get3A_29, %get3A_30] : memref<1x3392x64xf32, #tpu.memory_space<vmem>>, vector<1x3328x64xf32>
    %get3A_32 = vector.shape_cast %get3A_31 : vector<1x3328x64xf32> to vector<3328x64xf32>
    %get3A_33 = arith.constant 2 : index
    %get3A_34 = arith.constant 0 : index
    %get3A_35 = arith.constant 0 : index
    %get3A_36 = vector.load %arg2[%get3A_33, %get3A_34, %get3A_35] : memref<9x64x192xf32, #tpu.memory_space<vmem>>, vector<1x64x192xf32>
    %get3A_37 = vector.shape_cast %get3A_36 : vector<1x64x192xf32> to vector<64x192xf32>
    %dot_general3A_38 = arith.constant dense<0.000000e+00> : vector<3328x192xf32>
    %dot_general3A_39 = tpu.matmul %get3A_32, %get3A_37, %dot_general3A_38 {dimension_numbers = #tpu.dot_dimension_numbers<[1], [0], [0], [1], [0, 0, 1, 1], [], []>, transpose_lhs_hint = false} : vector<3328x64xf32>, vector<64x192xf32>, vector<3328x192xf32> -> vector<3328x192xf32>
    %add3A_40 = arith.addf %dot_general3A_27, %dot_general3A_39 : vector<3328x192xf32>
    %add3A_41 = vector.broadcast %get3A_1 : vector<1x192xf32> to vector<3328x192xf32>
    %add3A_42 = arith.addf %add3A_40, %add3A_41 : vector<3328x192xf32>
    %max3A_43 = arith.constant 0.000000e+00 : f32
    %max3A_44 = vector.broadcast %max3A_43 : f32 to vector<3328x192xf32>
    %max3A_45 = arith.maximumf %add3A_42, %max3A_44 : vector<3328x192xf32>
    %get3A_46 = arith.constant 0 : index
    %get3A_47 = arith.constant 0 : index
    %get3A_48 = arith.constant 0 : index
    %get3A_49 = vector.load %arg1[%get3A_46, %get3A_47, %get3A_48] : memref<1x3392x64xf32, #tpu.memory_space<vmem>>, vector<1x3328x64xf32>
    %get3A_50 = vector.shape_cast %get3A_49 : vector<1x3328x64xf32> to vector<3328x64xf32>
    %get3A_51 = arith.constant 3 : index
    %get3A_52 = arith.constant 0 : index
    %get3A_53 = arith.constant 0 : index
    %get3A_54 = vector.load %arg2[%get3A_51, %get3A_52, %get3A_53] : memref<9x64x192xf32, #tpu.memory_space<vmem>>, vector<1x64x192xf32>
    %get3A_55 = vector.shape_cast %get3A_54 : vector<1x64x192xf32> to vector<64x192xf32>
    %dot_general3A_56 = arith.constant dense<0.000000e+00> : vector<3328x192xf32>
    %dot_general3A_57 = tpu.matmul %get3A_50, %get3A_55, %dot_general3A_56 {dimension_numbers = #tpu.dot_dimension_numbers<[1], [0], [0], [1], [0, 0, 1, 1], [], []>, transpose_lhs_hint = false} : vector<3328x64xf32>, vector<64x192xf32>, vector<3328x192xf32> -> vector<3328x192xf32>
    %get3A_58 = arith.constant 0 : index
    %get3A_59 = arith.constant 57 : index
    %get3A_60 = arith.constant 0 : index
    %get3A_61 = vector.load %arg1[%get3A_58, %get3A_59, %get3A_60] : memref<1x3392x64xf32, #tpu.memory_space<vmem>>, vector<1x3328x64xf32>
    %get3A_62 = vector.shape_cast %get3A_61 : vector<1x3328x64xf32> to vector<3328x64xf32>
    %get3A_63 = arith.constant 4 : index
    %get3A_64 = arith.constant 0 : index
    %get3A_65 = arith.constant 0 : index
    %get3A_66 = vector.load %arg2[%get3A_63, %get3A_64, %get3A_65] : memref<9x64x192xf32, #tpu.memory_space<vmem>>, vector<1x64x192xf32>
    %get3A_67 = vector.shape_cast %get3A_66 : vector<1x64x192xf32> to vector<64x192xf32>
    %dot_general3A_68 = arith.constant dense<0.000000e+00> : vector<3328x192xf32>
    %dot_general3A_69 = tpu.matmul %get3A_62, %get3A_67, %dot_general3A_68 {dimension_numbers = #tpu.dot_dimension_numbers<[1], [0], [0], [1], [0, 0, 1, 1], [], []>, transpose_lhs_hint = false} : vector<3328x64xf32>, vector<64x192xf32>, vector<3328x192xf32> -> vector<3328x192xf32>
    %add3A_70 = arith.addf %dot_general3A_57, %dot_general3A_69 : vector<3328x192xf32>
    %add3A_71 = vector.broadcast %get3A_1 : vector<1x192xf32> to vector<3328x192xf32>
    %add3A_72 = arith.addf %add3A_70, %add3A_71 : vector<3328x192xf32>
    %max3A_73 = arith.constant 0.000000e+00 : f32
    %max3A_74 = vector.broadcast %max3A_73 : f32 to vector<3328x192xf32>
    %max3A_75 = arith.maximumf %add3A_72, %max3A_74 : vector<3328x192xf32>
    %get3A_76 = arith.constant 0 : index
    %get3A_77 = arith.constant 0 : index
    %get3A_78 = arith.constant 0 : index
    %get3A_79 = vector.load %arg1[%get3A_76, %get3A_77, %get3A_78] : memref<1x3392x64xf32, #tpu.memory_space<vmem>>, vector<1x3328x64xf32>
    %get3A_80 = vector.shape_cast %get3A_79 : vector<1x3328x64xf32> to vector<3328x64xf32>
    %get3A_81 = arith.constant 5 : index
    %get3A_82 = arith.constant 0 : index
    %get3A_83 = arith.constant 0 : index
    %get3A_84 = vector.load %arg2[%get3A_81, %get3A_82, %get3A_83] : memref<9x64x192xf32, #tpu.memory_space<vmem>>, vector<1x64x192xf32>
    %get3A_85 = vector.shape_cast %get3A_84 : vector<1x64x192xf32> to vector<64x192xf32>
    %dot_general3A_86 = arith.constant dense<0.000000e+00> : vector<3328x192xf32>
    %dot_general3A_87 = tpu.matmul %get3A_80, %get3A_85, %dot_general3A_86 {dimension_numbers = #tpu.dot_dimension_numbers<[1], [0], [0], [1], [0, 0, 1, 1], [], []>, transpose_lhs_hint = false} : vector<3328x64xf32>, vector<64x192xf32>, vector<3328x192xf32> -> vector<3328x192xf32>
    %get3A_88 = arith.constant 0 : index
    %get3A_89 = arith.constant 1 : index
    %get3A_90 = arith.constant 0 : index
    %get3A_91 = vector.load %arg1[%get3A_88, %get3A_89, %get3A_90] : memref<1x3392x64xf32, #tpu.memory_space<vmem>>, vector<1x3328x64xf32>
    %get3A_92 = vector.shape_cast %get3A_91 : vector<1x3328x64xf32> to vector<3328x64xf32>
    %get3A_93 = arith.constant 6 : index
    %get3A_94 = arith.constant 0 : index
    %get3A_95 = arith.constant 0 : index
    %get3A_96 = vector.load %arg2[%get3A_93, %get3A_94, %get3A_95] : memref<9x64x192xf32, #tpu.memory_space<vmem>>, vector<1x64x192xf32>
    %get3A_97 = vector.shape_cast %get3A_96 : vector<1x64x192xf32> to vector<64x192xf32>
    %dot_general3A_98 = arith.constant dense<0.000000e+00> : vector<3328x192xf32>
    %dot_general3A_99 = tpu.matmul %get3A_92, %get3A_97, %dot_general3A_98 {dimension_numbers = #tpu.dot_dimension_numbers<[1], [0], [0], [1], [0, 0, 1, 1], [], []>, transpose_lhs_hint = false} : vector<3328x64xf32>, vector<64x192xf32>, vector<3328x192xf32> -> vector<3328x192xf32>
    %add3A_100 = arith.addf %dot_general3A_87, %dot_general3A_99 : vector<3328x192xf32>
    %get3A_101 = arith.constant 0 : index
    %get3A_102 = arith.constant 57 : index
    %get3A_103 = arith.constant 0 : index
    %get3A_104 = vector.load %arg1[%get3A_101, %get3A_102, %get3A_103] : memref<1x3392x64xf32, #tpu.memory_space<vmem>>, vector<1x3328x64xf32>
    %get3A_105 = vector.shape_cast %get3A_104 : vector<1x3328x64xf32> to vector<3328x64xf32>
    %get3A_106 = arith.constant 7 : index
    %get3A_107 = arith.constant 0 : index
    %get3A_108 = arith.constant 0 : index
    %get3A_109 = vector.load %arg2[%get3A_106, %get3A_107, %get3A_108] : memref<9x64x192xf32, #tpu.memory_space<vmem>>, vector<1x64x192xf32>
    %get3A_110 = vector.shape_cast %get3A_109 : vector<1x64x192xf32> to vector<64x192xf32>
    %dot_general3A_111 = arith.constant dense<0.000000e+00> : vector<3328x192xf32>
    %dot_general3A_112 = tpu.matmul %get3A_105, %get3A_110, %dot_general3A_111 {dimension_numbers = #tpu.dot_dimension_numbers<[1], [0], [0], [1], [0, 0, 1, 1], [], []>, transpose_lhs_hint = false} : vector<3328x64xf32>, vector<64x192xf32>, vector<3328x192xf32> -> vector<3328x192xf32>
    %add3A_113 = arith.addf %add3A_100, %dot_general3A_112 : vector<3328x192xf32>
    %get3A_114 = arith.constant 0 : index
    %get3A_115 = arith.constant 58 : index
    %get3A_116 = arith.constant 0 : index
    %get3A_117 = vector.load %arg1[%get3A_114, %get3A_115, %get3A_116] : memref<1x3392x64xf32, #tpu.memory_space<vmem>>, vector<1x3328x64xf32>
    %get3A_118 = vector.shape_cast %get3A_117 : vector<1x3328x64xf32> to vector<3328x64xf32>
    %get3A_119 = arith.constant 8 : index
    %get3A_120 = arith.constant 0 : index
    %get3A_121 = arith.constant 0 : index
    %get3A_122 = vector.load %arg2[%get3A_119, %get3A_120, %get3A_121] : memref<9x64x192xf32, #tpu.memory_space<vmem>>, vector<1x64x192xf32>
    %get3A_123 = vector.shape_cast %get3A_122 : vector<1x64x192xf32> to vector<64x192xf32>
    %dot_general3A_124 = arith.constant dense<0.000000e+00> : vector<3328x192xf32>
    %dot_general3A_125 = tpu.matmul %get3A_118, %get3A_123, %dot_general3A_124 {dimension_numbers = #tpu.dot_dimension_numbers<[1], [0], [0], [1], [0, 0, 1, 1], [], []>, transpose_lhs_hint = false} : vector<3328x64xf32>, vector<64x192xf32>, vector<3328x192xf32> -> vector<3328x192xf32>
    %add3A_126 = arith.addf %add3A_113, %dot_general3A_125 : vector<3328x192xf32>
    %max3A_127 = arith.constant 0.000000e+00 : f32
    %max3A_128 = vector.broadcast %max3A_127 : f32 to vector<3328x192xf32>
    %max3A_129 = arith.maximumf %add3A_126, %max3A_128 : vector<3328x192xf32>
    %slice3A = vector.extract_strided_slice %max3A_15 {offsets = [0, 0], sizes = [3264, 192], strides = [1, 1]} : vector<3328x192xf32> to vector<3264x192xf32>
    %get3A_130 = arith.constant 0 : index
    %get3A_131 = arith.constant 0 : index
    %get3A_132 = arith.constant 0 : index
    %get3A_133 = vector.load %arg4[%get3A_130, %get3A_131, %get3A_132] : memref<9x192x128xf32, #tpu.memory_space<vmem>>, vector<1x192x128xf32>
    %get3A_134 = vector.shape_cast %get3A_133 : vector<1x192x128xf32> to vector<192x128xf32>
    %dot_general3A_135 = arith.constant dense<0.000000e+00> : vector<3264x128xf32>
    %dot_general3A_136 = tpu.matmul %slice3A, %get3A_134, %dot_general3A_135 {dimension_numbers = #tpu.dot_dimension_numbers<[1], [0], [0], [1], [0, 0, 1, 1], [], []>, transpose_lhs_hint = false} : vector<3264x192xf32>, vector<192x128xf32>, vector<3264x128xf32> -> vector<3264x128xf32>
    %slice3A_137 = vector.extract_strided_slice %max3A_45 {offsets = [0, 0], sizes = [3264, 192], strides = [1, 1]} : vector<3328x192xf32> to vector<3264x192xf32>
    %get3A_138 = arith.constant 1 : index
    %get3A_139 = arith.constant 0 : index
    %get3A_140 = arith.constant 0 : index
    %get3A_141 = vector.load %arg4[%get3A_138, %get3A_139, %get3A_140] : memref<9x192x128xf32, #tpu.memory_space<vmem>>, vector<1x192x128xf32>
    %get3A_142 = vector.shape_cast %get3A_141 : vector<1x192x128xf32> to vector<192x128xf32>
    %dot_general3A_143 = arith.constant dense<0.000000e+00> : vector<3264x128xf32>
    %dot_general3A_144 = tpu.matmul %slice3A_137, %get3A_142, %dot_general3A_143 {dimension_numbers = #tpu.dot_dimension_numbers<[1], [0], [0], [1], [0, 0, 1, 1], [], []>, transpose_lhs_hint = false} : vector<3264x192xf32>, vector<192x128xf32>, vector<3264x128xf32> -> vector<3264x128xf32>
    %add3A_145 = arith.addf %dot_general3A_136, %dot_general3A_144 : vector<3264x128xf32>
    %slice3A_146 = vector.extract_strided_slice %max3A_15 {offsets = [1, 0], sizes = [3264, 192], strides = [1, 1]} : vector<3328x192xf32> to vector<3264x192xf32>
    %get3A_147 = arith.constant 2 : index
    %get3A_148 = arith.constant 0 : index
    %get3A_149 = arith.constant 0 : index
    %get3A_150 = vector.load %arg4[%get3A_147, %get3A_148, %get3A_149] : memref<9x192x128xf32, #tpu.memory_space<vmem>>, vector<1x192x128xf32>
    %get3A_151 = vector.shape_cast %get3A_150 : vector<1x192x128xf32> to vector<192x128xf32>
    %dot_general3A_152 = arith.constant dense<0.000000e+00> : vector<3264x128xf32>
    %dot_general3A_153 = tpu.matmul %slice3A_146, %get3A_151, %dot_general3A_152 {dimension_numbers = #tpu.dot_dimension_numbers<[1], [0], [0], [1], [0, 0, 1, 1], [], []>, transpose_lhs_hint = false} : vector<3264x192xf32>, vector<192x128xf32>, vector<3264x128xf32> -> vector<3264x128xf32>
    %add3A_154 = arith.addf %add3A_145, %dot_general3A_153 : vector<3264x128xf32>
    %slice3A_155 = vector.extract_strided_slice %max3A_75 {offsets = [0, 0], sizes = [3264, 192], strides = [1, 1]} : vector<3328x192xf32> to vector<3264x192xf32>
    %get3A_156 = arith.constant 3 : index
    %get3A_157 = arith.constant 0 : index
    %get3A_158 = arith.constant 0 : index
    %get3A_159 = vector.load %arg4[%get3A_156, %get3A_157, %get3A_158] : memref<9x192x128xf32, #tpu.memory_space<vmem>>, vector<1x192x128xf32>
    %get3A_160 = vector.shape_cast %get3A_159 : vector<1x192x128xf32> to vector<192x128xf32>
    %dot_general3A_161 = arith.constant dense<0.000000e+00> : vector<3264x128xf32>
    %dot_general3A_162 = tpu.matmul %slice3A_155, %get3A_160, %dot_general3A_161 {dimension_numbers = #tpu.dot_dimension_numbers<[1], [0], [0], [1], [0, 0, 1, 1], [], []>, transpose_lhs_hint = false} : vector<3264x192xf32>, vector<192x128xf32>, vector<3264x128xf32> -> vector<3264x128xf32>
    %add3A_163 = arith.addf %add3A_154, %dot_general3A_162 : vector<3264x128xf32>
    %slice3A_164 = vector.extract_strided_slice %max3A_129 {offsets = [0, 0], sizes = [3264, 192], strides = [1, 1]} : vector<3328x192xf32> to vector<3264x192xf32>
    %get3A_165 = arith.constant 4 : index
    %get3A_166 = arith.constant 0 : index
    %get3A_167 = arith.constant 0 : index
    %get3A_168 = vector.load %arg4[%get3A_165, %get3A_166, %get3A_167] : memref<9x192x128xf32, #tpu.memory_space<vmem>>, vector<1x192x128xf32>
    %get3A_169 = vector.shape_cast %get3A_168 : vector<1x192x128xf32> to vector<192x128xf32>
    %dot_general3A_170 = arith.constant dense<0.000000e+00> : vector<3264x128xf32>
    %dot_general3A_171 = tpu.matmul %slice3A_164, %get3A_169, %dot_general3A_170 {dimension_numbers = #tpu.dot_dimension_numbers<[1], [0], [0], [1], [0, 0, 1, 1], [], []>, transpose_lhs_hint = false} : vector<3264x192xf32>, vector<192x128xf32>, vector<3264x128xf32> -> vector<3264x128xf32>
    %add3A_172 = arith.addf %add3A_163, %dot_general3A_171 : vector<3264x128xf32>
    %slice3A_173 = vector.extract_strided_slice %max3A_75 {offsets = [1, 0], sizes = [3264, 192], strides = [1, 1]} : vector<3328x192xf32> to vector<3264x192xf32>
    %get3A_174 = arith.constant 5 : index
    %get3A_175 = arith.constant 0 : index
    %get3A_176 = arith.constant 0 : index
    %get3A_177 = vector.load %arg4[%get3A_174, %get3A_175, %get3A_176] : memref<9x192x128xf32, #tpu.memory_space<vmem>>, vector<1x192x128xf32>
    %get3A_178 = vector.shape_cast %get3A_177 : vector<1x192x128xf32> to vector<192x128xf32>
    %dot_general3A_179 = arith.constant dense<0.000000e+00> : vector<3264x128xf32>
    %dot_general3A_180 = tpu.matmul %slice3A_173, %get3A_178, %dot_general3A_179 {dimension_numbers = #tpu.dot_dimension_numbers<[1], [0], [0], [1], [0, 0, 1, 1], [], []>, transpose_lhs_hint = false} : vector<3264x192xf32>, vector<192x128xf32>, vector<3264x128xf32> -> vector<3264x128xf32>
    %add3A_181 = arith.addf %add3A_172, %dot_general3A_180 : vector<3264x128xf32>
    %slice3A_182 = vector.extract_strided_slice %max3A_15 {offsets = [57, 0], sizes = [3264, 192], strides = [1, 1]} : vector<3328x192xf32> to vector<3264x192xf32>
    %get3A_183 = arith.constant 6 : index
    %get3A_184 = arith.constant 0 : index
    %get3A_185 = arith.constant 0 : index
    %get3A_186 = vector.load %arg4[%get3A_183, %get3A_184, %get3A_185] : memref<9x192x128xf32, #tpu.memory_space<vmem>>, vector<1x192x128xf32>
    %get3A_187 = vector.shape_cast %get3A_186 : vector<1x192x128xf32> to vector<192x128xf32>
    %dot_general3A_188 = arith.constant dense<0.000000e+00> : vector<3264x128xf32>
    %dot_general3A_189 = tpu.matmul %slice3A_182, %get3A_187, %dot_general3A_188 {dimension_numbers = #tpu.dot_dimension_numbers<[1], [0], [0], [1], [0, 0, 1, 1], [], []>, transpose_lhs_hint = false} : vector<3264x192xf32>, vector<192x128xf32>, vector<3264x128xf32> -> vector<3264x128xf32>
    %add3A_190 = arith.addf %add3A_181, %dot_general3A_189 : vector<3264x128xf32>
    %slice3A_191 = vector.extract_strided_slice %max3A_45 {offsets = [57, 0], sizes = [3264, 192], strides = [1, 1]} : vector<3328x192xf32> to vector<3264x192xf32>
    %get3A_192 = arith.constant 7 : index
    %get3A_193 = arith.constant 0 : index
    %get3A_194 = arith.constant 0 : index
    %get3A_195 = vector.load %arg4[%get3A_192, %get3A_193, %get3A_194] : memref<9x192x128xf32, #tpu.memory_space<vmem>>, vector<1x192x128xf32>
    %get3A_196 = vector.shape_cast %get3A_195 : vector<1x192x128xf32> to vector<192x128xf32>
    %dot_general3A_197 = arith.constant dense<0.000000e+00> : vector<3264x128xf32>
    %dot_general3A_198 = tpu.matmul %slice3A_191, %get3A_196, %dot_general3A_197 {dimension_numbers = #tpu.dot_dimension_numbers<[1], [0], [0], [1], [0, 0, 1, 1], [], []>, transpose_lhs_hint = false} : vector<3264x192xf32>, vector<192x128xf32>, vector<3264x128xf32> -> vector<3264x128xf32>
    %add3A_199 = arith.addf %add3A_190, %dot_general3A_198 : vector<3264x128xf32>
    %slice3A_200 = vector.extract_strided_slice %max3A_15 {offsets = [58, 0], sizes = [3264, 192], strides = [1, 1]} : vector<3328x192xf32> to vector<3264x192xf32>
    %get3A_201 = arith.constant 8 : index
    %get3A_202 = arith.constant 0 : index
    %get3A_203 = arith.constant 0 : index
    %get3A_204 = vector.load %arg4[%get3A_201, %get3A_202, %get3A_203] : memref<9x192x128xf32, #tpu.memory_space<vmem>>, vector<1x192x128xf32>
    %get3A_205 = vector.shape_cast %get3A_204 : vector<1x192x128xf32> to vector<192x128xf32>
    %dot_general3A_206 = arith.constant dense<0.000000e+00> : vector<3264x128xf32>
    %dot_general3A_207 = tpu.matmul %slice3A_200, %get3A_205, %dot_general3A_206 {dimension_numbers = #tpu.dot_dimension_numbers<[1], [0], [0], [1], [0, 0, 1, 1], [], []>, transpose_lhs_hint = false} : vector<3264x192xf32>, vector<192x128xf32>, vector<3264x128xf32> -> vector<3264x128xf32>
    %add3A_208 = arith.addf %add3A_199, %dot_general3A_207 : vector<3264x128xf32>
    %get3A_209 = arith.constant 0 : index
    %get3A_210 = arith.constant 0 : index
    %get3A_211 = vector.load %arg5[%get3A_209, %get3A_210] : memref<1x128xf32, #tpu.memory_space<vmem>>, vector<1x128xf32>
    %add3A_212 = vector.broadcast %get3A_211 : vector<1x128xf32> to vector<3264x128xf32>
    %add3A_213 = arith.addf %add3A_208, %add3A_212 : vector<3264x128xf32>
    %logistic3A = arith.negf %add3A_213 : vector<3264x128xf32>
    %logistic3A_214 = math.exp %logistic3A : vector<3264x128xf32>
    %logistic3A_215 = arith.constant 1.000000e+00 : f32
    %logistic3A_216 = vector.broadcast %logistic3A_215 : f32 to vector<3264x128xf32>
    %logistic3A_217 = arith.addf %logistic3A_216, %logistic3A_214 : vector<3264x128xf32>
    %logistic3A_218 = arith.divf %logistic3A_216, %logistic3A_217 : vector<3264x128xf32>
    %swap3A = arith.constant 0 : index
    %swap3A_219 = arith.constant 0 : index
    %swap3A_220 = arith.constant 0 : index
    %swap3A_221 = vector.load %arg6[%swap3A, %swap3A_219, %swap3A_220] : memref<1x3264x128xf32, #tpu.memory_space<vmem>>, vector<1x3264x128xf32>
    %swap3A_222 = vector.shape_cast %swap3A_221 : vector<1x3264x128xf32> to vector<3264x128xf32>
    %swap3A_223 = vector.shape_cast %logistic3A_218 : vector<3264x128xf32> to vector<1x3264x128xf32>
    tpu.vector_store %arg6[%swap3A, %swap3A_219, %swap3A_220], %swap3A_223 {strides = array<i32>} : memref<1x3264x128xf32, #tpu.memory_space<vmem>>, vector<1x3264x128xf32>,
    return
  }
  func.func @transform_0(%arg0: i32) -> (i32, i32, i32) {
    %c0_i32 = arith.constant 0 : i32
    %c0_i32_0 = arith.constant 0 : i32
    %c0_i32_1 = arith.constant 0 : i32
    return %arg0, %c0_i32, %c0_i32_0 : i32, i32, i32
  }
  func.func @transform_1(%arg0: i32) -> (i32, i32, i32) {
    %c0_i32 = arith.constant 0 : i32
    %c0_i32_0 = arith.constant 0 : i32
    %c0_i32_1 = arith.constant 0 : i32
    %c0_i32_2 = arith.constant 0 : i32
    return %c0_i32, %c0_i32_0, %c0_i32_1 : i32, i32, i32
  }
  func.func @transform_2(%arg0: i32) -> (i32, i32) {
    %c0_i32 = arith.constant 0 : i32
    %c0_i32_0 = arith.constant 0 : i32
    %c0_i32_1 = arith.constant 0 : i32
    return %c0_i32, %c0_i32_0 : i32, i32
  }
  func.func @transform_3(%arg0: i32) -> (i32, i32, i32) {
    %c0_i32 = arith.constant 0 : i32
    %c0_i32_0 = arith.constant 0 : i32
    %c0_i32_1 = arith.constant 0 : i32
    %c0_i32_2 = arith.constant 0 : i32
    return %c0_i32, %c0_i32_0, %c0_i32_1 : i32, i32, i32
  }
  func.func @transform_4(%arg0: i32) -> (i32, i32) {
    %c0_i32 = arith.constant 0 : i32
    %c0_i32_0 = arith.constant 0 : i32
    %c0_i32_1 = arith.constant 0 : i32
    return %c0_i32, %c0_i32_0 : i32, i32
  }
  func.func @transform_5(%arg0: i32) -> (i32, i32, i32) {
    %c0_i32 = arith.constant 0 : i32
    %c0_i32_0 = arith.constant 0 : i32
    %c0_i32_1 = arith.constant 0 : i32
    return %arg0, %c0_i32, %c0_i32_0 : i32, i32, i32
  }
}

</mosaic_0001>

<sc_bundles>
// kernel: kernel.6.cloned.1.call-start
scs
__scs_entry_jumppad:
0x0: {  	(pc) =	sbr.rel $0x88, $3  }
0x1: {  	(tag) =	ssettag $0x0;
	lr =	simm.s32 $0x1  }
0x2: {  	[smem:$0x3F97] =	sst lr;
	_ =	strace $0xD0000000  }
0x3: {  	_ = 	snop  }
0x4: {  	_ = 	snop  }
0x5: {  	_ = 	snop  }
0x6: {  	_ = 	snop  }
0x7: {  	_ = 	snop  }
__scs_overlays_trampoline_lowered:
0x8: {  	[smem:$0x3FA6] =	sst s0  }
0x9: {  	[smem:$0x3FA7] =	sst s1  }
0xa: {  	[smem:$0x3FA8] =	sst s2  }
0xb: {  	[smem:$0x3FA9] =	sst s3  }
0xc: {  	[smem:$0x3FAA] =	sst s4  }
0xd: {  	[smem:$0x3FAB] =	sst s5  }
0xe: {  	[smem:$0x3FAC] =	sst s6  }
0xf: {  	[smem:$0x3FAD] =	sst s7  }
0x10: {  	[smem:$0x3FAE] =	sst s8  }
0x11: {  	[smem:$0x3FAF] =	sst s9;
	s0 =	simm.s32 @!p0 $0x0  }
0x12: {  	s1 =	sld [smem:$0x3F95];
	s0 =	simm.s32 @p0 $0x1  }
0x13: {  	[smem:$0x3FB0] =	sst s0;
	s0 =	simm.s32 @!p1 $0x0  }
0x14: {  	s2 =	sld [smem:$0x3F94];
	s0 =	simm.s32 @p1 $0x1  }
0x15: {  	[smem:$0x3FB1] =	sst s0;
	s0 =	simm.s32 @!p2 $0x0  }
0x16: {  	s3 =	sld [smem:$0x3FDB];
	s0 =	simm.s32 @p2 $0x1  }
0x17: {  	s4 =	simm.s32 $0x1BF5;
	[smem:$0x3FB3] =	sst s0  }
0x18: {  	s0 =	sld [smem:$0x3F96];
	_ =	swait.ge [sflag:s4], $0x0  }
0x19: {  	s7 =	sld [smem:$0x3F97]  }
0x1a: {  	s8 =	sadd.s32 $0xFFFFE003, lr  }
0x1b: {  	s9 =	sadd.s32 $0xFFFFFEF7, lr;
	s5 =	simm.s32 $0xFFFFFFFF;
	p2 =	slt.u32 s8, $0xFFFFF086  }
0x1c: {  	p1 =	slt.u32 s9, $0xF7A;
	s5 =	simm.s32 @!p2 $0x0  }
0x1d: {  	s5 =	simm.s32 @p1 $0x1;
	p0 =	seq.s32 s7, s2  }
0x1e: {  	s7 =	smul.u32 @!p0 $0xF7A, s2;
	p2 =	seq.s32 @!p0 s5, $0x0  }
0x1f: {  	s9 =	smul.u32 $0xF7A, s1;
	s8 =	simm.s32 @!p0 $0x1BF5;
	p2 =	por !p2, p0  }
0x20: {  	[sflag:s8] =	ssyncset.s32 @!p0 $0xFFFFF086;
	s6 =	sadd.s32 @!p0 s3, s7;
	s7 =	simm.s32 @!p0 $0x108  }
0x21: {  	s3 =	sadd.s32 s3, s9;
	s6 =	sadd.s32 @!p0 $0x88, s6;
	s7 =	simm.s32 @p2 $0x1082  }
0x22: {  	[simem:s7], [sflag:s8] =	dma.local @!p0 [hbm:s6], $0xF7A  }
0x23: {  	s9 =	sor.u32 $0xD0000000, s2;
	s6 =	simm.s32 $0x108;
	_ =	swait.ge @!p0 [sflag:s8], $0x0  }
0x24: {  	s3 =	sadd.s32 $0x88, s3;
	s6 =	simm.s32 @!p1 $0x1082;
	[sflag:s4] =	ssyncset.s32 $0xFFFFF086  }
0x25: {  	[simem:s6], [sflag:s4] =	dma.local [hbm:s3], $0xF7A  }
0x26: {  	[smem:$0x3F97] =	sst s1;
	(tag) =	ssettag s2;
	_ =	strace s9  }
0x27: {  	s1 =	sld [smem:$0x3FA7]  }
0x28: {  	s2 =	sld [smem:$0x3FA8]  }
0x29: {  	s4 =	sld [smem:$0x3FAA]  }
0x2a: {  	p0 =	seq.s32 s5, $0x0;
	s5 =	sld [smem:$0x3FAB]  }
0x2b: {  	s6 =	sld [smem:$0x3FAC]  }
0x2c: {  	s7 =	sld [smem:$0x3FAD]  }
0x2d: {  	s3 =	simm.s32 $0x108;
	s8 =	sld [smem:$0x3FAE]  }
0x2e: {  	s3 =	simm.s32 @!p0 $0x1082;
	s9 =	sld [smem:$0x3FAF]  }
0x2f: {  	lr =	sadd.s32 s0, s3;
	s0 =	sld [smem:$0x3FA6]  }
0x30: {  	s3 =	sld [smem:$0x3FA9]  }
0x31: {  	[smem:$0x3FB2] =	sst s10  }
0x32: {  	s10 =	sld [smem:$0x3FB0];
	_ =	sdelay $0x3  }
0x33: {  	p0 =	seq.s32 s10, $0x1;
	s10 =	sld [smem:$0x3FB2];
	_ =	sdelay $0x3  }
0x34: {  	[smem:$0x3FB2] =	sst s10  }
0x35: {  	s10 =	sld [smem:$0x3FB1];
	_ =	sdelay $0x3  }
0x36: {  	p1 =	seq.s32 s10, $0x1;
	s10 =	sld [smem:$0x3FB2];
	_ =	sdelay $0x3  }
0x37: {  	[smem:$0x3FB2] =	sst s10  }
0x38: {  	s10 =	sld [smem:$0x3FB3]  }
0x39: {  	_ = 	snop;
	(pc) =	sbr.ind lr, $3  }
0x3a: {  	_ = 	snop  }
0x3b: {  	_ = 	snop  }
0x3c: {  	p2 =	seq.s32 s10, $0x1;
	s10 =	sld [smem:$0x3FB2]  }
0x3d: {  	_ =	shalt  }
0x3e: {  	_ =	shalt  }
0x3f: {  	_ =	shalt  }
0x40: {  	_ =	shalt  }
0x41: {  	_ =	shalt  }
0x42: {  	_ =	shalt  }
0x43: {  	_ =	shalt  }
0x44: {  	_ =	shalt  }
0x45: {  	_ =	shalt  }
0x46: {  	_ =	shalt  }
0x47: {  	_ =	shalt  }
0x48: {  	_ =	shalt  }
0x49: {  	_ =	shalt  }
0x4a: {  	_ =	shalt  }
0x4b: {  	_ =	shalt  }
0x4c: {  	_ =	shalt  }
0x4d: {  	_ =	shalt  }
0x4e: {  	_ =	shalt  }
0x4f: {  	_ =	shalt  }
0x50: {  	_ =	shalt  }
0x51: {  	_ =	shalt  }
0x52: {  	_ =	shalt  }
0x53: {  	_ =	shalt  }
0x54: {  	_ =	shalt  }
0x55: {  	_ =	shalt  }
0x56: {  	_ =	shalt  }
0x57: {  	_ =	shalt  }
0x58: {  	_ =	shalt  }
0x59: {  	_ =	shalt  }
0x5a: {  	_ =	shalt  }
0x5b: {  	_ =	shalt  }
0x5c: {  	_ =	shalt  }
0x5d: {  	_ =	shalt  }
0x5e: {  	_ =	shalt  }
0x5f: {  	_ =	shalt  }
0x60: {  	_ =	shalt  }
0x61: {  	_ =	shalt  }
0x62: {  	_ =	shalt  }
0x63: {  	_ =	shalt  }
0x64: {  	_ =	shalt  }
0x65: {  	_ =	shalt  }
0x66: {  	_ =	shalt  }
0x67: {  	_ =	shalt  }
0x68: {  	_ =	shalt  }
0x69: {  	_ =	shalt  }
0x6a: {  	_ =	shalt  }
0x6b: {  	_ =	shalt  }
0x6c: {  	_ =	shalt  }
0x6d: {  	_ =	shalt  }
0x6e: {  	_ =	shalt  }
0x6f: {  	_ =	shalt  }
0x70: {  	_ =	shalt  }
0x71: {  	_ =	shalt  }
0x72: {  	_ =	shalt  }
0x73: {  	_ =	shalt  }
0x74: {  	_ =	shalt  }
0x75: {  	_ =	shalt  }
0x76: {  	_ =	shalt  }
0x77: {  	_ =	shalt  }
0x78: {  	_ =	shalt  }
0x79: {  	_ =	shalt  }
0x7a: {  	_ =	shalt  }
0x7b: {  	_ =	shalt  }
0x7c: {  	_ =	shalt  }
0x7d: {  	_ =	shalt  }
0x7e: {  	_ =	shalt  }
0x7f: {  	_ =	shalt  }
0x80: {  	_ =	shalt  }
0x81: {  	_ =	shalt  }
0x82: {  	_ =	shalt  }
0x83: {  	_ =	shalt  }
0x84: {  	_ =	shalt  }
0x85: {  	_ =	shalt  }
0x86: {  	_ =	shalt  }
0x87: {  	_ =	shalt  }
.Lfunc_end0:
.L_simem_size_0:
called_computation_lowered:
.L_overlay_start_0:
0x88: {  	s2 =	sld [smem:$0x3FD9]  }
0x89: {  	s3 =	sld [smem:$0x3FFE];
	_ =	sdelay $0x1  }
0x8a: {  	s1 =	srdreg.scid  }
0x8b: {  	s0 =	sand.u32 $0x1, s1  }
0x8c: {  	s14 =	sshll.u32 s0, $0xA;
	s2 =	sadd.s32 s3, s2  }
0x8d: {  	s2 =	sadd.s32 s2, s14  }
0x8e: {  	[smem:$0x3FBE] =	sst s2  }
0x8f: {  	_ = 	snop  }
0x90: {  	s2 =	sld [smem:$0x3FD0];
	_ =	sdelay $0x2  }
0x91: {  	s15 =	simm.s32 $0xA;
	s4 =	simm.s32 $0x10  }
0x92: {  	[smem:s4], [sflag:s15] =	dma.local [hbm:s2], $0x1  }
0x93: {  	_ =	swait.eq [sflag:s15], $0x1  }
0x94: {  	[sflag:s15] =	ssyncset.done $0x0  }
0x95: {  	[sflag:s15] =	ssyncadd.s32 $0xFFFFFFFF  }
0x96: {  	s16 =	sld [smem:$0x10];
	(tm) =	ssettm $0x1  }
0x97: {  	s17 =	sld [smem:$0x3FFB];
	_ =	sdelay $0x3  }
0x98: {  	_ =	strace s17  }
0x99: {  	s3 =	sld [smem:$0x3FFC];
	_ =	sdelay $0x3  }
0x9a: {  	_ =	strace s3  }
0x9b: {  	s3 =	sld [smem:$0x3FFD];
	_ =	sdelay $0x3  }
0x9c: {  	_ =	strace s3  }
0x9d: {  	_ =	strace $0x8FFFFFFF  }
0x9e: {  	s18 =	sld [smem:$0x3FDB];
	_ =	sdelay $0x1  }
0x9f: {  	s19 =	simm.s32 $_scs_section_size  }
0xa0: {  	s5 =	simm.s32 $_size__tile_overlayer_lowered;
	s6 =	simm.s32 $_tile_overlayer_lowered  }
0xa1: {  	s22 =	simm.s32 $0x1BFF;
	s21 =	sshll.u32 s6, $0x1;
	s3 =	sadd.s32 s19, s18  }
0xa2: {  	s7 =	simm.s32 $0x0;
	s20 =	sshll.u32 s5, $0x1;
	s5 =	sadd.s32 s21, s3  }
0xa3: {  	[timem:s7], [sflag:s22] =	dma.local [hbm:s5], s20  }
0xa4: {  	_ =	swait.ge [sflag:s22], s20  }
0xa5: {  	s4 =	ssub.s32 $0x0, s20;
	[sflag:s22] =	ssyncset.done $0x0  }
0xa6: {  	[sflag:s22] =	ssyncadd.s32 s4;
	_ =	sdelay $0x1  }
0xa7: {  	s23 =	simm.s32 $0x1B8B  }
0xa8: {  	_ =	swait.ge [sflag:s23], $0x1  }
0xa9: {  	[sflag:s23] =	ssyncset.done $0x0  }
0xaa: {  	s25 =	simm.s32 $0x1B8E;
	s24 =	sld [smem:$0x3FFE];
	[sflag:s23] =	ssyncadd.s32 $0xFFFFFFFF  }
0xab: {  	s26 =	simm.s32 $execute0_lowered;
	[smem:$0x3FD2] =	sst s25  }
0xac: {  	s5 =	sshll.u32 s26, $0x1;
	_ =	strace $0x80000046;
	[dreg:$0x1] =	wrdreg $0xFFFFFFFF  }
0xad: {  	s28 =	simm.s32 $_size_execute0_lowered;
	s3 =	sadd.s32 s3, s5;
	[dreg:$0x0] =	wrdreg $0x0  }
0xae: {  	s5 =	sshll.u32 s28, $0x1;
	[dreg:$0x2] =	wrdreg s3  }
0xaf: {  	[dreg:$0x3] =	wrdreg s5  }
0xb0: {  	[dreg:$0x4] =	wrdreg $0xC0  }
0xb1: {  	_ =	task [dreg:s7], $0x5FFFF  }
0xb2: {  	[dreg:$0x1] =	wrdreg $0xFFFFFFFF  }
0xb3: {  	[dreg:$0x0] =	wrdreg $0x60  }
0xb4: {  	[dreg:$0x2] =	wrdreg s16  }
0xb5: {  	[dreg:$0x3] =	wrdreg s24  }
0xb6: {  	[dreg:$0x4] =	wrdreg $0x66800  }
0xb7: {  	[dreg:$0x5] =	wrdreg $0x9  }
0xb8: {  	_ =	task.clear_ibuf [dreg:s7], $0x6FFFF;
	_ =	strace $0x90000046  }
0xb9: {  	s29 =	simm.s32 $0x9;
	_ =	strace $0x80000048  }
0xba: {  	_ =	swait.ge [sflag:s29], $0x1  }
0xbb: {  	[sflag:s29] =	ssyncadd.s32 $0xFFFFFFFF  }
0xbc: {  	_ =	strace $0x90000048  }
0xbd: {  	_ =	sfence  }
0xbe: {  	s30 =	sld [smem:$0x0];
	_ =	sdelay $0x2  }
0xbf: {  	s31 =	sshll.u32 s1, $0xD;
	s1 =	sshrl.u32 s1, $0x2  }
0xc0: {  	s3 =	sand.u32 $0x4000, s31;
	s1 =	sadd.s32 s1, s30  }
0xc1: {  	s0 =	sor.u32 s3, s0;
	s1 =	sshll.u32 s1, $0x11  }
0xc2: {  	s0 =	sor.u32 s1, s0  }
0xc3: {  	s0 =	sadd.s32 $0x8F2B, s0  }
0xc4: {  	[sflag:s0] =	ssyncadd.remote.s32 $0x1  }
0xc5: {  	_ =	sfence.sel $0xFFFF  }
0xc6: {  	[dreg:$0x0] =	wrdreg $0xFFFFFFFF;
	(pc) =	sbr.abs _section_cstart, $3  }
0xc7: {  	[dreg:$0x1] =	wrdreg $0xFFFFFFFF  }
0xc8: {  	_ =	task.clear_ibuf [dreg:s7], $0x2FFFF;
	_ =	strace $0x9FFFFFFF  }
0xc9: {  	(tm) =	ssettm $0x7FFFFFFF  }
tec
execute0_lowered:
.L_overlay_start_1:
0x0: {  	(tag) =	ssettag $0x1  }
0x1: {  	s0 =	rddreg [dreg:$0x0]  }
0x2: {  	s13 =	srdreg.scid;
	s3 =	rddreg [dreg:$0x1]  }
0x3: {  	s4 =	stileid.u32;
	s2 =	rddreg [dreg:$0x2]  }
0x4: {  	[dreg:$0x4] =	wrdreg s0;
	s0 =	sand.u32 $0x1, s13;
	s1 =	sshll.u32 s4, $0x1  }
0x5: {  	s30 =	rddreg [dreg:$0x3];
	s5 =	sor.u32 s0, s1  }
0x6: {  	s10 =	simm.s32 $0x60;
	s9 =	simm.s32 $0x3680;
	s6 =	smul.u32 $0xCC, s5  }
0x7: {  	s1 =	simm.s32 $0x0;
	s0 =	ssub.s32 $0x2, s0;
	s7 =	smul.u32 $0x33000, s5  }
0x8: {  	[smem:$0x7FF] =	sst s1;
	s5 =	smul.u32 $0x6600, s5;
	s26 =	sshrl.u32 s0, $0x1  }
0x9: {  	_ =	strace $0x80000047;
	s0 =	ssub.s32 s0, s26;
	s6 =	sadd.s32 s6, s3  }
0xa: {  	s3 =	sadd.s32 $0x4C00, s3;
	s7 =	sshrl.u32 s7, $0x3;
	s0 =	smax.u32 s0, $0x1  }
0xb: {  	s6 =	sadd.s32 $0x3200, s6;
	s31 =	sadd.s32 $0xFFFFFFFF, s0;
	s0 =	rddreg [dreg:$0x4]  }
0xc: {  	s5 =	sadd.s32 s3, s5;
	s3 =	sadd.s32 s3, s7;
	[dreg:$0x5] =	wrdreg s6  }
0xd: {  	s11 =	simm.s32 $0x2;
	[dreg:$0x6] =	wrdreg s5;
	s14 =	sadd.s32 $0x600, s3  }
0xe: {  	p1 =	por $0x0, $0x0;
	s15 =	sadd.s32 $0xC00, s3;
	[dreg:$0x7] =	wrdreg s14  }
0xf: {  	s12 =	simm.s32 $0x600;
	s16 =	sadd.s32 $0x1200, s3;
	[dreg:$0x8] =	wrdreg s15  }
0x10: {  	p0 =	sne.s32 s4, $0x0;
	s17 =	sadd.s32 $0x1800, s3;
	[dreg:$0x9] =	wrdreg s16  }
0x11: {  	s4 =	simm.s32 $0x3;
	s18 =	sadd.s32 $0x1E00, s3;
	[dreg:$0xa] =	wrdreg s17  }
0x12: {  	s13 =	simm.s32 $0x5A0;
	s19 =	sadd.s32 $0x2400, s3;
	[dreg:$0xb] =	wrdreg s18  }
0x13: {  	s28 =	sshrl.u32 @!p0 s2, $0x3;
	s20 =	sadd.s32 $0x2A00, s3;
	[dreg:$0xc] =	wrdreg s19  }
0x14: {  	s26 =	simm.s32 $0xC0;
	s21 =	sadd.s32 $0x3000, s3;
	[dreg:$0xd] =	wrdreg s20  }
0x15: {  	s7 =	simm.s32 $0x1;
	s22 =	sadd.s32 $0x3600, s3;
	[dreg:$0xe] =	wrdreg s21  }
0x16: {  	s23 =	sadd.s32 $0x3C00, s3;
	s24 =	sadd.s32 $0x4200, s3;
	[dreg:$0xf] =	wrdreg s22  }
0x17: {  	s25 =	sadd.s32 $0x4800, s3;
	s29 =	sadd.s32 $0x4E00, s3;
	[dreg:$0x10] =	wrdreg s23  }
0x18: {  	s8 =	sadd.s32 $0x5400, s3;
	s5 =	sadd.s32 $0x5A00, s3;
	[dreg:$0x11] =	wrdreg s24  }
0x19: {  	s3 =	sadd.s32 $0x6000, s3;
	p2 =	sne.s32 s31, $0x0;
	[dreg:$0x12] =	wrdreg s25  }
.Ltmp0:
0x1a: {  	s6 =	simm.s32 $0x680;
	[dreg:$0x13] =	wrdreg s29;
	(pc) =	sbr.rel @!p2 .LBB2_5-.Ltmp0, $4  }
0x1b: {  	s25 =	simm.s32 $0x120;
	s24 =	simm.s32 $0x180;
	s23 =	simm.s32 $0x1E0  }
0x1c: {  	s22 =	simm.s32 $0x240;
	s21 =	simm.s32 $0x2A0;
	s20 =	simm.s32 $0x300  }
0x1d: {  	s19 =	simm.s32 $0x360;
	s18 =	simm.s32 $0x3C0;
	s17 =	simm.s32 $0x420  }
0x1e: {  	s16 =	simm.s32 $0x480;
	s15 =	simm.s32 $0x4E0;
	s14 =	simm.s32 $0x540  }
0x1f: {  	s29 =	simm.s32 @!p0 $0x1C03;
	s30 =	simm.s32 @!p0 $0x3  }
0x20: {  	[spmem:s28], [sflag:s29] =	dma.local @!p0 [hbm:s0], $0x2000  }
0x21: {  	_ =	swait.ge @!p0 [sflag:s30], $0x2000  }
0x22: {  	[sflag:s30] =	ssyncset.done @!p0 $0x0  }
0x23: {  	s0 =	rddreg [dreg:$0x5];
	[sflag:s30] =	ssyncadd.s32 @!p0 $0xFFFFE000  }
0x24: {  	[tilespmem:s1], [sflag:$0x3] =	stream.linear.gather [hbm4b:s0+s1], $0x660, $0x38;
	[tilespmem:$0x7680] =	vst v63  }
0x25: {  	_ =	swait.ge [sflag:s4], $0x660  }
0x26: {  	[sflag:s4] =	ssyncset.done $0x0  }
0x27: {  	[sflag:s4] =	ssyncadd.s32 $0xFFFFF9A0  }
0x28: {  	[bflag:$0x0] =	sbarrier.arrive $0xFFFF  }
0x29: {  	[tilespmem:s6], [sflag:$0x1] =	stream.indirect.gather [spmem:s2], $0x80, s1, s10, $0xb8;
	[tilespmem:$0x7680] =	vst v63  }
0x2a: {  	_ = 	snop  }
0x2b: {  	[tilespmem:s9], [sflag:$0x2] =	stream.indirect.gather [spmem:s2], $0x80, s10, s10, $0xb8;
	[tilespmem:$0x7680] =	vst v63  }
0x2c: {  	_ =	swait.ge [sflag:s7], $0x3000  }
0x2d: {  	[sflag:s7] =	ssyncset.done $0x0  }
0x2e: {  	s0 =	rddreg [dreg:$0x6];
	[sflag:s7] =	ssyncadd.s32 $0xFFFFD000  }
0x2f: {  	[hbm4b:s0+s1] =	stream.linear.scatter [tilespmem:s6], [sflag:$0x3], $0x3000, $0x38;
	[tilespmem:$0x7680] =	vst v63  }
0x30: {  	_ =	swait.ge [sflag:s4], $0x3000  }
0x31: {  	[sflag:s4] =	ssyncset.done $0x0  }
0x32: {  	[sflag:s4] =	ssyncadd.s32 $0xFFFFD000  }
0x33: {  	[tilespmem:s6], [sflag:$0x1] =	stream.indirect.gather [spmem:s2], $0x80, s26, s10, $0xb8;
	[tilespmem:$0x7680] =	vst v63  }
0x34: {  	_ =	swait.ge [sflag:s11], $0x3000  }
0x35: {  	[sflag:s11] =	ssyncset.done $0x0  }
0x36: {  	s0 =	rddreg [dreg:$0x7];
	[sflag:s11] =	ssyncadd.s32 $0xFFFFD000  }
0x37: {  	[hbm4b:s0+s1] =	stream.linear.scatter [tilespmem:s9], [sflag:$0x3], $0x3000, $0x38;
	[tilespmem:$0x7680] =	vst v63  }
0x38: {  	_ =	swait.ge [sflag:s4], $0x3000  }
0x39: {  	[sflag:s4] =	ssyncset.done $0x0  }
0x3a: {  	[sflag:s4] =	ssyncadd.s32 $0xFFFFD000  }
0x3b: {  	[tilespmem:s9], [sflag:$0x2] =	stream.indirect.gather [spmem:s2], $0x80, s25, s10, $0xb8;
	[tilespmem:$0x7680] =	vst v63  }
0x3c: {  	_ =	swait.ge [sflag:s7], $0x3000  }
0x3d: {  	[sflag:s7] =	ssyncset.done $0x0  }
0x3e: {  	s0 =	rddreg [dreg:$0x8];
	[sflag:s7] =	ssyncadd.s32 $0xFFFFD000  }
0x3f: {  	[hbm4b:s0+s1] =	stream.linear.scatter [tilespmem:s6], [sflag:$0x3], $0x3000, $0x38;
	[tilespmem:$0x7680] =	vst v63  }
0x40: {  	_ =	swait.ge [sflag:s4], $0x3000  }
0x41: {  	[sflag:s4] =	ssyncset.done $0x0  }
0x42: {  	[sflag:s4] =	ssyncadd.s32 $0xFFFFD000  }
0x43: {  	[tilespmem:s6], [sflag:$0x1] =	stream.indirect.gather [spmem:s2], $0x80, s24, s10, $0xb8;
	[tilespmem:$0x7680] =	vst v63  }
0x44: {  	_ =	swait.ge [sflag:s11], $0x3000  }
0x45: {  	[sflag:s11] =	ssyncset.done $0x0  }
0x46: {  	s0 =	rddreg [dreg:$0x9];
	[sflag:s11] =	ssyncadd.s32 $0xFFFFD000  }
0x47: {  	[hbm4b:s0+s1] =	stream.linear.scatter [tilespmem:s9], [sflag:$0x3], $0x3000, $0x38;
	[tilespmem:$0x7680] =	vst v63  }
0x48: {  	_ =	swait.ge [sflag:s4], $0x3000  }
0x49: {  	[sflag:s4] =	ssyncset.done $0x0  }
0x4a: {  	[sflag:s4] =	ssyncadd.s32 $0xFFFFD000  }
0x4b: {  	[tilespmem:s9], [sflag:$0x2] =	stream.indirect.gather [spmem:s2], $0x80, s23, s10, $0xb8;
	[tilespmem:$0x7680] =	vst v63  }
0x4c: {  	_ =	swait.ge [sflag:s7], $0x3000  }
0x4d: {  	[sflag:s7] =	ssyncset.done $0x0  }
0x4e: {  	s0 =	rddreg [dreg:$0xa];
	[sflag:s7] =	ssyncadd.s32 $0xFFFFD000  }
0x4f: {  	[hbm4b:s0+s1] =	stream.linear.scatter [tilespmem:s6], [sflag:$0x3], $0x3000, $0x38;
	[tilespmem:$0x7680] =	vst v63  }
0x50: {  	_ =	swait.ge [sflag:s4], $0x3000  }
0x51: {  	[sflag:s4] =	ssyncset.done $0x0  }
0x52: {  	[sflag:s4] =	ssyncadd.s32 $0xFFFFD000  }
0x53: {  	[tilespmem:s6], [sflag:$0x1] =	stream.indirect.gather [spmem:s2], $0x80, s22, s10, $0xb8;
	[tilespmem:$0x7680] =	vst v63  }
0x54: {  	_ =	swait.ge [sflag:s11], $0x3000  }
0x55: {  	[sflag:s11] =	ssyncset.done $0x0  }
0x56: {  	s0 =	rddreg [dreg:$0xb];
	[sflag:s11] =	ssyncadd.s32 $0xFFFFD000  }
0x57: {  	[hbm4b:s0+s1] =	stream.linear.scatter [tilespmem:s9], [sflag:$0x3], $0x3000, $0x38;
	[tilespmem:$0x7680] =	vst v63  }
0x58: {  	_ =	swait.ge [sflag:s4], $0x3000  }
0x59: {  	[sflag:s4] =	ssyncset.done $0x0  }
0x5a: {  	[sflag:s4] =	ssyncadd.s32 $0xFFFFD000  }
0x5b: {  	[tilespmem:s9], [sflag:$0x2] =	stream.indirect.gather [spmem:s2], $0x80, s21, s10, $0xb8;
	[tilespmem:$0x7680] =	vst v63  }
0x5c: {  	_ =	swait.ge [sflag:s7], $0x3000  }
0x5d: {  	[sflag:s7] =	ssyncset.done $0x0  }
0x5e: {  	s0 =	rddreg [dreg:$0xc];
	[sflag:s7] =	ssyncadd.s32 $0xFFFFD000  }
0x5f: {  	[hbm4b:s0+s1] =	stream.linear.scatter [tilespmem:s6], [sflag:$0x3], $0x3000, $0x38;
	[tilespmem:$0x7680] =	vst v63  }
0x60: {  	_ =	swait.ge [sflag:s4], $0x3000  }
0x61: {  	[sflag:s4] =	ssyncset.done $0x0  }
0x62: {  	[sflag:s4] =	ssyncadd.s32 $0xFFFFD000  }
0x63: {  	[tilespmem:s6], [sflag:$0x1] =	stream.indirect.gather [spmem:s2], $0x80, s20, s10, $0xb8;
	[tilespmem:$0x7680] =	vst v63  }
0x64: {  	_ =	swait.ge [sflag:s11], $0x3000  }
0x65: {  	[sflag:s11] =	ssyncset.done $0x0  }
0x66: {  	s0 =	rddreg [dreg:$0xd];
	[sflag:s11] =	ssyncadd.s32 $0xFFFFD000  }
0x67: {  	[hbm4b:s0+s1] =	stream.linear.scatter [tilespmem:s9], [sflag:$0x3], $0x3000, $0x38;
	[tilespmem:$0x7680] =	vst v63  }
0x68: {  	_ =	swait.ge [sflag:s4], $0x3000  }
0x69: {  	[sflag:s4] =	ssyncset.done $0x0  }
0x6a: {  	[sflag:s4] =	ssyncadd.s32 $0xFFFFD000  }
0x6b: {  	[tilespmem:s9], [sflag:$0x2] =	stream.indirect.gather [spmem:s2], $0x80, s19, s10, $0xb8;
	[tilespmem:$0x7680] =	vst v63  }
0x6c: {  	_ =	swait.ge [sflag:s7], $0x3000  }
0x6d: {  	[sflag:s7] =	ssyncset.done $0x0  }
0x6e: {  	s0 =	rddreg [dreg:$0xe];
	[sflag:s7] =	ssyncadd.s32 $0xFFFFD000  }
0x6f: {  	[hbm4b:s0+s1] =	stream.linear.scatter [tilespmem:s6], [sflag:$0x3], $0x3000, $0x38;
	[tilespmem:$0x7680] =	vst v63  }
0x70: {  	_ =	swait.ge [sflag:s4], $0x3000  }
0x71: {  	[sflag:s4] =	ssyncset.done $0x0  }
0x72: {  	[sflag:s4] =	ssyncadd.s32 $0xFFFFD000  }
0x73: {  	[tilespmem:s6], [sflag:$0x1] =	stream.indirect.gather [spmem:s2], $0x80, s18, s10, $0xb8;
	[tilespmem:$0x7680] =	vst v63  }
0x74: {  	_ =	swait.ge [sflag:s11], $0x3000  }
0x75: {  	[sflag:s11] =	ssyncset.done $0x0  }
0x76: {  	s0 =	rddreg [dreg:$0xf];
	[sflag:s11] =	ssyncadd.s32 $0xFFFFD000  }
0x77: {  	[hbm4b:s0+s1] =	stream.linear.scatter [tilespmem:s9], [sflag:$0x3], $0x3000, $0x38;
	[tilespmem:$0x7680] =	vst v63  }
0x78: {  	_ =	swait.ge [sflag:s4], $0x3000  }
0x79: {  	[sflag:s4] =	ssyncset.done $0x0  }
0x7a: {  	[sflag:s4] =	ssyncadd.s32 $0xFFFFD000  }
0x7b: {  	[tilespmem:s9], [sflag:$0x2] =	stream.indirect.gather [spmem:s2], $0x80, s17, s10, $0xb8;
	[tilespmem:$0x7680] =	vst v63  }
0x7c: {  	_ =	swait.ge [sflag:s7], $0x3000  }
0x7d: {  	[sflag:s7] =	ssyncset.done $0x0  }
0x7e: {  	s0 =	rddreg [dreg:$0x10];
	[sflag:s7] =	ssyncadd.s32 $0xFFFFD000  }
0x7f: {  	[hbm4b:s0+s1] =	stream.linear.scatter [tilespmem:s6], [sflag:$0x3], $0x3000, $0x38;
	[tilespmem:$0x7680] =	vst v63  }
0x80: {  	_ =	swait.ge [sflag:s4], $0x3000  }
0x81: {  	[sflag:s4] =	ssyncset.done $0x0  }
0x82: {  	[sflag:s4] =	ssyncadd.s32 $0xFFFFD000  }
0x83: {  	[tilespmem:s6], [sflag:$0x1] =	stream.indirect.gather [spmem:s2], $0x80, s16, s10, $0xb8;
	[tilespmem:$0x7680] =	vst v63  }
0x84: {  	_ =	swait.ge [sflag:s11], $0x3000  }
0x85: {  	[sflag:s11] =	ssyncset.done $0x0  }
0x86: {  	s0 =	rddreg [dreg:$0x11];
	[sflag:s11] =	ssyncadd.s32 $0xFFFFD000  }
0x87: {  	[hbm4b:s0+s1] =	stream.linear.scatter [tilespmem:s9], [sflag:$0x3], $0x3000, $0x38;
	[tilespmem:$0x7680] =	vst v63  }
0x88: {  	_ =	swait.ge [sflag:s4], $0x3000  }
0x89: {  	[sflag:s4] =	ssyncset.done $0x0  }
0x8a: {  	[sflag:s4] =	ssyncadd.s32 $0xFFFFD000  }
0x8b: {  	[tilespmem:s9], [sflag:$0x2] =	stream.indirect.gather [spmem:s2], $0x80, s15, s10, $0xb8;
	[tilespmem:$0x7680] =	vst v63  }
0x8c: {  	_ =	swait.ge [sflag:s7], $0x3000  }
0x8d: {  	[sflag:s7] =	ssyncset.done $0x0  }
0x8e: {  	s0 =	rddreg [dreg:$0x12];
	[sflag:s7] =	ssyncadd.s32 $0xFFFFD000  }
0x8f: {  	[hbm4b:s0+s1] =	stream.linear.scatter [tilespmem:s6], [sflag:$0x3], $0x3000, $0x38;
	[tilespmem:$0x7680] =	vst v63  }
0x90: {  	_ =	swait.ge [sflag:s4], $0x3000  }
0x91: {  	[sflag:s4] =	ssyncset.done $0x0  }
0x92: {  	[sflag:s4] =	ssyncadd.s32 $0xFFFFD000  }
0x93: {  	[tilespmem:s6], [sflag:$0x1] =	stream.indirect.gather [spmem:s2], $0x80, s14, s10, $0xb8;
	[tilespmem:$0x7680] =	vst v63  }
0x94: {  	_ =	swait.ge [sflag:s11], $0x3000  }
0x95: {  	[sflag:s11] =	ssyncset.done $0x0  }
0x96: {  	s0 =	rddreg [dreg:$0x13];
	[sflag:s11] =	ssyncadd.s32 $0xFFFFD000  }
0x97: {  	[hbm4b:s0+s1] =	stream.linear.scatter [tilespmem:s9], [sflag:$0x3], $0x3000, $0x38;
	[tilespmem:$0x7680] =	vst v63  }
0x98: {  	_ =	swait.ge [sflag:s4], $0x3000  }
0x99: {  	[sflag:s4] =	ssyncset.done $0x0  }
0x9a: {  	[sflag:s4] =	ssyncadd.s32 $0xFFFFD000  }
0x9b: {  	[tilespmem:s9], [sflag:$0x2] =	stream.indirect.gather [spmem:s2], $0x80, s13, s10, $0xb8;
	[tilespmem:$0x7680] =	vst v63  }
0x9c: {  	_ =	swait.ge [sflag:s7], $0x3000  }
0x9d: {  	[sflag:s7] =	ssyncset.done $0x0  }
0x9e: {  	[sflag:s7] =	ssyncadd.s32 $0xFFFFD000  }
0x9f: {  	[hbm4b:s8+s1] =	stream.linear.scatter [tilespmem:s6], [sflag:$0x3], $0x3000, $0x38;
	[tilespmem:$0x7680] =	vst v63  }
0xa0: {  	_ =	swait.ge [sflag:s4], $0x3000  }
0xa1: {  	[sflag:s4] =	ssyncset.done $0x0  }
0xa2: {  	[sflag:s4] =	ssyncadd.s32 $0xFFFFD000  }
0xa3: {  	[tilespmem:s6], [sflag:$0x1] =	stream.indirect.gather [spmem:s2], $0x80, s12, s10, $0xb8;
	[tilespmem:$0x7680] =	vst v63  }
0xa4: {  	_ =	swait.ge [sflag:s11], $0x3000  }
0xa5: {  	[sflag:s11] =	ssyncset.done $0x0  }
0xa6: {  	[sflag:s11] =	ssyncadd.s32 $0xFFFFD000  }
0xa7: {  	[hbm4b:s5+s1] =	stream.linear.scatter [tilespmem:s9], [sflag:$0x3], $0x3000, $0x38;
	[tilespmem:$0x7680] =	vst v63  }
0xa8: {  	_ =	swait.ge [sflag:s4], $0x3000  }
0xa9: {  	[sflag:s4] =	ssyncset.done $0x0  }
0xaa: {  	s31 =	sadd.s32 $0xFFFFFFFF, s31;
	[sflag:s4] =	ssyncadd.s32 $0xFFFFD000  }
0xab: {  	p2 =	sne.s32 s31, $0x0;
	_ =	swait.ge [sflag:s7], $0x3000  }
.Ltmp1:
0xac: {  	[sflag:s7] =	ssyncset.done $0x0;
	(pc) =	sbr.rel @!p2 .LBB2_2-.Ltmp1, $4  }
0xad: {  	[sflag:s7] =	ssyncadd.s32 $0xFFFFD000  }
0xae: {  	[hbm4b:s3+s1] =	stream.linear.scatter [tilespmem:s6], [sflag:$0x3], $0x3000, $0x38;
	[tilespmem:$0x7680] =	vst v63  }
0xaf: {  	_ =	swait.ge [sflag:s4], $0x3000  }
0xb0: {  	p1 =	por $0x1, $0x1;
	s0 =	rddreg [dreg:$0x4];
	[sflag:s4] =	ssyncset.done $0x0  }
.LBB2_3:
0xb1: {  	[sflag:s4] =	ssyncadd.s32 $0xFFFFD000  }
0xb2: {  	[spmem:s28], [sflag:s29] =	dma.local @!p0 [hbm:s0], $0x2000  }
0xb3: {  	_ =	swait.ge @!p0 [sflag:s30], $0x2000  }
0xb4: {  	[sflag:s30] =	ssyncset.done @!p0 $0x0  }
0xb5: {  	s0 =	rddreg [dreg:$0x5];
	[sflag:s30] =	ssyncadd.s32 @!p0 $0xFFFFE000  }
0xb6: {  	[tilespmem:s1], [sflag:$0x3] =	stream.linear.gather [hbm4b:s0+s1], $0x660, $0x38;
	[tilespmem:$0x7680] =	vst v63  }
0xb7: {  	_ =	swait.ge [sflag:s4], $0x660  }
0xb8: {  	[sflag:s4] =	ssyncset.done $0x0  }
0xb9: {  	[sflag:s4] =	ssyncadd.s32 $0xFFFFF9A0  }
0xba: {  	[bflag:$0x0] =	sbarrier.arrive $0xFFFF  }
0xbb: {  	[tilespmem:s6], [sflag:$0x1] =	stream.indirect.gather [spmem:s2], $0x80, s1, s10, $0xb8;
	[tilespmem:$0x7680] =	vst v63  }
0xbc: {  	_ = 	snop  }
0xbd: {  	[tilespmem:s9], [sflag:$0x2] =	stream.indirect.gather [spmem:s2], $0x80, s10, s10, $0xb8;
	[tilespmem:$0x7680] =	vst v63  }
0xbe: {  	_ =	swait.ge [sflag:s7], $0x3000  }
0xbf: {  	[sflag:s7] =	ssyncset.done $0x0  }
0xc0: {  	s0 =	rddreg [dreg:$0x6];
	[sflag:s7] =	ssyncadd.s32 $0xFFFFD000  }
0xc1: {  	[hbm4b:s0+s1] =	stream.linear.scatter [tilespmem:s6], [sflag:$0x3], $0x3000, $0x38;
	[tilespmem:$0x7680] =	vst v63  }
0xc2: {  	_ =	swait.ge [sflag:s4], $0x3000  }
0xc3: {  	[sflag:s4] =	ssyncset.done $0x0  }
0xc4: {  	[sflag:s4] =	ssyncadd.s32 $0xFFFFD000  }
0xc5: {  	[tilespmem:s6], [sflag:$0x1] =	stream.indirect.gather [spmem:s2], $0x80, s26, s10, $0xb8;
	[tilespmem:$0x7680] =	vst v63  }
0xc6: {  	_ =	swait.ge [sflag:s11], $0x3000  }
0xc7: {  	[sflag:s11] =	ssyncset.done $0x0  }
0xc8: {  	s0 =	rddreg [dreg:$0x7];
	[sflag:s11] =	ssyncadd.s32 $0xFFFFD000  }
0xc9: {  	[hbm4b:s0+s1] =	stream.linear.scatter [tilespmem:s9], [sflag:$0x3], $0x3000, $0x38;
	[tilespmem:$0x7680] =	vst v63  }
0xca: {  	_ =	swait.ge [sflag:s4], $0x3000  }
0xcb: {  	[sflag:s4] =	ssyncset.done $0x0  }
0xcc: {  	[sflag:s4] =	ssyncadd.s32 $0xFFFFD000  }
0xcd: {  	[tilespmem:s9], [sflag:$0x2] =	stream.indirect.gather [spmem:s2], $0x80, s25, s10, $0xb8;
	[tilespmem:$0x7680] =	vst v63  }
0xce: {  	_ =	swait.ge [sflag:s7], $0x3000  }
0xcf: {  	[sflag:s7] =	ssyncset.done $0x0  }
0xd0: {  	s0 =	rddreg [dreg:$0x8];
	[sflag:s7] =	ssyncadd.s32 $0xFFFFD000  }
0xd1: {  	[hbm4b:s0+s1] =	stream.linear.scatter [tilespmem:s6], [sflag:$0x3], $0x3000, $0x38;
	[tilespmem:$0x7680] =	vst v63  }
0xd2: {  	_ =	swait.ge [sflag:s4], $0x3000  }
0xd3: {  	[sflag:s4] =	ssyncset.done $0x0  }
0xd4: {  	[sflag:s4] =	ssyncadd.s32 $0xFFFFD000  }
0xd5: {  	[tilespmem:s6], [sflag:$0x1] =	stream.indirect.gather [spmem:s2], $0x80, s24, s10, $0xb8;
	[tilespmem:$0x7680] =	vst v63  }
0xd6: {  	_ =	swait.ge [sflag:s11], $0x3000  }
0xd7: {  	[sflag:s11] =	ssyncset.done $0x0  }
0xd8: {  	s0 =	rddreg [dreg:$0x9];
	[sflag:s11] =	ssyncadd.s32 $0xFFFFD000  }
0xd9: {  	[hbm4b:s0+s1] =	stream.linear.scatter [tilespmem:s9], [sflag:$0x3], $0x3000, $0x38;
	[tilespmem:$0x7680] =	vst v63  }
0xda: {  	_ =	swait.ge [sflag:s4], $0x3000  }
0xdb: {  	[sflag:s4] =	ssyncset.done $0x0  }
0xdc: {  	[sflag:s4] =	ssyncadd.s32 $0xFFFFD000  }
0xdd: {  	[tilespmem:s9], [sflag:$0x2] =	stream.indirect.gather [spmem:s2], $0x80, s23, s10, $0xb8;
	[tilespmem:$0x7680] =	vst v63  }
0xde: {  	_ =	swait.ge [sflag:s7], $0x3000  }
0xdf: {  	[sflag:s7] =	ssyncset.done $0x0  }
0xe0: {  	s0 =	rddreg [dreg:$0xa];
	[sflag:s7] =	ssyncadd.s32 $0xFFFFD000  }
0xe1: {  	[hbm4b:s0+s1] =	stream.linear.scatter [tilespmem:s6], [sflag:$0x3], $0x3000, $0x38;
	[tilespmem:$0x7680] =	vst v63  }
0xe2: {  	_ =	swait.ge [sflag:s4], $0x3000  }
0xe3: {  	[sflag:s4] =	ssyncset.done $0x0  }
0xe4: {  	[sflag:s4] =	ssyncadd.s32 $0xFFFFD000  }
0xe5: {  	[tilespmem:s6], [sflag:$0x1] =	stream.indirect.gather [spmem:s2], $0x80, s22, s10, $0xb8;
	[tilespmem:$0x7680] =	vst v63  }
0xe6: {  	_ =	swait.ge [sflag:s11], $0x3000  }
0xe7: {  	[sflag:s11] =	ssyncset.done $0x0  }
0xe8: {  	s0 =	rddreg [dreg:$0xb];
	[sflag:s11] =	ssyncadd.s32 $0xFFFFD000  }
0xe9: {  	[hbm4b:s0+s1] =	stream.linear.scatter [tilespmem:s9], [sflag:$0x3], $0x3000, $0x38;
	[tilespmem:$0x7680] =	vst v63  }
0xea: {  	_ =	swait.ge [sflag:s4], $0x3000  }
0xeb: {  	[sflag:s4] =	ssyncset.done $0x0  }
0xec: {  	[sflag:s4] =	ssyncadd.s32 $0xFFFFD000  }
0xed: {  	[tilespmem:s9], [sflag:$0x2] =	stream.indirect.gather [spmem:s2], $0x80, s21, s10, $0xb8;
	[tilespmem:$0x7680] =	vst v63  }
0xee: {  	_ =	swait.ge [sflag:s7], $0x3000  }
0xef: {  	[sflag:s7] =	ssyncset.done $0x0  }
0xf0: {  	s0 =	rddreg [dreg:$0xc];
	[sflag:s7] =	ssyncadd.s32 $0xFFFFD000  }
0xf1: {  	[hbm4b:s0+s1] =	stream.linear.scatter [tilespmem:s6], [sflag:$0x3], $0x3000, $0x38;
	[tilespmem:$0x7680] =	vst v63  }
0xf2: {  	_ =	swait.ge [sflag:s4], $0x3000  }
0xf3: {  	[sflag:s4] =	ssyncset.done $0x0  }
0xf4: {  	[sflag:s4] =	ssyncadd.s32 $0xFFFFD000  }
0xf5: {  	[tilespmem:s6], [sflag:$0x1] =	stream.indirect.gather [spmem:s2], $0x80, s20, s10, $0xb8;
	[tilespmem:$0x7680] =	vst v63  }
0xf6: {  	_ =	swait.ge [sflag:s11], $0x3000  }
0xf7: {  	[sflag:s11] =	ssyncset.done $0x0  }
0xf8: {  	s0 =	rddreg [dreg:$0xd];
	[sflag:s11] =	ssyncadd.s32 $0xFFFFD000  }
0xf9: {  	[hbm4b:s0+s1] =	stream.linear.scatter [tilespmem:s9], [sflag:$0x3], $0x3000, $0x38;
	[tilespmem:$0x7680] =	vst v63  }
0xfa: {  	_ =	swait.ge [sflag:s4], $0x3000  }
0xfb: {  	[sflag:s4] =	ssyncset.done $0x0  }
0xfc: {  	[sflag:s4] =	ssyncadd.s32 $0xFFFFD000  }
0xfd: {  	[tilespmem:s9], [sflag:$0x2] =	stream.indirect.gather [spmem:s2], $0x80, s19, s10, $0xb8;
	[tilespmem:$0x7680] =	vst v63  }
0xfe: {  	_ =	swait.ge [sflag:s7], $0x3000  }
0xff: {  	[sflag:s7] =	ssyncset.done $0x0  }
0x100: {  	s0 =	rddreg [dreg:$0xe];
	[sflag:s7] =	ssyncadd.s32 $0xFFFFD000  }
0x101: {  	[hbm4b:s0+s1] =	stream.linear.scatter [tilespmem:s6], [sflag:$0x3], $0x3000, $0x38;
	[tilespmem:$0x7680] =	vst v63  }
0x102: {  	_ =	swait.ge [sflag:s4], $0x3000  }
0x103: {  	[sflag:s4] =	ssyncset.done $0x0  }
0x104: {  	[sflag:s4] =	ssyncadd.s32 $0xFFFFD000  }
0x105: {  	[tilespmem:s6], [sflag:$0x1] =	stream.indirect.gather [spmem:s2], $0x80, s18, s10, $0xb8;
	[tilespmem:$0x7680] =	vst v63  }
0x106: {  	_ =	swait.ge [sflag:s11], $0x3000  }
0x107: {  	[sflag:s11] =	ssyncset.done $0x0  }
0x108: {  	s0 =	rddreg [dreg:$0xf];
	[sflag:s11] =	ssyncadd.s32 $0xFFFFD000  }
0x109: {  	[hbm4b:s0+s1] =	stream.linear.scatter [tilespmem:s9], [sflag:$0x3], $0x3000, $0x38;
	[tilespmem:$0x7680] =	vst v63  }
0x10a: {  	_ =	swait.ge [sflag:s4], $0x3000  }
0x10b: {  	[sflag:s4] =	ssyncset.done $0x0  }
0x10c: {  	[sflag:s4] =	ssyncadd.s32 $0xFFFFD000  }
0x10d: {  	[tilespmem:s9], [sflag:$0x2] =	stream.indirect.gather [spmem:s2], $0x80, s17, s10, $0xb8;
	[tilespmem:$0x7680] =	vst v63  }
0x10e: {  	_ =	swait.ge [sflag:s7], $0x3000  }
0x10f: {  	[sflag:s7] =	ssyncset.done $0x0  }
0x110: {  	s0 =	rddreg [dreg:$0x10];
	[sflag:s7] =	ssyncadd.s32 $0xFFFFD000  }
0x111: {  	[hbm4b:s0+s1] =	stream.linear.scatter [tilespmem:s6], [sflag:$0x3], $0x3000, $0x38;
	[tilespmem:$0x7680] =	vst v63  }
0x112: {  	_ =	swait.ge [sflag:s4], $0x3000  }
0x113: {  	[sflag:s4] =	ssyncset.done $0x0  }
0x114: {  	[sflag:s4] =	ssyncadd.s32 $0xFFFFD000  }
0x115: {  	[tilespmem:s6], [sflag:$0x1] =	stream.indirect.gather [spmem:s2], $0x80, s16, s10, $0xb8;
	[tilespmem:$0x7680] =	vst v63  }
0x116: {  	_ =	swait.ge [sflag:s11], $0x3000  }
0x117: {  	[sflag:s11] =	ssyncset.done $0x0  }
0x118: {  	s0 =	rddreg [dreg:$0x11];
	[sflag:s11] =	ssyncadd.s32 $0xFFFFD000  }
0x119: {  	[hbm4b:s0+s1] =	stream.linear.scatter [tilespmem:s9], [sflag:$0x3], $0x3000, $0x38;
	[tilespmem:$0x7680] =	vst v63  }
0x11a: {  	_ =	swait.ge [sflag:s4], $0x3000  }
0x11b: {  	[sflag:s4] =	ssyncset.done $0x0  }
0x11c: {  	[sflag:s4] =	ssyncadd.s32 $0xFFFFD000  }
0x11d: {  	[tilespmem:s9], [sflag:$0x2] =	stream.indirect.gather [spmem:s2], $0x80, s15, s10, $0xb8;
	[tilespmem:$0x7680] =	vst v63  }
0x11e: {  	_ =	swait.ge [sflag:s7], $0x3000  }
0x11f: {  	[sflag:s7] =	ssyncset.done $0x0  }
0x120: {  	s0 =	rddreg [dreg:$0x12];
	[sflag:s7] =	ssyncadd.s32 $0xFFFFD000  }
0x121: {  	[hbm4b:s0+s1] =	stream.linear.scatter [tilespmem:s6], [sflag:$0x3], $0x3000, $0x38;
	[tilespmem:$0x7680] =	vst v63  }
0x122: {  	_ =	swait.ge [sflag:s4], $0x3000  }
0x123: {  	[sflag:s4] =	ssyncset.done $0x0  }
0x124: {  	[sflag:s4] =	ssyncadd.s32 $0xFFFFD000  }
0x125: {  	[tilespmem:s6], [sflag:$0x1] =	stream.indirect.gather [spmem:s2], $0x80, s14, s10, $0xb8;
	[tilespmem:$0x7680] =	vst v63  }
0x126: {  	_ =	swait.ge [sflag:s11], $0x3000  }
0x127: {  	[sflag:s11] =	ssyncset.done $0x0  }
0x128: {  	s0 =	rddreg [dreg:$0x13];
	[sflag:s11] =	ssyncadd.s32 $0xFFFFD000  }
0x129: {  	[hbm4b:s0+s1] =	stream.linear.scatter [tilespmem:s9], [sflag:$0x3], $0x3000, $0x38;
	[tilespmem:$0x7680] =	vst v63  }
0x12a: {  	_ =	swait.ge [sflag:s4], $0x3000  }
0x12b: {  	[sflag:s4] =	ssyncset.done $0x0  }
0x12c: {  	[sflag:s4] =	ssyncadd.s32 $0xFFFFD000  }
0x12d: {  	[tilespmem:s9], [sflag:$0x2] =	stream.indirect.gather [spmem:s2], $0x80, s13, s10, $0xb8;
	[tilespmem:$0x7680] =	vst v63  }
0x12e: {  	_ =	swait.ge [sflag:s7], $0x3000  }
0x12f: {  	[sflag:s7] =	ssyncset.done $0x0  }
0x130: {  	[sflag:s7] =	ssyncadd.s32 $0xFFFFD000  }
0x131: {  	[hbm4b:s8+s1] =	stream.linear.scatter [tilespmem:s6], [sflag:$0x3], $0x3000, $0x38;
	[tilespmem:$0x7680] =	vst v63  }
0x132: {  	_ =	swait.ge [sflag:s4], $0x3000  }
0x133: {  	[sflag:s4] =	ssyncset.done $0x0  }
0x134: {  	[sflag:s4] =	ssyncadd.s32 $0xFFFFD000  }
0x135: {  	[tilespmem:s6], [sflag:$0x1] =	stream.indirect.gather [spmem:s2], $0x80, s12, s10, $0xb8;
	[tilespmem:$0x7680] =	vst v63  }
0x136: {  	_ =	swait.ge [sflag:s11], $0x3000  }
0x137: {  	[sflag:s11] =	ssyncset.done $0x0  }
0x138: {  	[sflag:s11] =	ssyncadd.s32 $0xFFFFD000  }
0x139: {  	[hbm4b:s5+s1] =	stream.linear.scatter [tilespmem:s9], [sflag:$0x3], $0x3000, $0x38;
	[tilespmem:$0x7680] =	vst v63  }
0x13a: {  	_ =	swait.ge [sflag:s4], $0x3000  }
0x13b: {  	[sflag:s4] =	ssyncset.done $0x0  }
0x13c: {  	s31 =	sadd.s32 $0xFFFFFFFF, s31;
	[sflag:s4] =	ssyncadd.s32 $0xFFFFD000  }
0x13d: {  	p2 =	sne.s32 s31, $0x0;
	_ =	swait.ge [sflag:s7], $0x3000  }
.Ltmp2:
0x13e: {  	[sflag:s7] =	ssyncset.done $0x0;
	(pc) =	sbr.rel @p2 .LBB2_3-.Ltmp2, $4  }
0x13f: {  	[sflag:s7] =	ssyncadd.s32 $0xFFFFD000  }
0x140: {  	[hbm4b:s3+s1] =	stream.linear.scatter [tilespmem:s6], [sflag:$0x3], $0x3000, $0x38;
	[tilespmem:$0x7680] =	vst v63  }
0x141: {  	_ =	swait.ge [sflag:s4], $0x3000  }
0x142: {  	s0 =	rddreg [dreg:$0x4];
	[sflag:s4] =	ssyncset.done $0x0  }
0x143: {  	s30 =	rddreg [dreg:$0x3]  }
.LBB2_5:
0x144: {  	[sflag:s4] =	ssyncadd.s32 @p1 $0xFFFFD000;
	s29 =	simm.s32 @!p0 $0x1C03  }
0x145: {  	[spmem:s28], [sflag:s29] =	dma.local @!p0 [hbm:s0], $0x2000  }
0x146: {  	s0 =	simm.s32 @!p0 $0x3  }
0x147: {  	_ =	swait.ge @!p0 [sflag:s0], $0x2000  }
0x148: {  	[sflag:s0] =	ssyncset.done @!p0 $0x0  }
0x149: {  	s31 =	rddreg [dreg:$0x5];
	[sflag:s0] =	ssyncadd.s32 @!p0 $0xFFFFE000  }
0x14a: {  	[tilespmem:s1], [sflag:$0x3] =	stream.linear.gather [hbm4b:s31+s1], $0x660, $0x38;
	[tilespmem:$0x7680] =	vst v63  }
0x14b: {  	_ =	swait.ge [sflag:s4], $0x660  }
0x14c: {  	[sflag:s4] =	ssyncset.done $0x0  }
0x14d: {  	[sflag:s4] =	ssyncadd.s32 $0xFFFFF9A0  }
0x14e: {  	[bflag:$0x0] =	sbarrier.arrive $0xFFFF  }
0x14f: {  	[tilespmem:s6], [sflag:$0x1] =	stream.indirect.gather [spmem:s2], $0x80, s1, s10, $0xb8;
	[tilespmem:$0x7680] =	vst v63  }
0x150: {  	_ = 	snop  }
0x151: {  	[tilespmem:s9], [sflag:$0x2] =	stream.indirect.gather [spmem:s2], $0x80, s10, s10, $0xb8;
	[tilespmem:$0x7680] =	vst v63  }
0x152: {  	_ =	swait.ge [sflag:s7], $0x3000  }
0x153: {  	[sflag:s7] =	ssyncset.done $0x0  }
0x154: {  	s29 =	rddreg [dreg:$0x6];
	[sflag:s7] =	ssyncadd.s32 $0xFFFFD000  }
0x155: {  	[hbm4b:s29+s1] =	stream.linear.scatter [tilespmem:s6], [sflag:$0x3], $0x3000, $0x38;
	[tilespmem:$0x7680] =	vst v63  }
0x156: {  	_ =	swait.ge [sflag:s4], $0x3000  }
0x157: {  	[sflag:s4] =	ssyncset.done $0x0  }
0x158: {  	[sflag:s4] =	ssyncadd.s32 $0xFFFFD000  }
0x159: {  	[tilespmem:s6], [sflag:$0x1] =	stream.indirect.gather [spmem:s2], $0x80, s26, s10, $0xb8;
	[tilespmem:$0x7680] =	vst v63  }
0x15a: {  	_ =	swait.ge [sflag:s11], $0x3000  }
0x15b: {  	[sflag:s11] =	ssyncset.done $0x0  }
0x15c: {  	s31 =	rddreg [dreg:$0x7];
	[sflag:s11] =	ssyncadd.s32 $0xFFFFD000  }
0x15d: {  	[hbm4b:s31+s1] =	stream.linear.scatter [tilespmem:s9], [sflag:$0x3], $0x3000, $0x38;
	[tilespmem:$0x7680] =	vst v63  }
0x15e: {  	_ =	swait.ge [sflag:s4], $0x3000  }
0x15f: {  	[sflag:s4] =	ssyncset.done $0x0  }
0x160: {  	[sflag:s4] =	ssyncadd.s32 $0xFFFFD000  }
0x161: {  	[tilespmem:s9], [sflag:$0x2] =	stream.indirect.gather [spmem:s2], $0x80, s25, s10, $0xb8;
	[tilespmem:$0x7680] =	vst v63  }
0x162: {  	_ =	swait.ge [sflag:s7], $0x3000  }
0x163: {  	[sflag:s7] =	ssyncset.done $0x0  }
0x164: {  	s26 =	rddreg [dreg:$0x8];
	[sflag:s7] =	ssyncadd.s32 $0xFFFFD000  }
0x165: {  	[hbm4b:s26+s1] =	stream.linear.scatter [tilespmem:s6], [sflag:$0x3], $0x3000, $0x38;
	[tilespmem:$0x7680] =	vst v63  }
0x166: {  	_ =	swait.ge [sflag:s4], $0x3000  }
0x167: {  	[sflag:s4] =	ssyncset.done $0x0  }
0x168: {  	[sflag:s4] =	ssyncadd.s32 $0xFFFFD000  }
0x169: {  	[tilespmem:s6], [sflag:$0x1] =	stream.indirect.gather [spmem:s2], $0x80, s24, s10, $0xb8;
	[tilespmem:$0x7680] =	vst v63  }
0x16a: {  	_ =	swait.ge [sflag:s11], $0x3000  }
0x16b: {  	[sflag:s11] =	ssyncset.done $0x0  }
0x16c: {  	s28 =	rddreg [dreg:$0x9];
	[sflag:s11] =	ssyncadd.s32 $0xFFFFD000  }
0x16d: {  	[hbm4b:s28+s1] =	stream.linear.scatter [tilespmem:s9], [sflag:$0x3], $0x3000, $0x38;
	[tilespmem:$0x7680] =	vst v63  }
0x16e: {  	_ =	swait.ge [sflag:s4], $0x3000  }
0x16f: {  	[sflag:s4] =	ssyncset.done $0x0  }
0x170: {  	[sflag:s4] =	ssyncadd.s32 $0xFFFFD000  }
0x171: {  	[tilespmem:s9], [sflag:$0x2] =	stream.indirect.gather [spmem:s2], $0x80, s23, s10, $0xb8;
	[tilespmem:$0x7680] =	vst v63  }
0x172: {  	_ =	swait.ge [sflag:s7], $0x3000  }
0x173: {  	[sflag:s7] =	ssyncset.done $0x0  }
0x174: {  	s29 =	rddreg [dreg:$0xa];
	[sflag:s7] =	ssyncadd.s32 $0xFFFFD000  }
0x175: {  	[hbm4b:s29+s1] =	stream.linear.scatter [tilespmem:s6], [sflag:$0x3], $0x3000, $0x38;
	[tilespmem:$0x7680] =	vst v63  }
0x176: {  	_ =	swait.ge [sflag:s4], $0x3000  }
0x177: {  	[sflag:s4] =	ssyncset.done $0x0  }
0x178: {  	[sflag:s4] =	ssyncadd.s32 $0xFFFFD000  }
0x179: {  	[tilespmem:s6], [sflag:$0x1] =	stream.indirect.gather [spmem:s2], $0x80, s22, s10, $0xb8;
	[tilespmem:$0x7680] =	vst v63  }
0x17a: {  	_ =	swait.ge [sflag:s11], $0x3000  }
0x17b: {  	[sflag:s11] =	ssyncset.done $0x0  }
0x17c: {  	s31 =	rddreg [dreg:$0xb];
	[sflag:s11] =	ssyncadd.s32 $0xFFFFD000  }
0x17d: {  	[hbm4b:s31+s1] =	stream.linear.scatter [tilespmem:s9], [sflag:$0x3], $0x3000, $0x38;
	[tilespmem:$0x7680] =	vst v63  }
0x17e: {  	_ =	swait.ge [sflag:s4], $0x3000  }
0x17f: {  	[sflag:s4] =	ssyncset.done $0x0  }
0x180: {  	[sflag:s4] =	ssyncadd.s32 $0xFFFFD000  }
0x181: {  	[tilespmem:s9], [sflag:$0x2] =	stream.indirect.gather [spmem:s2], $0x80, s21, s10, $0xb8;
	[tilespmem:$0x7680] =	vst v63  }
0x182: {  	_ =	swait.ge [sflag:s7], $0x3000  }
0x183: {  	[sflag:s7] =	ssyncset.done $0x0  }
0x184: {  	s22 =	rddreg [dreg:$0xc];
	[sflag:s7] =	ssyncadd.s32 $0xFFFFD000  }
0x185: {  	[hbm4b:s22+s1] =	stream.linear.scatter [tilespmem:s6], [sflag:$0x3], $0x3000, $0x38;
	[tilespmem:$0x7680] =	vst v63  }
0x186: {  	_ =	swait.ge [sflag:s4], $0x3000  }
0x187: {  	[sflag:s4] =	ssyncset.done $0x0  }
0x188: {  	[sflag:s4] =	ssyncadd.s32 $0xFFFFD000  }
0x189: {  	[tilespmem:s6], [sflag:$0x1] =	stream.indirect.gather [spmem:s2], $0x80, s20, s10, $0xb8;
	[tilespmem:$0x7680] =	vst v63  }
0x18a: {  	_ =	swait.ge [sflag:s11], $0x3000  }
0x18b: {  	[sflag:s11] =	ssyncset.done $0x0  }
0x18c: {  	s23 =	rddreg [dreg:$0xd];
	[sflag:s11] =	ssyncadd.s32 $0xFFFFD000  }
0x18d: {  	[hbm4b:s23+s1] =	stream.linear.scatter [tilespmem:s9], [sflag:$0x3], $0x3000, $0x38;
	[tilespmem:$0x7680] =	vst v63  }
0x18e: {  	_ =	swait.ge [sflag:s4], $0x3000  }
0x18f: {  	[sflag:s4] =	ssyncset.done $0x0  }
0x190: {  	[sflag:s4] =	ssyncadd.s32 $0xFFFFD000  }
0x191: {  	[tilespmem:s9], [sflag:$0x2] =	stream.indirect.gather [spmem:s2], $0x80, s19, s10, $0xb8;
	[tilespmem:$0x7680] =	vst v63  }
0x192: {  	_ =	swait.ge [sflag:s7], $0x3000  }
0x193: {  	[sflag:s7] =	ssyncset.done $0x0  }
0x194: {  	s24 =	rddreg [dreg:$0xe];
	[sflag:s7] =	ssyncadd.s32 $0xFFFFD000  }
0x195: {  	[hbm4b:s24+s1] =	stream.linear.scatter [tilespmem:s6], [sflag:$0x3], $0x3000, $0x38;
	[tilespmem:$0x7680] =	vst v63  }
0x196: {  	_ =	swait.ge [sflag:s4], $0x3000  }
0x197: {  	[sflag:s4] =	ssyncset.done $0x0  }
0x198: {  	[sflag:s4] =	ssyncadd.s32 $0xFFFFD000  }
0x199: {  	[tilespmem:s6], [sflag:$0x1] =	stream.indirect.gather [spmem:s2], $0x80, s18, s10, $0xb8;
	[tilespmem:$0x7680] =	vst v63  }
0x19a: {  	_ =	swait.ge [sflag:s11], $0x3000  }
0x19b: {  	[sflag:s11] =	ssyncset.done $0x0  }
0x19c: {  	s25 =	rddreg [dreg:$0xf];
	[sflag:s11] =	ssyncadd.s32 $0xFFFFD000  }
0x19d: {  	[hbm4b:s25+s1] =	stream.linear.scatter [tilespmem:s9], [sflag:$0x3], $0x3000, $0x38;
	[tilespmem:$0x7680] =	vst v63  }
0x19e: {  	_ =	swait.ge [sflag:s4], $0x3000  }
0x19f: {  	[sflag:s4] =	ssyncset.done $0x0  }
0x1a0: {  	[sflag:s4] =	ssyncadd.s32 $0xFFFFD000  }
0x1a1: {  	[tilespmem:s9], [sflag:$0x2] =	stream.indirect.gather [spmem:s2], $0x80, s17, s10, $0xb8;
	[tilespmem:$0x7680] =	vst v63  }
0x1a2: {  	_ =	swait.ge [sflag:s7], $0x3000  }
0x1a3: {  	[sflag:s7] =	ssyncset.done $0x0  }
0x1a4: {  	s26 =	rddreg [dreg:$0x10];
	[sflag:s7] =	ssyncadd.s32 $0xFFFFD000  }
0x1a5: {  	[hbm4b:s26+s1] =	stream.linear.scatter [tilespmem:s6], [sflag:$0x3], $0x3000, $0x38;
	[tilespmem:$0x7680] =	vst v63  }
0x1a6: {  	_ =	swait.ge [sflag:s4], $0x3000  }
0x1a7: {  	[sflag:s4] =	ssyncset.done $0x0  }
0x1a8: {  	[sflag:s4] =	ssyncadd.s32 $0xFFFFD000  }
0x1a9: {  	[tilespmem:s6], [sflag:$0x1] =	stream.indirect.gather [spmem:s2], $0x80, s16, s10, $0xb8;
	[tilespmem:$0x7680] =	vst v63  }
0x1aa: {  	_ =	swait.ge [sflag:s11], $0x3000  }
0x1ab: {  	[sflag:s11] =	ssyncset.done $0x0  }
0x1ac: {  	s28 =	rddreg [dreg:$0x11];
	[sflag:s11] =	ssyncadd.s32 $0xFFFFD000  }
0x1ad: {  	[hbm4b:s28+s1] =	stream.linear.scatter [tilespmem:s9], [sflag:$0x3], $0x3000, $0x38;
	[tilespmem:$0x7680] =	vst v63  }
0x1ae: {  	_ =	swait.ge [sflag:s4], $0x3000  }
0x1af: {  	[sflag:s4] =	ssyncset.done $0x0  }
0x1b0: {  	[sflag:s4] =	ssyncadd.s32 $0xFFFFD000  }
0x1b1: {  	[tilespmem:s9], [sflag:$0x2] =	stream.indirect.gather [spmem:s2], $0x80, s15, s10, $0xb8;
	[tilespmem:$0x7680] =	vst v63  }
0x1b2: {  	_ =	swait.ge [sflag:s7], $0x3000  }
0x1b3: {  	[sflag:s7] =	ssyncset.done $0x0  }
0x1b4: {  	s29 =	rddreg [dreg:$0x12];
	[sflag:s7] =	ssyncadd.s32 $0xFFFFD000  }
0x1b5: {  	[hbm4b:s29+s1] =	stream.linear.scatter [tilespmem:s6], [sflag:$0x3], $0x3000, $0x38;
	[tilespmem:$0x7680] =	vst v63  }
0x1b6: {  	_ =	swait.ge [sflag:s4], $0x3000  }
0x1b7: {  	[sflag:s4] =	ssyncset.done $0x0  }
0x1b8: {  	[sflag:s4] =	ssyncadd.s32 $0xFFFFD000  }
0x1b9: {  	[tilespmem:s6], [sflag:$0x1] =	stream.indirect.gather [spmem:s2], $0x80, s14, s10, $0xb8;
	[tilespmem:$0x7680] =	vst v63  }
0x1ba: {  	_ =	swait.ge [sflag:s11], $0x3000  }
0x1bb: {  	[sflag:s11] =	ssyncset.done $0x0  }
0x1bc: {  	s31 =	rddreg [dreg:$0x13];
	[sflag:s11] =	ssyncadd.s32 $0xFFFFD000  }
0x1bd: {  	[hbm4b:s31+s1] =	stream.linear.scatter [tilespmem:s9], [sflag:$0x3], $0x3000, $0x38;
	[tilespmem:$0x7680] =	vst v63  }
0x1be: {  	_ =	swait.ge [sflag:s4], $0x3000  }
0x1bf: {  	[sflag:s4] =	ssyncset.done $0x0  }
0x1c0: {  	[sflag:s4] =	ssyncadd.s32 $0xFFFFD000  }
0x1c1: {  	[tilespmem:s9], [sflag:$0x2] =	stream.indirect.gather [spmem:s2], $0x80, s13, s10, $0xb8;
	[tilespmem:$0x7680] =	vst v63  }
0x1c2: {  	_ =	swait.ge [sflag:s7], $0x3000  }
0x1c3: {  	[sflag:s7] =	ssyncset.done $0x0  }
0x1c4: {  	[sflag:s7] =	ssyncadd.s32 $0xFFFFD000  }
0x1c5: {  	[hbm4b:s8+s1] =	stream.linear.scatter [tilespmem:s6], [sflag:$0x3], $0x3000, $0x38;
	[tilespmem:$0x7680] =	vst v63  }
0x1c6: {  	_ =	swait.ge [sflag:s4], $0x3000  }
0x1c7: {  	[sflag:s4] =	ssyncset.done $0x0  }
0x1c8: {  	[sflag:s4] =	ssyncadd.s32 $0xFFFFD000  }
0x1c9: {  	[tilespmem:s6], [sflag:$0x1] =	stream.indirect.gather [spmem:s2], $0x80, s12, s10, $0xb8;
	[tilespmem:$0x7680] =	vst v63  }
0x1ca: {  	_ =	swait.ge [sflag:s11], $0x3000  }
0x1cb: {  	[sflag:s11] =	ssyncset.done $0x0  }
0x1cc: {  	[sflag:s11] =	ssyncadd.s32 $0xFFFFD000  }
0x1cd: {  	[hbm4b:s5+s1] =	stream.linear.scatter [tilespmem:s9], [sflag:$0x3], $0x3000, $0x38;
	[tilespmem:$0x7680] =	vst v63  }
0x1ce: {  	_ =	swait.ge [sflag:s4], $0x3000  }
0x1cf: {  	[sflag:s4] =	ssyncset.done $0x0  }
0x1d0: {  	[sflag:s4] =	ssyncadd.s32 $0xFFFFD000  }
0x1d1: {  	_ =	swait.ge [sflag:s7], $0x3000  }
0x1d2: {  	[sflag:s7] =	ssyncset.done $0x0  }
0x1d3: {  	[sflag:s7] =	ssyncadd.s32 $0xFFFFD000  }
0x1d4: {  	[hbm4b:s3+s1] =	stream.linear.scatter [tilespmem:s6], [sflag:$0x3], $0x3000, $0x38;
	[tilespmem:$0x7680] =	vst v63  }
0x1d5: {  	_ =	swait.ge [sflag:s4], $0x3000  }
0x1d6: {  	[sflag:s4] =	ssyncset.done $0x0  }
0x1d7: {  	[sflag:s4] =	ssyncadd.s32 $0xFFFFD000  }
0x1d8: {  	_ =	sfence.sel $0x180000  }
0x1d9: {  	[bflag:$0x0] =	sbarrier.arrive $0xFFFF  }
0x1da: {  	_ =	strace $0x90000047  }
0x1db: {  	s0 =	sadd.s32 @!p0 $0x100000, s30;
	[bflag:$0x2] =	sbarrier.arrive $0xFFFF  }
0x1dc: {  	[sflag:s0] =	ssyncadd.tile.s32 @!p0 $0x1;
	_ =	shalt  }
.LBB2_2:
.Ltmp3:
0x1dd: {  	(pc) =	sbr.rel .LBB2_5-.Ltmp3, $2  }
0x1de: {  	_ =	sdelay $0x2  }
0x1df: {  	s30 =	rddreg [dreg:$0x3]  }
.Lfunc_end2:
_tile_overlayer_lowered:
.L_overlay_start_2:
0x1e0: {  	(tag) =	ssettag $0x2  }
0x1e1: {  	s0 =	rddreg [dreg:$0x0];
	s2 =	stileid.u32  }
0x1e2: {  	s1 =	rddreg [dreg:$0x1];
	p0 =	sne.s32 s2, $0x0  }
0x1e3: {  	s3 =	rddreg [dreg:$0x2];
	[bflag:$0x3] =	sbarrier.arrive $0xFFFF;
	s2 =	simm.s32 @!p0 $0x1C03  }
0x1e4: {  	[timem:s3], [sflag:s2] =	dma.local @!p0 [hbm:s0], s1  }
0x1e5: {  	s0 =	simm.s32 @!p0 $0x3  }
0x1e6: {  	_ =	swait.ge @!p0 [sflag:s0], s1  }
0x1e7: {  	s1 =	ssub.s32 @!p0 $0x0, s1;
	[sflag:s0] =	ssyncset.done @!p0 $0x0  }
0x1e8: {  	[sflag:s0] =	ssyncadd.s32 @!p0 s1  }
0x1e9: {  	[bflag:$0x3] =	sbarrier.arrive $0xFFFF  }
0x1ea: {  	_ =	shalt  }

</sc_bundles>
